<compile_context>
chip_gen: v7x
topology: tpu7x:2x2x1
jax: 0.10.2.dev20260603
libtpu: 0.0.44.dev20260713+nightly
codegen_flags: <defaults>
</compile_context>

<pallas_src>
import functools
import math

import jax
import jax.numpy as jnp
from jax import lax
from jax.experimental import pallas as pl
from jax.experimental.pallas import tpu as pltpu
from jax.experimental.pallas import tpu_sc as plsc

N = 2048
E = 65536
D = 256
HID = 256
HEADS = 4
DH = HID // HEADS
FF = 2048
LAYERS = 2

BD = 512
GRID = N // BD

WROWS = 64
QUART = N // 4
EDGE_CHUNK = 16384
LANES = 16



def _count_body(src_hbm, dst_hbm, zeros_hbm, out_hbm,
                svm0, dvm0, svm1, dvm1, cbuf, sem0, sem1):
    wid = lax.axis_index("s") * 2 + lax.axis_index("c")
    lo = wid * WROWS
    bufs = [(svm0, dvm0, sem0), (svm1, dvm1, sem1)]
    nch = E // EDGE_CHUNK

    def issue(c):
        sv, dv, sem = bufs[c % 2]
        h1 = pltpu.async_copy(src_hbm.at[pl.ds(c * EDGE_CHUNK, EDGE_CHUNK)],
                              sv, sem)
        h2 = pltpu.async_copy(dst_hbm.at[pl.ds(c * EDGE_CHUNK, EDGE_CHUNK)],
                              dv, sem)
        return h1, h2

    pending = issue(0)
    pltpu.sync_copy(zeros_hbm, cbuf)
    for c in range(nch):
        nxt = issue(c + 1) if c + 1 < nch else None
        for h in pending:
            h.wait()
        sv, dv, _ = bufs[c % 2]

        UNROLL = 8

        def _chunk_body(j, carry):
            base = j * (LANES * UNROLL)
            ds = [dv[pl.ds(base + u * LANES, LANES)] for u in range(UNROLL)]
            ss = [sv[pl.ds(base + u * LANES, LANES)] for u in range(UNROLL)]
            rels = [d - lo for d in ds]
            masks = [(r >= 0) & (r < WROWS) for r in rels]
            cols = [s & (QUART - 1) for s in ss]
            vals = [jnp.full((LANES,), 1, jnp.int32)
                    << ((s >> 9) << 3) for s in ss]
            for u in range(UNROLL):
                plsc.addupdate_scatter(cbuf, [rels[u], cols[u]], vals[u],
                                       mask=masks[u])
            return carry

        lax.fori_loop(0, EDGE_CHUNK // (LANES * UNROLL), _chunk_body, 0)
        pending = nxt

    pltpu.sync_copy(cbuf, out_hbm.at[pl.ds(lo, WROWS)])


@functools.cache
def _count_call():
    return functools.partial(
        pl.kernel,
        out_type=jax.ShapeDtypeStruct((N, QUART), jnp.int32),
        mesh=plsc.VectorSubcoreMesh(core_axis_name="c", subcore_axis_name="s"),
        compiler_params=pltpu.CompilerParams(needs_layout_passes=False),
        scratch_types=[
            pltpu.VMEM((EDGE_CHUNK,), jnp.int32),
            pltpu.VMEM((EDGE_CHUNK,), jnp.int32),
            pltpu.VMEM((EDGE_CHUNK,), jnp.int32),
            pltpu.VMEM((EDGE_CHUNK,), jnp.int32),
            pltpu.VMEM((WROWS, QUART), jnp.int32),
            pltpu.SemaphoreType.DMA,
            pltpu.SemaphoreType.DMA,
        ],
    )(_count_body)



def _proj_core(x, w_ref, asrc_ref, adst_ref, h_ref, esT_ref, ed_ref, es_ref):
    hb = jnp.dot(x, w_ref[...], preferred_element_type=jnp.float32)
    h_ref[...] = hb
    ed_ref[...] = jnp.dot(hb, adst_ref[...], preferred_element_type=jnp.float32)
    es_ref[...] = jnp.dot(hb, asrc_ref[...], preferred_element_type=jnp.float32)
    esT_ref[...] = lax.dot_general(
        asrc_ref[...], hb, (((0,), (1,)), ((), ())),
        preferred_element_type=jnp.float32)


def _proj0_body(x_ref, w_ref, asrc_ref, adst_ref, t_ref, ft_ref, role_ref,
                ca_ref, ef_ref, as3_ref, h_ref, esT_ref, ed_ref, es_ref,
                enc_ref):
    _proj_core(x_ref[...], w_ref, asrc_ref, adst_ref,
               h_ref, esT_ref, ed_ref, es_ref)
    t = t_ref[...]
    ft = ft_ref[0, 0]
    ki = lax.broadcasted_iota(jnp.int32, (BD, HID), 1)
    kf = ki.astype(jnp.float32)
    keven = (ki % 2) == 0
    denom_inv = jnp.exp(kf * (-2.0 * math.log(10000.0) / HID))
    ang = t * denom_inv
    pos = jnp.where(keven, jnp.sin(ang), jnp.cos(ang))
    rc = jnp.clip(role_ref[...], 0, 2)
    renc = jnp.where(rc == 0, ca_ref[...],
                     jnp.where(rc == 1, ef_ref[...], as3_ref[...]))
    enc_ref[...] = (jnp.maximum(t, 0.0) + jnp.maximum(t - ft, 0.0)
                    + pos + renc)


_proj0_call = pl.pallas_call(
    _proj0_body,
    grid=(GRID,),
    in_specs=[
        pl.BlockSpec((BD, HID), lambda i: (i, 0)),
        pl.BlockSpec((HID, HEADS * HID), lambda i: (0, 0)),
        pl.BlockSpec((HEADS * HID, 128), lambda i: (0, 0)),
        pl.BlockSpec((HEADS * HID, 128), lambda i: (0, 0)),
        pl.BlockSpec((BD, 1), lambda i: (i, 0)),
        pl.BlockSpec((1, 1), lambda i: (0, 0)),
        pl.BlockSpec((BD, 1), lambda i: (i, 0)),
        pl.BlockSpec((1, HID), lambda i: (0, 0)),
        pl.BlockSpec((1, HID), lambda i: (0, 0)),
        pl.BlockSpec((1, HID), lambda i: (0, 0)),
    ],
    out_specs=[
        pl.BlockSpec((BD, HEADS * HID), lambda i: (i, 0)),
        pl.BlockSpec((128, BD), lambda i: (0, i)),
        pl.BlockSpec((BD, 128), lambda i: (i, 0)),
        pl.BlockSpec((BD, 128), lambda i: (i, 0)),
        pl.BlockSpec((BD, HID), lambda i: (i, 0)),
    ],
    out_shape=[
        jax.ShapeDtypeStruct((N, HEADS * HID), jnp.float32),
        jax.ShapeDtypeStruct((128, N), jnp.float32),
        jax.ShapeDtypeStruct((N, 128), jnp.float32),
        jax.ShapeDtypeStruct((N, 128), jnp.float32),
        jax.ShapeDtypeStruct((N, HID), jnp.float32),
    ],
)



def _gat_body(ed_ref, es_ref, esT_ref, c_ref, h_ref, b_ref, enc_ref,
              wqkv_ref, bqkv_ref, x1_ref, qkv_ref):
    i = pl.program_id(0)
    packed = c_ref[...]
    cnt = jnp.concatenate(
        [packed & 0xFF, (packed >> 8) & 0xFF, (packed >> 16) & 0xFF,
         lax.shift_right_logical(packed, 24)], axis=1).astype(jnp.float32)
    acc = jnp.zeros((BD, HID), jnp.float32)
    for hd in range(HEADS):
        ecol = ed_ref[:, hd:hd + 1]
        erow = esT_ref[hd:hd + 1, :]
        ea, ea2 = jnp.exp(ecol), jnp.exp(0.2 * ecol)
        eb, eb2 = jnp.exp(erow), jnp.exp(0.2 * erow)
        x_full = jnp.maximum(ea * eb, ea2 * eb2)
        p = cnt * x_full
        rs = jnp.sum(p, axis=1, keepdims=True)
        numer = jnp.dot(p, h_ref[:, hd * HID:(hd + 1) * HID],
                        preferred_element_type=jnp.float32)
        vd = ecol + es_ref[:, hd:hd + 1]
        w = jnp.exp(jnp.maximum(vd, 0.2 * vd))
        hrows = h_ref[pl.ds(i * BD, BD), pl.ds(hd * HID, HID)]
        acc = acc + (numer + w * hrows) / (rs + w)
    x1 = acc * (1.0 / HEADS) + b_ref[...] + enc_ref[...]
    x1_ref[...] = x1
    qkv_ref[...] = (jnp.dot(x1, wqkv_ref[...],
                            preferred_element_type=jnp.float32)
                    + bqkv_ref[...])


_gat_call = pl.pallas_call(
    _gat_body,
    grid=(GRID,),
    in_specs=[
        pl.BlockSpec((BD, 128), lambda i: (i, 0)),
        pl.BlockSpec((BD, 128), lambda i: (i, 0)),
        pl.BlockSpec((128, N), lambda i: (0, 0)),
        pl.BlockSpec((BD, QUART), lambda i: (i, 0)),
        pl.BlockSpec((N, HEADS * HID), lambda i: (0, 0)),
        pl.BlockSpec((1, HID), lambda i: (0, 0)),
        pl.BlockSpec((BD, HID), lambda i: (i, 0)),
        pl.BlockSpec((HID, 3 * HID), lambda i: (0, 0)),
        pl.BlockSpec((1, 3 * HID), lambda i: (0, 0)),
    ],
    out_specs=[
        pl.BlockSpec((BD, HID), lambda i: (i, 0)),
        pl.BlockSpec((BD, 3 * HID), lambda i: (i, 0)),
    ],
    out_shape=[
        jax.ShapeDtypeStruct((N, HID), jnp.float32),
        jax.ShapeDtypeStruct((N, 3 * HID), jnp.float32),
    ],
)



def _layer_norm(y, g, b):
    mu = jnp.mean(y, axis=1, keepdims=True)
    var = jnp.mean((y - mu) ** 2, axis=1, keepdims=True)
    return (y - mu) * lax.rsqrt(var + 1e-5) * g + b


def _make_mha_ff_body(with_proj):
    def body(kv_ref, x_ref, wo_ref, bo_ref, g1_ref, c1_ref,
             w1_ref, b1_ref, w2_ref, b2_ref, g2_ref, c2_ref, *rest):
        i = pl.program_id(0)
        outs = []
        for hd in range(HEADS):
            q = kv_ref[pl.ds(i * BD, BD), pl.ds(hd * DH, DH)]
            k = kv_ref[:, HID + hd * DH:HID + (hd + 1) * DH]
            v = kv_ref[:, 2 * HID + hd * DH:2 * HID + (hd + 1) * DH]
            s = lax.dot_general(q, k, (((1,), (1,)), ((), ())),
                                preferred_element_type=jnp.float32)
            m = jnp.max(s, axis=1, keepdims=True)
            p = jnp.exp(s - m)
            o = jnp.dot(p, v, preferred_element_type=jnp.float32)
            outs.append(o / jnp.sum(p, axis=1, keepdims=True))
        o = jnp.concatenate(outs, axis=1)
        a = (jnp.dot(o, wo_ref[...], preferred_element_type=jnp.float32)
             + bo_ref[...])
        y = _layer_norm(x_ref[...] + a, g1_ref[...], c1_ref[...])
        t = jnp.maximum(
            jnp.dot(y, w1_ref[...], preferred_element_type=jnp.float32)
            + b1_ref[...], 0.0)
        f = (jnp.dot(t, w2_ref[...], preferred_element_type=jnp.float32)
             + b2_ref[...])
        z = _layer_norm(y + f, g2_ref[...], c2_ref[...])
        if with_proj:
            (wg_ref, asrc_ref, adst_ref, x2_ref,
             h_ref, esT_ref, ed_ref, es_ref) = rest
            x2_ref[...] = z
            _proj_core(z, wg_ref, asrc_ref, adst_ref,
                       h_ref, esT_ref, ed_ref, es_ref)
        else:
            (x2_ref,) = rest
            x2_ref[...] = z
    return body


_COMMON_IN = [
    pl.BlockSpec((N, 3 * HID), lambda i: (0, 0)),
    pl.BlockSpec((BD, HID), lambda i: (i, 0)),
    pl.BlockSpec((HID, HID), lambda i: (0, 0)),
    pl.BlockSpec((1, HID), lambda i: (0, 0)),
    pl.BlockSpec((1, HID), lambda i: (0, 0)),
    pl.BlockSpec((1, HID), lambda i: (0, 0)),
    pl.BlockSpec((HID, FF), lambda i: (0, 0)),
    pl.BlockSpec((1, FF), lambda i: (0, 0)),
    pl.BlockSpec((FF, HID), lambda i: (0, 0)),
    pl.BlockSpec((1, HID), lambda i: (0, 0)),
    pl.BlockSpec((1, HID), lambda i: (0, 0)),
    pl.BlockSpec((1, HID), lambda i: (0, 0)),
]

_mha_ff_proj_call = pl.pallas_call(
    _make_mha_ff_body(True),
    grid=(GRID,),
    in_specs=_COMMON_IN + [
        pl.BlockSpec((HID, HEADS * HID), lambda i: (0, 0)),
        pl.BlockSpec((HEADS * HID, 128), lambda i: (0, 0)),
        pl.BlockSpec((HEADS * HID, 128), lambda i: (0, 0)),
    ],
    out_specs=[
        pl.BlockSpec((BD, HID), lambda i: (i, 0)),
        pl.BlockSpec((BD, HEADS * HID), lambda i: (i, 0)),
        pl.BlockSpec((128, BD), lambda i: (0, i)),
        pl.BlockSpec((BD, 128), lambda i: (i, 0)),
        pl.BlockSpec((BD, 128), lambda i: (i, 0)),
    ],
    out_shape=[
        jax.ShapeDtypeStruct((N, HID), jnp.float32),
        jax.ShapeDtypeStruct((N, HEADS * HID), jnp.float32),
        jax.ShapeDtypeStruct((128, N), jnp.float32),
        jax.ShapeDtypeStruct((N, 128), jnp.float32),
        jax.ShapeDtypeStruct((N, 128), jnp.float32),
    ],
)

_mha_ff_call = pl.pallas_call(
    _make_mha_ff_body(False),
    grid=(GRID,),
    in_specs=_COMMON_IN,
    out_specs=[pl.BlockSpec((BD, HID), lambda i: (i, 0))],
    out_shape=[jax.ShapeDtypeStruct((N, HID), jnp.float32)],
)


def _blockdiag(a):
    eye = jnp.eye(HEADS, 128, dtype=a.dtype)
    return (a[:, :, None] * eye[:, None, :]).reshape(HEADS * HID, 128)


def kernel(x, edge_index, timestamps, first_timestamp, event_roles, params):
    src = edge_index[0]
    dst = edge_index[1]
    zeros_tile = jnp.zeros((WROWS, QUART), jnp.int32)
    c_mat = _count_call()(src, dst, zeros_tile)

    def wqkv_b(i):
        sc = 1.0 / math.sqrt(DH)
        w = jnp.concatenate([params[f'Wq{i}'] * sc, params[f'Wk{i}'],
                             params[f'Wv{i}']], axis=1)
        b = jnp.concatenate([params[f'bq{i}'] * sc, params[f'bk{i}'],
                             params[f'bv{i}']])[None]
        return w, b

    h, esT, ed, es, enc = _proj0_call(
        x, params['W_gat0'], _blockdiag(params['a_src0']),
        _blockdiag(params['a_dst0']), timestamps[:, None],
        first_timestamp[:, None], event_roles[:, None],
        params['cause'][None], params['effect'][None], params['assoc'][None])

    xcur = None
    for i in range(LAYERS):
        wq, bq = wqkv_b(i)
        x1, qkv = _gat_call(ed, es, esT, c_mat, h, params[f'b_gat{i}'][None],
                            enc, wq, bq)
        common = (qkv, x1, params[f'Wo{i}'], params[f'bo{i}'][None],
                  params[f'ln1_g{i}'][None], params[f'ln1_b{i}'][None],
                  params[f'W1{i}'], params[f'b1{i}'][None], params[f'W2{i}'],
                  params[f'b2{i}'][None], params[f'ln2_g{i}'][None],
                  params[f'ln2_b{i}'][None])
        if i + 1 < LAYERS:
            xcur, h, esT, ed, es = _mha_ff_proj_call(
                *common, params[f'W_gat{i + 1}'],
                _blockdiag(params[f'a_src{i + 1}']),
                _blockdiag(params[f'a_dst{i + 1}']))
        else:
            (xcur,) = _mha_ff_call(*common)
    return xcur

# --- scband reference (transcript-rebuilt; emitter-appended) ---
"""Pipeline reference for scband-hypergraph-transformer-60138132078858 (READ-ONLY COPY).

The authoritative reference and input builder live on the scoring server;
editing this copy changes nothing except your own understanding.
"""

import jax, jax.numpy as jnp
import numpy as np

N = 2048
E = 65536
D = 256
HID = 256
HEADS = 4
DH = HID // HEADS
FF = 2048
LAYERS = 2

def _layer_norm(x, g, b):
    mu = jnp.mean(x, axis=-1, keepdims=True)
    var = jnp.mean((x - mu) ** 2, axis=-1, keepdims=True)
    return (x - mu) / jnp.sqrt(var + 1e-5) * g + b

def _temporal_encoding(timestamps, first_timestamp):
    n = timestamps.shape[0]
    abs_t = jax.nn.relu(jnp.broadcast_to(timestamps[:, None], (n, HID)))
    rel_t = jax.nn.relu(jnp.broadcast_to((timestamps - first_timestamp)[:, None], (n, HID)))
    k = jnp.arange(HID)
    denom = jnp.power(10000.0, 2.0 * k / HID)
    ang = timestamps[:, None] / denom[None, :]
    pos = jnp.where((k % 2 == 0)[None, :], jnp.sin(ang), jnp.cos(ang))
    return abs_t + rel_t + pos

def _relational_encoding(event_roles, cause, effect, assoc):
    table = jnp.stack([cause, effect, assoc], axis=0)
    idx = jnp.clip(event_roles, 0, 2)
    return jnp.take(table, idx, axis=0)

def _gat(x, src, dst, W, a_src, a_dst, b):
    n = x.shape[0]
    h = (x @ W).reshape(n, HEADS, HID)
    e_src = jnp.sum(h * a_src[None, :, :], axis=-1)
    e_dst = jnp.sum(h * a_dst[None, :, :], axis=-1)
    e = jax.nn.leaky_relu(e_src[src] + e_dst[dst], negative_slope=0.2)
    emax = jax.ops.segment_max(e, dst, num_segments=n)
    emax = jnp.where(jnp.isfinite(emax), emax, 0.0)
    ee = jnp.exp(e - emax[dst])
    denom = jax.ops.segment_sum(ee, dst, num_segments=n)
    alpha = ee / (denom[dst] + 1e-16)
    out = jax.ops.segment_sum(alpha[:, :, None] * h[src], dst, num_segments=n)
    return jnp.mean(out, axis=1) + b

def _mha(x, Wq, bq, Wk, bk, Wv, bv, Wo, bo):
    n = x.shape[0]
    q = (x @ Wq + bq).reshape(n, HEADS, DH).transpose(1, 0, 2)
    k = (x @ Wk + bk).reshape(n, HEADS, DH).transpose(1, 0, 2)
    v = (x @ Wv + bv).reshape(n, HEADS, DH).transpose(1, 0, 2)
    scores = jnp.einsum('hnd,hmd->hnm', q, k) / jnp.sqrt(jnp.float32(DH))
    attn = jax.nn.softmax(scores, axis=-1)
    o = jnp.einsum('hnm,hmd->hnd', attn, v)
    o = o.transpose(1, 0, 2).reshape(n, HID)
    return o @ Wo + bo

def _forward(x, timestamps, first_timestamp, params, src, dst, event_roles):
    P_t = _temporal_encoding(timestamps, first_timestamp[0])
    Rijk = _relational_encoding(event_roles, params['cause'], params['effect'], params['assoc'])
    for i in range(LAYERS):
        x = _gat(x, src, dst, params[f'W_gat{i}'], params[f'a_src{i}'], params[f'a_dst{i}'], params[f'b_gat{i}'])
        x = x + P_t + Rijk
        a = _mha(x, params[f'Wq{i}'], params[f'bq{i}'], params[f'Wk{i}'], params[f'bk{i}'], params[f'Wv{i}'], params[f'bv{i}'], params[f'Wo{i}'], params[f'bo{i}'])
        x = _layer_norm(x + a, params[f'ln1_g{i}'], params[f'ln1_b{i}'])
        ff = jax.nn.relu(x @ params[f'W1{i}'] + params[f'b1{i}']) @ params[f'W2{i}'] + params[f'b2{i}']
        x = _layer_norm(x + ff, params[f'ln2_g{i}'], params[f'ln2_b{i}'])
    return x

def setup_inputs(seed: int = 0):
    key = jax.random.key(seed)
    ks = jax.random.split(key, 80)
    x = jax.random.normal(ks[0], (N, D), dtype=jnp.float32)
    edge_index = jax.random.randint(ks[1], (2, E), 0, N, dtype=jnp.int32)
    timestamps = jax.random.uniform(ks[2], (N,), dtype=jnp.float32)
    first_timestamp = jax.random.uniform(ks[3], (1,), dtype=jnp.float32)
    event_roles = jax.random.randint(ks[4], (N,), 0, 3, dtype=jnp.int32)
    params = {}
    state = {'ki': 5}
    def nrm(shape, scale):
        k = ks[state['ki']]
        state['ki'] += 1
        return jax.random.normal(k, shape, dtype=jnp.float32) * scale
    for i in range(LAYERS):
        ind = D if i == 0 else HID
        params[f'W_gat{i}'] = nrm((ind, HEADS * HID), 1.0 / np.sqrt(ind))
        params[f'a_src{i}'] = nrm((HEADS, HID), 0.1)
        params[f'a_dst{i}'] = nrm((HEADS, HID), 0.1)
        params[f'b_gat{i}'] = jnp.zeros((HID,), dtype=jnp.float32)
        for nmW, nmb in (('Wq', 'bq'), ('Wk', 'bk'), ('Wv', 'bv'), ('Wo', 'bo')):
            params[f'{nmW}{i}'] = nrm((HID, HID), 1.0 / np.sqrt(HID))
            params[f'{nmb}{i}'] = jnp.zeros((HID,), dtype=jnp.float32)
        params[f'ln1_g{i}'] = jnp.ones((HID,), dtype=jnp.float32)
        params[f'ln1_b{i}'] = jnp.zeros((HID,), dtype=jnp.float32)
        params[f'ln2_g{i}'] = jnp.ones((HID,), dtype=jnp.float32)
        params[f'ln2_b{i}'] = jnp.zeros((HID,), dtype=jnp.float32)
        params[f'W1{i}'] = nrm((HID, FF), 1.0 / np.sqrt(HID))
        params[f'b1{i}'] = jnp.zeros((FF,), dtype=jnp.float32)
        params[f'W2{i}'] = nrm((FF, HID), 1.0 / np.sqrt(FF))
        params[f'b2{i}'] = jnp.zeros((HID,), dtype=jnp.float32)
    params['cause'] = nrm((HID,), 1.0)
    params['effect'] = nrm((HID,), 1.0)
    params['assoc'] = nrm((HID,), 1.0)
    return {'x': x, 'edge_index': edge_index, 'timestamps': timestamps, 'first_timestamp': first_timestamp, 'event_roles': event_roles, 'params': params}

def reference(x, edge_index, timestamps, first_timestamp, event_roles, params):
    loop = jnp.arange(x.shape[0], dtype=edge_index.dtype)
    src = jnp.concatenate([edge_index[0], loop])
    dst = jnp.concatenate([edge_index[1], loop])
    return _forward(x, timestamps, first_timestamp, params, src, dst, event_roles)

if __name__ == "__main__":
    import jax
    _d = setup_inputs()
    print(jax.jit(kernel)(*tuple(_d.values())))

</pallas_src>

<mosaic_0001>
#map = affine_map<(d0, d1) -> (0)>
#map1 = affine_map<(d0, d1) -> (0, 0)>
module attributes {stable_mosaic.version = 14 : i64} {
  func.func @_count_body(%arg0: i32, %arg1: i32, %arg2: memref<65536xi32, #tpu.memory_space<hbm>>, %arg3: memref<65536xi32, #tpu.memory_space<hbm>>, %arg4: memref<64x512xi32, #tpu.memory_space<hbm>>, %arg5: memref<2048x512xi32, #tpu.memory_space<hbm>>, %arg6: memref<16384xi32, #tpu.memory_space<vmem>>, %arg7: memref<16384xi32, #tpu.memory_space<vmem>>, %arg8: memref<16384xi32, #tpu.memory_space<vmem>>, %arg9: memref<16384xi32, #tpu.memory_space<vmem>>, %arg10: memref<64x512xi32, #tpu.memory_space<vmem>>, %arg11: memref<!tpu.dma_semaphore, #tpu.memory_space<semaphore_mem>>, %arg12: memref<!tpu.dma_semaphore, #tpu.memory_space<semaphore_mem>>) attributes {dimension_semantics = [#tpu.dimension_semantics<core_parallel>, #tpu.dimension_semantics<subcore_parallel>], iteration_bounds = array<i64: 2, 16>, scalar_prefetch = 0 : i64, scratch_operands = 7 : i64, tpu.core_type = #tpu.core_type<sc_vector_subcore>, window_params = [{transform_indices = #map}, {transform_indices = #map}, {transform_indices = #map1}, {transform_indices = #map1}]} {
    %mul3A = arith.constant 2 : i32
    %mul3A_0 = arith.muli %arg1, %mul3A : i32
    %add3A = arith.addi %mul3A_0, %arg0 : i32
    %mul3A_1 = arith.constant 64 : i32
    %mul3A_2 = arith.muli %add3A, %mul3A_1 : i32
    %dma_start3A = arith.constant 0 : i32
    %dma_start3A_3 = tpu.memref_slice %arg2[%dma_start3A] : memref<65536xi32, #tpu.memory_space<hbm>> -> memref<16384xi32, #tpu.memory_space<hbm>>
    %dma_start3A_4 = arith.constant 0 : i32
    %dma_start3A_5 = tpu.memref_slice %arg2[%dma_start3A_4] : memref<65536xi32, #tpu.memory_space<hbm>> -> memref<16384xi32, #tpu.memory_space<hbm>>
    tpu.enqueue_dma source(%dma_start3A_5 : memref<16384xi32, #tpu.memory_space<hbm>>) target(%arg6 : memref<16384xi32, #tpu.memory_space<vmem>>) target_semaphore(%arg11 : memref<!tpu.dma_semaphore, #tpu.memory_space<semaphore_mem>>)
    %dma_start3A_6 = arith.constant 0 : i32
    %dma_start3A_7 = tpu.memref_slice %arg3[%dma_start3A_6] : memref<65536xi32, #tpu.memory_space<hbm>> -> memref<16384xi32, #tpu.memory_space<hbm>>
    %dma_start3A_8 = arith.constant 0 : i32
    %dma_start3A_9 = tpu.memref_slice %arg3[%dma_start3A_8] : memref<65536xi32, #tpu.memory_space<hbm>> -> memref<16384xi32, #tpu.memory_space<hbm>>
    tpu.enqueue_dma source(%dma_start3A_9 : memref<16384xi32, #tpu.memory_space<hbm>>) target(%arg7 : memref<16384xi32, #tpu.memory_space<vmem>>) target_semaphore(%arg11 : memref<!tpu.dma_semaphore, #tpu.memory_space<semaphore_mem>>)
    "tpu.region"() ({
      %run_scoped3A = tpu.sem_alloc : memref<!tpu.dma_semaphore, #tpu.memory_space<semaphore_mem>>
      tpu.enqueue_dma source(%arg4 : memref<64x512xi32, #tpu.memory_space<hbm>>) target(%arg10 : memref<64x512xi32, #tpu.memory_space<vmem>>) target_semaphore(%run_scoped3A : memref<!tpu.dma_semaphore, #tpu.memory_space<semaphore_mem>>)
      tpu.wait_dma2 semaphore(%run_scoped3A : memref<!tpu.dma_semaphore, #tpu.memory_space<semaphore_mem>>) src(%arg4 : memref<64x512xi32, #tpu.memory_space<hbm>>) dst(%arg10 : memref<64x512xi32, #tpu.memory_space<vmem>>)
      tpu.yield
    }) : () -> ()
    %dma_start3A_10 = arith.constant 16384 : i32
    %dma_start3A_11 = tpu.memref_slice %arg2[%dma_start3A_10] : memref<65536xi32, #tpu.memory_space<hbm>> -> memref<16384xi32, #tpu.memory_space<hbm>>
    %dma_start3A_12 = arith.constant 16384 : i32
    %dma_start3A_13 = tpu.memref_slice %arg2[%dma_start3A_12] : memref<65536xi32, #tpu.memory_space<hbm>> -> memref<16384xi32, #tpu.memory_space<hbm>>
    tpu.enqueue_dma source(%dma_start3A_13 : memref<16384xi32, #tpu.memory_space<hbm>>) target(%arg8 : memref<16384xi32, #tpu.memory_space<vmem>>) target_semaphore(%arg12 : memref<!tpu.dma_semaphore, #tpu.memory_space<semaphore_mem>>)
    %dma_start3A_14 = arith.constant 16384 : i32
    %dma_start3A_15 = tpu.memref_slice %arg3[%dma_start3A_14] : memref<65536xi32, #tpu.memory_space<hbm>> -> memref<16384xi32, #tpu.memory_space<hbm>>
    %dma_start3A_16 = arith.constant 16384 : i32
    %dma_start3A_17 = tpu.memref_slice %arg3[%dma_start3A_16] : memref<65536xi32, #tpu.memory_space<hbm>> -> memref<16384xi32, #tpu.memory_space<hbm>>
    tpu.enqueue_dma source(%dma_start3A_17 : memref<16384xi32, #tpu.memory_space<hbm>>) target(%arg9 : memref<16384xi32, #tpu.memory_space<vmem>>) target_semaphore(%arg12 : memref<!tpu.dma_semaphore, #tpu.memory_space<semaphore_mem>>)
    %dma_wait3A = arith.constant 0 : i32
    %dma_wait3A_18 = tpu.memref_slice %arg2[%dma_wait3A] : memref<65536xi32, #tpu.memory_space<hbm>> -> memref<16384xi32, #tpu.memory_space<hbm>>
    %dma_wait3A_19 = arith.constant 0 : i32
    %dma_wait3A_20 = tpu.memref_slice %arg2[%dma_wait3A_19] : memref<65536xi32, #tpu.memory_space<hbm>> -> memref<16384xi32, #tpu.memory_space<hbm>>
    tpu.wait_dma2 semaphore(%arg11 : memref<!tpu.dma_semaphore, #tpu.memory_space<semaphore_mem>>) src(%dma_wait3A_20 : memref<16384xi32, #tpu.memory_space<hbm>>) dst(%arg6 : memref<16384xi32, #tpu.memory_space<vmem>>)
    %dma_wait3A_21 = arith.constant 0 : i32
    %dma_wait3A_22 = tpu.memref_slice %arg3[%dma_wait3A_21] : memref<65536xi32, #tpu.memory_space<hbm>> -> memref<16384xi32, #tpu.memory_space<hbm>>
    %dma_wait3A_23 = arith.constant 0 : i32
    %dma_wait3A_24 = tpu.memref_slice %arg3[%dma_wait3A_23] : memref<65536xi32, #tpu.memory_space<hbm>> -> memref<16384xi32, #tpu.memory_space<hbm>>
    tpu.wait_dma2 semaphore(%arg11 : memref<!tpu.dma_semaphore, #tpu.memory_space<semaphore_mem>>) src(%dma_wait3A_24 : memref<16384xi32, #tpu.memory_space<hbm>>) dst(%arg7 : memref<16384xi32, #tpu.memory_space<vmem>>)
    %scan3A = arith.constant 0 : i32
    %scan3A_25 = arith.constant 0 : i32
    %scan3A_26 = arith.constant 128 : i32
    %scan3A_27 = arith.addi %scan3A_25, %scan3A_26 : i32
    %scan3A_28 = arith.constant 1 : i32
    scf.for %scan3A_88 = %scan3A_25 to %scan3A_27 step %scan3A_28  : i32 {
      %mul3A_89 = arith.constant 128 : i32
      %mul3A_90 = arith.muli %scan3A_88, %mul3A_89 : i32
      %add3A_91 = arith.constant 0 : i32
      %add3A_92 = arith.addi %mul3A_90, %add3A_91 : i32
      %get3A = arith.index_cast %add3A_92 : i32 to index
      %get3A_93 = tpu.vector_load %arg7[%get3A] {strides = array<i32>} : memref<16384xi32, #tpu.memory_space<vmem>>, vector<16xi32>,
      %add3A_94 = arith.constant 16 : i32
      %add3A_95 = arith.addi %mul3A_90, %add3A_94 : i32
      %get3A_96 = arith.index_cast %add3A_95 : i32 to index
      %get3A_97 = tpu.vector_load %arg7[%get3A_96] {strides = array<i32>} : memref<16384xi32, #tpu.memory_space<vmem>>, vector<16xi32>,
      %add3A_98 = arith.constant 32 : i32
      %add3A_99 = arith.addi %mul3A_90, %add3A_98 : i32
      %get3A_100 = arith.index_cast %add3A_99 : i32 to index
      %get3A_101 = tpu.vector_load %arg7[%get3A_100] {strides = array<i32>} : memref<16384xi32, #tpu.memory_space<vmem>>, vector<16xi32>,
      %add3A_102 = arith.constant 48 : i32
      %add3A_103 = arith.addi %mul3A_90, %add3A_102 : i32
      %get3A_104 = arith.index_cast %add3A_103 : i32 to index
      %get3A_105 = tpu.vector_load %arg7[%get3A_104] {strides = array<i32>} : memref<16384xi32, #tpu.memory_space<vmem>>, vector<16xi32>,
      %add3A_106 = arith.constant 64 : i32
      %add3A_107 = arith.addi %mul3A_90, %add3A_106 : i32
      %get3A_108 = arith.index_cast %add3A_107 : i32 to index
      %get3A_109 = tpu.vector_load %arg7[%get3A_108] {strides = array<i32>} : memref<16384xi32, #tpu.memory_space<vmem>>, vector<16xi32>,
      %add3A_110 = arith.constant 80 : i32
      %add3A_111 = arith.addi %mul3A_90, %add3A_110 : i32
      %get3A_112 = arith.index_cast %add3A_111 : i32 to index
      %get3A_113 = tpu.vector_load %arg7[%get3A_112] {strides = array<i32>} : memref<16384xi32, #tpu.memory_space<vmem>>, vector<16xi32>,
      %add3A_114 = arith.constant 96 : i32
      %add3A_115 = arith.addi %mul3A_90, %add3A_114 : i32
      %get3A_116 = arith.index_cast %add3A_115 : i32 to index
      %get3A_117 = tpu.vector_load %arg7[%get3A_116] {strides = array<i32>} : memref<16384xi32, #tpu.memory_space<vmem>>, vector<16xi32>,
      %add3A_118 = arith.constant 112 : i32
      %add3A_119 = arith.addi %mul3A_90, %add3A_118 : i32
      %get3A_120 = arith.index_cast %add3A_119 : i32 to index
      %get3A_121 = tpu.vector_load %arg7[%get3A_120] {strides = array<i32>} : memref<16384xi32, #tpu.memory_space<vmem>>, vector<16xi32>,
      %add3A_122 = arith.constant 0 : i32
      %add3A_123 = arith.addi %mul3A_90, %add3A_122 : i32
      %get3A_124 = arith.index_cast %add3A_123 : i32 to index
      %get3A_125 = tpu.vector_load %arg6[%get3A_124] {strides = array<i32>} : memref<16384xi32, #tpu.memory_space<vmem>>, vector<16xi32>,
      %add3A_126 = arith.constant 16 : i32
      %add3A_127 = arith.addi %mul3A_90, %add3A_126 : i32
      %get3A_128 = arith.index_cast %add3A_127 : i32 to index
      %get3A_129 = tpu.vector_load %arg6[%get3A_128] {strides = array<i32>} : memref<16384xi32, #tpu.memory_space<vmem>>, vector<16xi32>,
      %add3A_130 = arith.constant 32 : i32
      %add3A_131 = arith.addi %mul3A_90, %add3A_130 : i32
      %get3A_132 = arith.index_cast %add3A_131 : i32 to index
      %get3A_133 = tpu.vector_load %arg6[%get3A_132] {strides = array<i32>} : memref<16384xi32, #tpu.memory_space<vmem>>, vector<16xi32>,
      %add3A_134 = arith.constant 48 : i32
      %add3A_135 = arith.addi %mul3A_90, %add3A_134 : i32
      %get3A_136 = arith.index_cast %add3A_135 : i32 to index
      %get3A_137 = tpu.vector_load %arg6[%get3A_136] {strides = array<i32>} : memref<16384xi32, #tpu.memory_space<vmem>>, vector<16xi32>,
      %add3A_138 = arith.constant 64 : i32
      %add3A_139 = arith.addi %mul3A_90, %add3A_138 : i32
      %get3A_140 = arith.index_cast %add3A_139 : i32 to index
      %get3A_141 = tpu.vector_load %arg6[%get3A_140] {strides = array<i32>} : memref<16384xi32, #tpu.memory_space<vmem>>, vector<16xi32>,
      %add3A_142 = arith.constant 80 : i32
      %add3A_143 = arith.addi %mul3A_90, %add3A_142 : i32
      %get3A_144 = arith.index_cast %add3A_143 : i32 to index
      %get3A_145 = tpu.vector_load %arg6[%get3A_144] {strides = array<i32>} : memref<16384xi32, #tpu.memory_space<vmem>>, vector<16xi32>,
      %add3A_146 = arith.constant 96 : i32
      %add3A_147 = arith.addi %mul3A_90, %add3A_146 : i32
      %get3A_148 = arith.index_cast %add3A_147 : i32 to index
      %get3A_149 = tpu.vector_load %arg6[%get3A_148] {strides = array<i32>} : memref<16384xi32, #tpu.memory_space<vmem>>, vector<16xi32>,
      %add3A_150 = arith.constant 112 : i32
      %add3A_151 = arith.addi %mul3A_90, %add3A_150 : i32
      %get3A_152 = arith.index_cast %add3A_151 : i32 to index
      %get3A_153 = tpu.vector_load %arg6[%get3A_152] {strides = array<i32>} : memref<16384xi32, #tpu.memory_space<vmem>>, vector<16xi32>,
      %sub3A = vector.broadcast %mul3A_2 : i32 to vector<16xi32>
      %sub3A_154 = arith.subi %get3A_93, %sub3A : vector<16xi32>
      %sub3A_155 = vector.broadcast %mul3A_2 : i32 to vector<16xi32>
      %sub3A_156 = arith.subi %get3A_97, %sub3A_155 : vector<16xi32>
      %sub3A_157 = vector.broadcast %mul3A_2 : i32 to vector<16xi32>
      %sub3A_158 = arith.subi %get3A_101, %sub3A_157 : vector<16xi32>
      %sub3A_159 = vector.broadcast %mul3A_2 : i32 to vector<16xi32>
      %sub3A_160 = arith.subi %get3A_105, %sub3A_159 : vector<16xi32>
      %sub3A_161 = vector.broadcast %mul3A_2 : i32 to vector<16xi32>
      %sub3A_162 = arith.subi %get3A_109, %sub3A_161 : vector<16xi32>
      %sub3A_163 = vector.broadcast %mul3A_2 : i32 to vector<16xi32>
      %sub3A_164 = arith.subi %get3A_113, %sub3A_163 : vector<16xi32>
      %sub3A_165 = vector.broadcast %mul3A_2 : i32 to vector<16xi32>
      %sub3A_166 = arith.subi %get3A_117, %sub3A_165 : vector<16xi32>
      %sub3A_167 = vector.broadcast %mul3A_2 : i32 to vector<16xi32>
      %sub3A_168 = arith.subi %get3A_121, %sub3A_167 : vector<16xi32>
      %ge3A = arith.constant 0 : i32
      %ge3A_169 = vector.broadcast %ge3A : i32 to vector<16xi32>
      %ge3A_170 = arith.cmpi sge, %sub3A_154, %ge3A_169 : vector<16xi32>
      %lt3A = arith.constant 64 : i32
      %lt3A_171 = vector.broadcast %lt3A : i32 to vector<16xi32>
      %lt3A_172 = arith.cmpi slt, %sub3A_154, %lt3A_171 : vector<16xi32>
      %and3A = arith.andi %ge3A_170, %lt3A_172 : vector<16xi1>
      %ge3A_173 = arith.constant 0 : i32
      %ge3A_174 = vector.broadcast %ge3A_173 : i32 to vector<16xi32>
      %ge3A_175 = arith.cmpi sge, %sub3A_156, %ge3A_174 : vector<16xi32>
      %lt3A_176 = arith.constant 64 : i32
      %lt3A_177 = vector.broadcast %lt3A_176 : i32 to vector<16xi32>
      %lt3A_178 = arith.cmpi slt, %sub3A_156, %lt3A_177 : vector<16xi32>
      %and3A_179 = arith.andi %ge3A_175, %lt3A_178 : vector<16xi1>
      %ge3A_180 = arith.constant 0 : i32
      %ge3A_181 = vector.broadcast %ge3A_180 : i32 to vector<16xi32>
      %ge3A_182 = arith.cmpi sge, %sub3A_158, %ge3A_181 : vector<16xi32>
      %lt3A_183 = arith.constant 64 : i32
      %lt3A_184 = vector.broadcast %lt3A_183 : i32 to vector<16xi32>
      %lt3A_185 = arith.cmpi slt, %sub3A_158, %lt3A_184 : vector<16xi32>
      %and3A_186 = arith.andi %ge3A_182, %lt3A_185 : vector<16xi1>
      %ge3A_187 = arith.constant 0 : i32
      %ge3A_188 = vector.broadcast %ge3A_187 : i32 to vector<16xi32>
      %ge3A_189 = arith.cmpi sge, %sub3A_160, %ge3A_188 : vector<16xi32>
      %lt3A_190 = arith.constant 64 : i32
      %lt3A_191 = vector.broadcast %lt3A_190 : i32 to vector<16xi32>
      %lt3A_192 = arith.cmpi slt, %sub3A_160, %lt3A_191 : vector<16xi32>
      %and3A_193 = arith.andi %ge3A_189, %lt3A_192 : vector<16xi1>
      %ge3A_194 = arith.constant 0 : i32
      %ge3A_195 = vector.broadcast %ge3A_194 : i32 to vector<16xi32>
      %ge3A_196 = arith.cmpi sge, %sub3A_162, %ge3A_195 : vector<16xi32>
      %lt3A_197 = arith.constant 64 : i32
      %lt3A_198 = vector.broadcast %lt3A_197 : i32 to vector<16xi32>
      %lt3A_199 = arith.cmpi slt, %sub3A_162, %lt3A_198 : vector<16xi32>
      %and3A_200 = arith.andi %ge3A_196, %lt3A_199 : vector<16xi1>
      %ge3A_201 = arith.constant 0 : i32
      %ge3A_202 = vector.broadcast %ge3A_201 : i32 to vector<16xi32>
      %ge3A_203 = arith.cmpi sge, %sub3A_164, %ge3A_202 : vector<16xi32>
      %lt3A_204 = arith.constant 64 : i32
      %lt3A_205 = vector.broadcast %lt3A_204 : i32 to vector<16xi32>
      %lt3A_206 = arith.cmpi slt, %sub3A_164, %lt3A_205 : vector<16xi32>
      %and3A_207 = arith.andi %ge3A_203, %lt3A_206 : vector<16xi1>
      %ge3A_208 = arith.constant 0 : i32
      %ge3A_209 = vector.broadcast %ge3A_208 : i32 to vector<16xi32>
      %ge3A_210 = arith.cmpi sge, %sub3A_166, %ge3A_209 : vector<16xi32>
      %lt3A_211 = arith.constant 64 : i32
      %lt3A_212 = vector.broadcast %lt3A_211 : i32 to vector<16xi32>
      %lt3A_213 = arith.cmpi slt, %sub3A_166, %lt3A_212 : vector<16xi32>
      %and3A_214 = arith.andi %ge3A_210, %lt3A_213 : vector<16xi1>
      %ge3A_215 = arith.constant 0 : i32
      %ge3A_216 = vector.broadcast %ge3A_215 : i32 to vector<16xi32>
      %ge3A_217 = arith.cmpi sge, %sub3A_168, %ge3A_216 : vector<16xi32>
      %lt3A_218 = arith.constant 64 : i32
      %lt3A_219 = vector.broadcast %lt3A_218 : i32 to vector<16xi32>
      %lt3A_220 = arith.cmpi slt, %sub3A_168, %lt3A_219 : vector<16xi32>
      %and3A_221 = arith.andi %ge3A_217, %lt3A_220 : vector<16xi1>
      %and3A_222 = arith.constant 511 : i32
      %and3A_223 = vector.broadcast %and3A_222 : i32 to vector<16xi32>
      %and3A_224 = arith.andi %get3A_125, %and3A_223 : vector<16xi32>
      %and3A_225 = arith.constant 511 : i32
      %and3A_226 = vector.broadcast %and3A_225 : i32 to vector<16xi32>
      %and3A_227 = arith.andi %get3A_129, %and3A_226 : vector<16xi32>
      %and3A_228 = arith.constant 511 : i32
      %and3A_229 = vector.broadcast %and3A_228 : i32 to vector<16xi32>
      %and3A_230 = arith.andi %get3A_133, %and3A_229 : vector<16xi32>
      %and3A_231 = arith.constant 511 : i32
      %and3A_232 = vector.broadcast %and3A_231 : i32 to vector<16xi32>
      %and3A_233 = arith.andi %get3A_137, %and3A_232 : vector<16xi32>
      %and3A_234 = arith.constant 511 : i32
      %and3A_235 = vector.broadcast %and3A_234 : i32 to vector<16xi32>
      %and3A_236 = arith.andi %get3A_141, %and3A_235 : vector<16xi32>
      %and3A_237 = arith.constant 511 : i32
      %and3A_238 = vector.broadcast %and3A_237 : i32 to vector<16xi32>
      %and3A_239 = arith.andi %get3A_145, %and3A_238 : vector<16xi32>
      %and3A_240 = arith.constant 511 : i32
      %and3A_241 = vector.broadcast %and3A_240 : i32 to vector<16xi32>
      %and3A_242 = arith.andi %get3A_149, %and3A_241 : vector<16xi32>
      %and3A_243 = arith.constant 511 : i32
      %and3A_244 = vector.broadcast %and3A_243 : i32 to vector<16xi32>
      %and3A_245 = arith.andi %get3A_153, %and3A_244 : vector<16xi32>
      %broadcast_in_dim3A = arith.constant 1 : i32
      %broadcast_in_dim3A_246 = vector.broadcast %broadcast_in_dim3A : i32 to vector<16xi32>
      %shift_right_arithmetic3A = arith.constant 9 : i32
      %shift_right_arithmetic3A_247 = vector.broadcast %shift_right_arithmetic3A : i32 to vector<16xi32>
      %shift_right_arithmetic3A_248 = arith.shrsi %get3A_125, %shift_right_arithmetic3A_247 : vector<16xi32>
      %shift_left3A = arith.constant 3 : i32
      %shift_left3A_249 = vector.broadcast %shift_left3A : i32 to vector<16xi32>
      %shift_left3A_250 = arith.shli %shift_right_arithmetic3A_248, %shift_left3A_249 : vector<16xi32>
      %shift_left3A_251 = arith.shli %broadcast_in_dim3A_246, %shift_left3A_250 : vector<16xi32>
      %broadcast_in_dim3A_252 = arith.constant 1 : i32
      %broadcast_in_dim3A_253 = vector.broadcast %broadcast_in_dim3A_252 : i32 to vector<16xi32>
      %shift_right_arithmetic3A_254 = arith.constant 9 : i32
      %shift_right_arithmetic3A_255 = vector.broadcast %shift_right_arithmetic3A_254 : i32 to vector<16xi32>
      %shift_right_arithmetic3A_256 = arith.shrsi %get3A_129, %shift_right_arithmetic3A_255 : vector<16xi32>
      %shift_left3A_257 = arith.constant 3 : i32
      %shift_left3A_258 = vector.broadcast %shift_left3A_257 : i32 to vector<16xi32>
      %shift_left3A_259 = arith.shli %shift_right_arithmetic3A_256, %shift_left3A_258 : vector<16xi32>
      %shift_left3A_260 = arith.shli %broadcast_in_dim3A_253, %shift_left3A_259 : vector<16xi32>
      %broadcast_in_dim3A_261 = arith.constant 1 : i32
      %broadcast_in_dim3A_262 = vector.broadcast %broadcast_in_dim3A_261 : i32 to vector<16xi32>
      %shift_right_arithmetic3A_263 = arith.constant 9 : i32
      %shift_right_arithmetic3A_264 = vector.broadcast %shift_right_arithmetic3A_263 : i32 to vector<16xi32>
      %shift_right_arithmetic3A_265 = arith.shrsi %get3A_133, %shift_right_arithmetic3A_264 : vector<16xi32>
      %shift_left3A_266 = arith.constant 3 : i32
      %shift_left3A_267 = vector.broadcast %shift_left3A_266 : i32 to vector<16xi32>
      %shift_left3A_268 = arith.shli %shift_right_arithmetic3A_265, %shift_left3A_267 : vector<16xi32>
      %shift_left3A_269 = arith.shli %broadcast_in_dim3A_262, %shift_left3A_268 : vector<16xi32>
      %broadcast_in_dim3A_270 = arith.constant 1 : i32
      %broadcast_in_dim3A_271 = vector.broadcast %broadcast_in_dim3A_270 : i32 to vector<16xi32>
      %shift_right_arithmetic3A_272 = arith.constant 9 : i32
      %shift_right_arithmetic3A_273 = vector.broadcast %shift_right_arithmetic3A_272 : i32 to vector<16xi32>
      %shift_right_arithmetic3A_274 = arith.shrsi %get3A_137, %shift_right_arithmetic3A_273 : vector<16xi32>
      %shift_left3A_275 = arith.constant 3 : i32
      %shift_left3A_276 = vector.broadcast %shift_left3A_275 : i32 to vector<16xi32>
      %shift_left3A_277 = arith.shli %shift_right_arithmetic3A_274, %shift_left3A_276 : vector<16xi32>
      %shift_left3A_278 = arith.shli %broadcast_in_dim3A_271, %shift_left3A_277 : vector<16xi32>
      %broadcast_in_dim3A_279 = arith.constant 1 : i32
      %broadcast_in_dim3A_280 = vector.broadcast %broadcast_in_dim3A_279 : i32 to vector<16xi32>
      %shift_right_arithmetic3A_281 = arith.constant 9 : i32
      %shift_right_arithmetic3A_282 = vector.broadcast %shift_right_arithmetic3A_281 : i32 to vector<16xi32>
      %shift_right_arithmetic3A_283 = arith.shrsi %get3A_141, %shift_right_arithmetic3A_282 : vector<16xi32>
      %shift_left3A_284 = arith.constant 3 : i32
      %shift_left3A_285 = vector.broadcast %shift_left3A_284 : i32 to vector<16xi32>
      %shift_left3A_286 = arith.shli %shift_right_arithmetic3A_283, %shift_left3A_285 : vector<16xi32>
      %shift_left3A_287 = arith.shli %broadcast_in_dim3A_280, %shift_left3A_286 : vector<16xi32>
      %broadcast_in_dim3A_288 = arith.constant 1 : i32
      %broadcast_in_dim3A_289 = vector.broadcast %broadcast_in_dim3A_288 : i32 to vector<16xi32>
      %shift_right_arithmetic3A_290 = arith.constant 9 : i32
      %shift_right_arithmetic3A_291 = vector.broadcast %shift_right_arithmetic3A_290 : i32 to vector<16xi32>
      %shift_right_arithmetic3A_292 = arith.shrsi %get3A_145, %shift_right_arithmetic3A_291 : vector<16xi32>
      %shift_left3A_293 = arith.constant 3 : i32
      %shift_left3A_294 = vector.broadcast %shift_left3A_293 : i32 to vector<16xi32>
      %shift_left3A_295 = arith.shli %shift_right_arithmetic3A_292, %shift_left3A_294 : vector<16xi32>
      %shift_left3A_296 = arith.shli %broadcast_in_dim3A_289, %shift_left3A_295 : vector<16xi32>
      %broadcast_in_dim3A_297 = arith.constant 1 : i32
      %broadcast_in_dim3A_298 = vector.broadcast %broadcast_in_dim3A_297 : i32 to vector<16xi32>
      %shift_right_arithmetic3A_299 = arith.constant 9 : i32
      %shift_right_arithmetic3A_300 = vector.broadcast %shift_right_arithmetic3A_299 : i32 to vector<16xi32>
      %shift_right_arithmetic3A_301 = arith.shrsi %get3A_149, %shift_right_arithmetic3A_300 : vector<16xi32>
      %shift_left3A_302 = arith.constant 3 : i32
      %shift_left3A_303 = vector.broadcast %shift_left3A_302 : i32 to vector<16xi32>
      %shift_left3A_304 = arith.shli %shift_right_arithmetic3A_301, %shift_left3A_303 : vector<16xi32>
      %shift_left3A_305 = arith.shli %broadcast_in_dim3A_298, %shift_left3A_304 : vector<16xi32>
      %broadcast_in_dim3A_306 = arith.constant 1 : i32
      %broadcast_in_dim3A_307 = vector.broadcast %broadcast_in_dim3A_306 : i32 to vector<16xi32>
      %shift_right_arithmetic3A_308 = arith.constant 9 : i32
      %shift_right_arithmetic3A_309 = vector.broadcast %shift_right_arithmetic3A_308 : i32 to vector<16xi32>
      %shift_right_arithmetic3A_310 = arith.shrsi %get3A_153, %shift_right_arithmetic3A_309 : vector<16xi32>
      %shift_left3A_311 = arith.constant 3 : i32
      %shift_left3A_312 = vector.broadcast %shift_left3A_311 : i32 to vector<16xi32>
      %shift_left3A_313 = arith.shli %shift_right_arithmetic3A_310, %shift_left3A_312 : vector<16xi32>
      %shift_left3A_314 = arith.shli %broadcast_in_dim3A_307, %shift_left3A_313 : vector<16xi32>
      tpu.vector_store_idx %arg10[%sub3A_154, %and3A_224], %shift_left3A_251 masked %and3A {add = true} : memref<64x512xi32, #tpu.memory_space<vmem>>[vector<16xi32>, vector<16xi32>], vector<16xi32>, vector<16xi1>
      tpu.vector_store_idx %arg10[%sub3A_156, %and3A_227], %shift_left3A_260 masked %and3A_179 {add = true} : memref<64x512xi32, #tpu.memory_space<vmem>>[vector<16xi32>, vector<16xi32>], vector<16xi32>, vector<16xi1>
      tpu.vector_store_idx %arg10[%sub3A_158, %and3A_230], %shift_left3A_269 masked %and3A_186 {add = true} : memref<64x512xi32, #tpu.memory_space<vmem>>[vector<16xi32>, vector<16xi32>], vector<16xi32>, vector<16xi1>
      tpu.vector_store_idx %arg10[%sub3A_160, %and3A_233], %shift_left3A_278 masked %and3A_193 {add = true} : memref<64x512xi32, #tpu.memory_space<vmem>>[vector<16xi32>, vector<16xi32>], vector<16xi32>, vector<16xi1>
      tpu.vector_store_idx %arg10[%sub3A_162, %and3A_236], %shift_left3A_287 masked %and3A_200 {add = true} : memref<64x512xi32, #tpu.memory_space<vmem>>[vector<16xi32>, vector<16xi32>], vector<16xi32>, vector<16xi1>
      tpu.vector_store_idx %arg10[%sub3A_164, %and3A_239], %shift_left3A_296 masked %and3A_207 {add = true} : memref<64x512xi32, #tpu.memory_space<vmem>>[vector<16xi32>, vector<16xi32>], vector<16xi32>, vector<16xi1>
      tpu.vector_store_idx %arg10[%sub3A_166, %and3A_242], %shift_left3A_305 masked %and3A_214 {add = true} : memref<64x512xi32, #tpu.memory_space<vmem>>[vector<16xi32>, vector<16xi32>], vector<16xi32>, vector<16xi1>
      tpu.vector_store_idx %arg10[%sub3A_168, %and3A_245], %shift_left3A_314 masked %and3A_221 {add = true} : memref<64x512xi32, #tpu.memory_space<vmem>>[vector<16xi32>, vector<16xi32>], vector<16xi32>, vector<16xi1>
    }
    %scan3A_29 = arith.constant 128 : i32
    %dma_start3A_30 = arith.constant 32768 : i32
    %dma_start3A_31 = tpu.memref_slice %arg2[%dma_start3A_30] : memref<65536xi32, #tpu.memory_space<hbm>> -> memref<16384xi32, #tpu.memory_space<hbm>>
    %dma_start3A_32 = arith.constant 32768 : i32
    %dma_start3A_33 = tpu.memref_slice %arg2[%dma_start3A_32] : memref<65536xi32, #tpu.memory_space<hbm>> -> memref<16384xi32, #tpu.memory_space<hbm>>
    tpu.enqueue_dma source(%dma_start3A_33 : memref<16384xi32, #tpu.memory_space<hbm>>) target(%arg6 : memref<16384xi32, #tpu.memory_space<vmem>>) target_semaphore(%arg11 : memref<!tpu.dma_semaphore, #tpu.memory_space<semaphore_mem>>)
    %dma_start3A_34 = arith.constant 32768 : i32
    %dma_start3A_35 = tpu.memref_slice %arg3[%dma_start3A_34] : memref<65536xi32, #tpu.memory_space<hbm>> -> memref<16384xi32, #tpu.memory_space<hbm>>
    %dma_start3A_36 = arith.constant 32768 : i32
    %dma_start3A_37 = tpu.memref_slice %arg3[%dma_start3A_36] : memref<65536xi32, #tpu.memory_space<hbm>> -> memref<16384xi32, #tpu.memory_space<hbm>>
    tpu.enqueue_dma source(%dma_start3A_37 : memref<16384xi32, #tpu.memory_space<hbm>>) target(%arg7 : memref<16384xi32, #tpu.memory_space<vmem>>) target_semaphore(%arg11 : memref<!tpu.dma_semaphore, #tpu.memory_space<semaphore_mem>>)
    %dma_wait3A_38 = arith.constant 16384 : i32
    %dma_wait3A_39 = tpu.memref_slice %arg2[%dma_wait3A_38] : memref<65536xi32, #tpu.memory_space<hbm>> -> memref<16384xi32, #tpu.memory_space<hbm>>
    %dma_wait3A_40 = arith.constant 16384 : i32
    %dma_wait3A_41 = tpu.memref_slice %arg2[%dma_wait3A_40] : memref<65536xi32, #tpu.memory_space<hbm>> -> memref<16384xi32, #tpu.memory_space<hbm>>
    tpu.wait_dma2 semaphore(%arg12 : memref<!tpu.dma_semaphore, #tpu.memory_space<semaphore_mem>>) src(%dma_wait3A_41 : memref<16384xi32, #tpu.memory_space<hbm>>) dst(%arg8 : memref<16384xi32, #tpu.memory_space<vmem>>)
    %dma_wait3A_42 = arith.constant 16384 : i32
    %dma_wait3A_43 = tpu.memref_slice %arg3[%dma_wait3A_42] : memref<65536xi32, #tpu.memory_space<hbm>> -> memref<16384xi32, #tpu.memory_space<hbm>>
    %dma_wait3A_44 = arith.constant 16384 : i32
    %dma_wait3A_45 = tpu.memref_slice %arg3[%dma_wait3A_44] : memref<65536xi32, #tpu.memory_space<hbm>> -> memref<16384xi32, #tpu.memory_space<hbm>>
    tpu.wait_dma2 semaphore(%arg12 : memref<!tpu.dma_semaphore, #tpu.memory_space<semaphore_mem>>) src(%dma_wait3A_45 : memref<16384xi32, #tpu.memory_space<hbm>>) dst(%arg9 : memref<16384xi32, #tpu.memory_space<vmem>>)
    %scan3A_46 = arith.constant 0 : i32
    %scan3A_47 = arith.constant 0 : i32
    %scan3A_48 = arith.constant 128 : i32
    %scan3A_49 = arith.addi %scan3A_47, %scan3A_48 : i32
    %scan3A_50 = arith.constant 1 : i32
    scf.for %scan3A_88 = %scan3A_47 to %scan3A_49 step %scan3A_50  : i32 {
      %mul3A_89 = arith.constant 128 : i32
      %mul3A_90 = arith.muli %scan3A_88, %mul3A_89 : i32
      %add3A_91 = arith.constant 0 : i32
      %add3A_92 = arith.addi %mul3A_90, %add3A_91 : i32
      %get3A = arith.index_cast %add3A_92 : i32 to index
      %get3A_93 = tpu.vector_load %arg9[%get3A] {strides = array<i32>} : memref<16384xi32, #tpu.memory_space<vmem>>, vector<16xi32>,
      %add3A_94 = arith.constant 16 : i32
      %add3A_95 = arith.addi %mul3A_90, %add3A_94 : i32
      %get3A_96 = arith.index_cast %add3A_95 : i32 to index
      %get3A_97 = tpu.vector_load %arg9[%get3A_96] {strides = array<i32>} : memref<16384xi32, #tpu.memory_space<vmem>>, vector<16xi32>,
      %add3A_98 = arith.constant 32 : i32
      %add3A_99 = arith.addi %mul3A_90, %add3A_98 : i32
      %get3A_100 = arith.index_cast %add3A_99 : i32 to index
      %get3A_101 = tpu.vector_load %arg9[%get3A_100] {strides = array<i32>} : memref<16384xi32, #tpu.memory_space<vmem>>, vector<16xi32>,
      %add3A_102 = arith.constant 48 : i32
      %add3A_103 = arith.addi %mul3A_90, %add3A_102 : i32
      %get3A_104 = arith.index_cast %add3A_103 : i32 to index
      %get3A_105 = tpu.vector_load %arg9[%get3A_104] {strides = array<i32>} : memref<16384xi32, #tpu.memory_space<vmem>>, vector<16xi32>,
      %add3A_106 = arith.constant 64 : i32
      %add3A_107 = arith.addi %mul3A_90, %add3A_106 : i32
      %get3A_108 = arith.index_cast %add3A_107 : i32 to index
      %get3A_109 = tpu.vector_load %arg9[%get3A_108] {strides = array<i32>} : memref<16384xi32, #tpu.memory_space<vmem>>, vector<16xi32>,
      %add3A_110 = arith.constant 80 : i32
      %add3A_111 = arith.addi %mul3A_90, %add3A_110 : i32
      %get3A_112 = arith.index_cast %add3A_111 : i32 to index
      %get3A_113 = tpu.vector_load %arg9[%get3A_112] {strides = array<i32>} : memref<16384xi32, #tpu.memory_space<vmem>>, vector<16xi32>,
      %add3A_114 = arith.constant 96 : i32
      %add3A_115 = arith.addi %mul3A_90, %add3A_114 : i32
      %get3A_116 = arith.index_cast %add3A_115 : i32 to index
      %get3A_117 = tpu.vector_load %arg9[%get3A_116] {strides = array<i32>} : memref<16384xi32, #tpu.memory_space<vmem>>, vector<16xi32>,
      %add3A_118 = arith.constant 112 : i32
      %add3A_119 = arith.addi %mul3A_90, %add3A_118 : i32
      %get3A_120 = arith.index_cast %add3A_119 : i32 to index
      %get3A_121 = tpu.vector_load %arg9[%get3A_120] {strides = array<i32>} : memref<16384xi32, #tpu.memory_space<vmem>>, vector<16xi32>,
      %add3A_122 = arith.constant 0 : i32
      %add3A_123 = arith.addi %mul3A_90, %add3A_122 : i32
      %get3A_124 = arith.index_cast %add3A_123 : i32 to index
      %get3A_125 = tpu.vector_load %arg8[%get3A_124] {strides = array<i32>} : memref<16384xi32, #tpu.memory_space<vmem>>, vector<16xi32>,
      %add3A_126 = arith.constant 16 : i32
      %add3A_127 = arith.addi %mul3A_90, %add3A_126 : i32
      %get3A_128 = arith.index_cast %add3A_127 : i32 to index
      %get3A_129 = tpu.vector_load %arg8[%get3A_128] {strides = array<i32>} : memref<16384xi32, #tpu.memory_space<vmem>>, vector<16xi32>,
      %add3A_130 = arith.constant 32 : i32
      %add3A_131 = arith.addi %mul3A_90, %add3A_130 : i32
      %get3A_132 = arith.index_cast %add3A_131 : i32 to index
      %get3A_133 = tpu.vector_load %arg8[%get3A_132] {strides = array<i32>} : memref<16384xi32, #tpu.memory_space<vmem>>, vector<16xi32>,
      %add3A_134 = arith.constant 48 : i32
      %add3A_135 = arith.addi %mul3A_90, %add3A_134 : i32
      %get3A_136 = arith.index_cast %add3A_135 : i32 to index
      %get3A_137 = tpu.vector_load %arg8[%get3A_136] {strides = array<i32>} : memref<16384xi32, #tpu.memory_space<vmem>>, vector<16xi32>,
      %add3A_138 = arith.constant 64 : i32
      %add3A_139 = arith.addi %mul3A_90, %add3A_138 : i32
      %get3A_140 = arith.index_cast %add3A_139 : i32 to index
      %get3A_141 = tpu.vector_load %arg8[%get3A_140] {strides = array<i32>} : memref<16384xi32, #tpu.memory_space<vmem>>, vector<16xi32>,
      %add3A_142 = arith.constant 80 : i32
      %add3A_143 = arith.addi %mul3A_90, %add3A_142 : i32
      %get3A_144 = arith.index_cast %add3A_143 : i32 to index
      %get3A_145 = tpu.vector_load %arg8[%get3A_144] {strides = array<i32>} : memref<16384xi32, #tpu.memory_space<vmem>>, vector<16xi32>,
      %add3A_146 = arith.constant 96 : i32
      %add3A_147 = arith.addi %mul3A_90, %add3A_146 : i32
      %get3A_148 = arith.index_cast %add3A_147 : i32 to index
      %get3A_149 = tpu.vector_load %arg8[%get3A_148] {strides = array<i32>} : memref<16384xi32, #tpu.memory_space<vmem>>, vector<16xi32>,
      %add3A_150 = arith.constant 112 : i32
      %add3A_151 = arith.addi %mul3A_90, %add3A_150 : i32
      %get3A_152 = arith.index_cast %add3A_151 : i32 to index
      %get3A_153 = tpu.vector_load %arg8[%get3A_152] {strides = array<i32>} : memref<16384xi32, #tpu.memory_space<vmem>>, vector<16xi32>,
      %sub3A = vector.broadcast %mul3A_2 : i32 to vector<16xi32>
      %sub3A_154 = arith.subi %get3A_93, %sub3A : vector<16xi32>
      %sub3A_155 = vector.broadcast %mul3A_2 : i32 to vector<16xi32>
      %sub3A_156 = arith.subi %get3A_97, %sub3A_155 : vector<16xi32>
      %sub3A_157 = vector.broadcast %mul3A_2 : i32 to vector<16xi32>
      %sub3A_158 = arith.subi %get3A_101, %sub3A_157 : vector<16xi32>
      %sub3A_159 = vector.broadcast %mul3A_2 : i32 to vector<16xi32>
      %sub3A_160 = arith.subi %get3A_105, %sub3A_159 : vector<16xi32>
      %sub3A_161 = vector.broadcast %mul3A_2 : i32 to vector<16xi32>
      %sub3A_162 = arith.subi %get3A_109, %sub3A_161 : vector<16xi32>
      %sub3A_163 = vector.broadcast %mul3A_2 : i32 to vector<16xi32>
      %sub3A_164 = arith.subi %get3A_113, %sub3A_163 : vector<16xi32>
      %sub3A_165 = vector.broadcast %mul3A_2 : i32 to vector<16xi32>
      %sub3A_166 = arith.subi %get3A_117, %sub3A_165 : vector<16xi32>
      %sub3A_167 = vector.broadcast %mul3A_2 : i32 to vector<16xi32>
      %sub3A_168 = arith.subi %get3A_121, %sub3A_167 : vector<16xi32>
      %ge3A = arith.constant 0 : i32
      %ge3A_169 = vector.broadcast %ge3A : i32 to vector<16xi32>
      %ge3A_170 = arith.cmpi sge, %sub3A_154, %ge3A_169 : vector<16xi32>
      %lt3A = arith.constant 64 : i32
      %lt3A_171 = vector.broadcast %lt3A : i32 to vector<16xi32>
      %lt3A_172 = arith.cmpi slt, %sub3A_154, %lt3A_171 : vector<16xi32>
      %and3A = arith.andi %ge3A_170, %lt3A_172 : vector<16xi1>
      %ge3A_173 = arith.constant 0 : i32
      %ge3A_174 = vector.broadcast %ge3A_173 : i32 to vector<16xi32>
      %ge3A_175 = arith.cmpi sge, %sub3A_156, %ge3A_174 : vector<16xi32>
      %lt3A_176 = arith.constant 64 : i32
      %lt3A_177 = vector.broadcast %lt3A_176 : i32 to vector<16xi32>
      %lt3A_178 = arith.cmpi slt, %sub3A_156, %lt3A_177 : vector<16xi32>
      %and3A_179 = arith.andi %ge3A_175, %lt3A_178 : vector<16xi1>
      %ge3A_180 = arith.constant 0 : i32
      %ge3A_181 = vector.broadcast %ge3A_180 : i32 to vector<16xi32>
      %ge3A_182 = arith.cmpi sge, %sub3A_158, %ge3A_181 : vector<16xi32>
      %lt3A_183 = arith.constant 64 : i32
      %lt3A_184 = vector.broadcast %lt3A_183 : i32 to vector<16xi32>
      %lt3A_185 = arith.cmpi slt, %sub3A_158, %lt3A_184 : vector<16xi32>
      %and3A_186 = arith.andi %ge3A_182, %lt3A_185 : vector<16xi1>
      %ge3A_187 = arith.constant 0 : i32
      %ge3A_188 = vector.broadcast %ge3A_187 : i32 to vector<16xi32>
      %ge3A_189 = arith.cmpi sge, %sub3A_160, %ge3A_188 : vector<16xi32>
      %lt3A_190 = arith.constant 64 : i32
      %lt3A_191 = vector.broadcast %lt3A_190 : i32 to vector<16xi32>
      %lt3A_192 = arith.cmpi slt, %sub3A_160, %lt3A_191 : vector<16xi32>
      %and3A_193 = arith.andi %ge3A_189, %lt3A_192 : vector<16xi1>
      %ge3A_194 = arith.constant 0 : i32
      %ge3A_195 = vector.broadcast %ge3A_194 : i32 to vector<16xi32>
      %ge3A_196 = arith.cmpi sge, %sub3A_162, %ge3A_195 : vector<16xi32>
      %lt3A_197 = arith.constant 64 : i32
      %lt3A_198 = vector.broadcast %lt3A_197 : i32 to vector<16xi32>
      %lt3A_199 = arith.cmpi slt, %sub3A_162, %lt3A_198 : vector<16xi32>
      %and3A_200 = arith.andi %ge3A_196, %lt3A_199 : vector<16xi1>
      %ge3A_201 = arith.constant 0 : i32
      %ge3A_202 = vector.broadcast %ge3A_201 : i32 to vector<16xi32>
      %ge3A_203 = arith.cmpi sge, %sub3A_164, %ge3A_202 : vector<16xi32>
      %lt3A_204 = arith.constant 64 : i32
      %lt3A_205 = vector.broadcast %lt3A_204 : i32 to vector<16xi32>
      %lt3A_206 = arith.cmpi slt, %sub3A_164, %lt3A_205 : vector<16xi32>
      %and3A_207 = arith.andi %ge3A_203, %lt3A_206 : vector<16xi1>
      %ge3A_208 = arith.constant 0 : i32
      %ge3A_209 = vector.broadcast %ge3A_208 : i32 to vector<16xi32>
      %ge3A_210 = arith.cmpi sge, %sub3A_166, %ge3A_209 : vector<16xi32>
      %lt3A_211 = arith.constant 64 : i32
      %lt3A_212 = vector.broadcast %lt3A_211 : i32 to vector<16xi32>
      %lt3A_213 = arith.cmpi slt, %sub3A_166, %lt3A_212 : vector<16xi32>
      %and3A_214 = arith.andi %ge3A_210, %lt3A_213 : vector<16xi1>
      %ge3A_215 = arith.constant 0 : i32
      %ge3A_216 = vector.broadcast %ge3A_215 : i32 to vector<16xi32>
      %ge3A_217 = arith.cmpi sge, %sub3A_168, %ge3A_216 : vector<16xi32>
      %lt3A_218 = arith.constant 64 : i32
      %lt3A_219 = vector.broadcast %lt3A_218 : i32 to vector<16xi32>
      %lt3A_220 = arith.cmpi slt, %sub3A_168, %lt3A_219 : vector<16xi32>
      %and3A_221 = arith.andi %ge3A_217, %lt3A_220 : vector<16xi1>
      %and3A_222 = arith.constant 511 : i32
      %and3A_223 = vector.broadcast %and3A_222 : i32 to vector<16xi32>
      %and3A_224 = arith.andi %get3A_125, %and3A_223 : vector<16xi32>
      %and3A_225 = arith.constant 511 : i32
      %and3A_226 = vector.broadcast %and3A_225 : i32 to vector<16xi32>
      %and3A_227 = arith.andi %get3A_129, %and3A_226 : vector<16xi32>
      %and3A_228 = arith.constant 511 : i32
      %and3A_229 = vector.broadcast %and3A_228 : i32 to vector<16xi32>
      %and3A_230 = arith.andi %get3A_133, %and3A_229 : vector<16xi32>
      %and3A_231 = arith.constant 511 : i32
      %and3A_232 = vector.broadcast %and3A_231 : i32 to vector<16xi32>
      %and3A_233 = arith.andi %get3A_137, %and3A_232 : vector<16xi32>
      %and3A_234 = arith.constant 511 : i32
      %and3A_235 = vector.broadcast %and3A_234 : i32 to vector<16xi32>
      %and3A_236 = arith.andi %get3A_141, %and3A_235 : vector<16xi32>
      %and3A_237 = arith.constant 511 : i32
      %and3A_238 = vector.broadcast %and3A_237 : i32 to vector<16xi32>
      %and3A_239 = arith.andi %get3A_145, %and3A_238 : vector<16xi32>
      %and3A_240 = arith.constant 511 : i32
      %and3A_241 = vector.broadcast %and3A_240 : i32 to vector<16xi32>
      %and3A_242 = arith.andi %get3A_149, %and3A_241 : vector<16xi32>
      %and3A_243 = arith.constant 511 : i32
      %and3A_244 = vector.broadcast %and3A_243 : i32 to vector<16xi32>
      %and3A_245 = arith.andi %get3A_153, %and3A_244 : vector<16xi32>
      %broadcast_in_dim3A = arith.constant 1 : i32
      %broadcast_in_dim3A_246 = vector.broadcast %broadcast_in_dim3A : i32 to vector<16xi32>
      %shift_right_arithmetic3A = arith.constant 9 : i32
      %shift_right_arithmetic3A_247 = vector.broadcast %shift_right_arithmetic3A : i32 to vector<16xi32>
      %shift_right_arithmetic3A_248 = arith.shrsi %get3A_125, %shift_right_arithmetic3A_247 : vector<16xi32>
      %shift_left3A = arith.constant 3 : i32
      %shift_left3A_249 = vector.broadcast %shift_left3A : i32 to vector<16xi32>
      %shift_left3A_250 = arith.shli %shift_right_arithmetic3A_248, %shift_left3A_249 : vector<16xi32>
      %shift_left3A_251 = arith.shli %broadcast_in_dim3A_246, %shift_left3A_250 : vector<16xi32>
      %broadcast_in_dim3A_252 = arith.constant 1 : i32
      %broadcast_in_dim3A_253 = vector.broadcast %broadcast_in_dim3A_252 : i32 to vector<16xi32>
      %shift_right_arithmetic3A_254 = arith.constant 9 : i32
      %shift_right_arithmetic3A_255 = vector.broadcast %shift_right_arithmetic3A_254 : i32 to vector<16xi32>
      %shift_right_arithmetic3A_256 = arith.shrsi %get3A_129, %shift_right_arithmetic3A_255 : vector<16xi32>
      %shift_left3A_257 = arith.constant 3 : i32
      %shift_left3A_258 = vector.broadcast %shift_left3A_257 : i32 to vector<16xi32>
      %shift_left3A_259 = arith.shli %shift_right_arithmetic3A_256, %shift_left3A_258 : vector<16xi32>
      %shift_left3A_260 = arith.shli %broadcast_in_dim3A_253, %shift_left3A_259 : vector<16xi32>
      %broadcast_in_dim3A_261 = arith.constant 1 : i32
      %broadcast_in_dim3A_262 = vector.broadcast %broadcast_in_dim3A_261 : i32 to vector<16xi32>
      %shift_right_arithmetic3A_263 = arith.constant 9 : i32
      %shift_right_arithmetic3A_264 = vector.broadcast %shift_right_arithmetic3A_263 : i32 to vector<16xi32>
      %shift_right_arithmetic3A_265 = arith.shrsi %get3A_133, %shift_right_arithmetic3A_264 : vector<16xi32>
      %shift_left3A_266 = arith.constant 3 : i32
      %shift_left3A_267 = vector.broadcast %shift_left3A_266 : i32 to vector<16xi32>
      %shift_left3A_268 = arith.shli %shift_right_arithmetic3A_265, %shift_left3A_267 : vector<16xi32>
      %shift_left3A_269 = arith.shli %broadcast_in_dim3A_262, %shift_left3A_268 : vector<16xi32>
      %broadcast_in_dim3A_270 = arith.constant 1 : i32
      %broadcast_in_dim3A_271 = vector.broadcast %broadcast_in_dim3A_270 : i32 to vector<16xi32>
      %shift_right_arithmetic3A_272 = arith.constant 9 : i32
      %shift_right_arithmetic3A_273 = vector.broadcast %shift_right_arithmetic3A_272 : i32 to vector<16xi32>
      %shift_right_arithmetic3A_274 = arith.shrsi %get3A_137, %shift_right_arithmetic3A_273 : vector<16xi32>
      %shift_left3A_275 = arith.constant 3 : i32
      %shift_left3A_276 = vector.broadcast %shift_left3A_275 : i32 to vector<16xi32>
      %shift_left3A_277 = arith.shli %shift_right_arithmetic3A_274, %shift_left3A_276 : vector<16xi32>
      %shift_left3A_278 = arith.shli %broadcast_in_dim3A_271, %shift_left3A_277 : vector<16xi32>
      %broadcast_in_dim3A_279 = arith.constant 1 : i32
      %broadcast_in_dim3A_280 = vector.broadcast %broadcast_in_dim3A_279 : i32 to vector<16xi32>
      %shift_right_arithmetic3A_281 = arith.constant 9 : i32
      %shift_right_arithmetic3A_282 = vector.broadcast %shift_right_arithmetic3A_281 : i32 to vector<16xi32>
      %shift_right_arithmetic3A_283 = arith.shrsi %get3A_141, %shift_right_arithmetic3A_282 : vector<16xi32>
      %shift_left3A_284 = arith.constant 3 : i32
      %shift_left3A_285 = vector.broadcast %shift_left3A_284 : i32 to vector<16xi32>
      %shift_left3A_286 = arith.shli %shift_right_arithmetic3A_283, %shift_left3A_285 : vector<16xi32>
      %shift_left3A_287 = arith.shli %broadcast_in_dim3A_280, %shift_left3A_286 : vector<16xi32>
      %broadcast_in_dim3A_288 = arith.constant 1 : i32
      %broadcast_in_dim3A_289 = vector.broadcast %broadcast_in_dim3A_288 : i32 to vector<16xi32>
      %shift_right_arithmetic3A_290 = arith.constant 9 : i32
      %shift_right_arithmetic3A_291 = vector.broadcast %shift_right_arithmetic3A_290 : i32 to vector<16xi32>
      %shift_right_arithmetic3A_292 = arith.shrsi %get3A_145, %shift_right_arithmetic3A_291 : vector<16xi32>
      %shift_left3A_293 = arith.constant 3 : i32
      %shift_left3A_294 = vector.broadcast %shift_left3A_293 : i32 to vector<16xi32>
      %shift_left3A_295 = arith.shli %shift_right_arithmetic3A_292, %shift_left3A_294 : vector<16xi32>
      %shift_left3A_296 = arith.shli %broadcast_in_dim3A_289, %shift_left3A_295 : vector<16xi32>
      %broadcast_in_dim3A_297 = arith.constant 1 : i32
      %broadcast_in_dim3A_298 = vector.broadcast %broadcast_in_dim3A_297 : i32 to vector<16xi32>
      %shift_right_arithmetic3A_299 = arith.constant 9 : i32
      %shift_right_arithmetic3A_300 = vector.broadcast %shift_right_arithmetic3A_299 : i32 to vector<16xi32>
      %shift_right_arithmetic3A_301 = arith.shrsi %get3A_149, %shift_right_arithmetic3A_300 : vector<16xi32>
      %shift_left3A_302 = arith.constant 3 : i32
      %shift_left3A_303 = vector.broadcast %shift_left3A_302 : i32 to vector<16xi32>
      %shift_left3A_304 = arith.shli %shift_right_arithmetic3A_301, %shift_left3A_303 : vector<16xi32>
      %shift_left3A_305 = arith.shli %broadcast_in_dim3A_298, %shift_left3A_304 : vector<16xi32>
      %broadcast_in_dim3A_306 = arith.constant 1 : i32
      %broadcast_in_dim3A_307 = vector.broadcast %broadcast_in_dim3A_306 : i32 to vector<16xi32>
      %shift_right_arithmetic3A_308 = arith.constant 9 : i32
      %shift_right_arithmetic3A_309 = vector.broadcast %shift_right_arithmetic3A_308 : i32 to vector<16xi32>
      %shift_right_arithmetic3A_310 = arith.shrsi %get3A_153, %shift_right_arithmetic3A_309 : vector<16xi32>
      %shift_left3A_311 = arith.constant 3 : i32
      %shift_left3A_312 = vector.broadcast %shift_left3A_311 : i32 to vector<16xi32>
      %shift_left3A_313 = arith.shli %shift_right_arithmetic3A_310, %shift_left3A_312 : vector<16xi32>
      %shift_left3A_314 = arith.shli %broadcast_in_dim3A_307, %shift_left3A_313 : vector<16xi32>
      tpu.vector_store_idx %arg10[%sub3A_154, %and3A_224], %shift_left3A_251 masked %and3A {add = true} : memref<64x512xi32, #tpu.memory_space<vmem>>[vector<16xi32>, vector<16xi32>], vector<16xi32>, vector<16xi1>
      tpu.vector_store_idx %arg10[%sub3A_156, %and3A_227], %shift_left3A_260 masked %and3A_179 {add = true} : memref<64x512xi32, #tpu.memory_space<vmem>>[vector<16xi32>, vector<16xi32>], vector<16xi32>, vector<16xi1>
      tpu.vector_store_idx %arg10[%sub3A_158, %and3A_230], %shift_left3A_269 masked %and3A_186 {add = true} : memref<64x512xi32, #tpu.memory_space<vmem>>[vector<16xi32>, vector<16xi32>], vector<16xi32>, vector<16xi1>
      tpu.vector_store_idx %arg10[%sub3A_160, %and3A_233], %shift_left3A_278 masked %and3A_193 {add = true} : memref<64x512xi32, #tpu.memory_space<vmem>>[vector<16xi32>, vector<16xi32>], vector<16xi32>, vector<16xi1>
      tpu.vector_store_idx %arg10[%sub3A_162, %and3A_236], %shift_left3A_287 masked %and3A_200 {add = true} : memref<64x512xi32, #tpu.memory_space<vmem>>[vector<16xi32>, vector<16xi32>], vector<16xi32>, vector<16xi1>
      tpu.vector_store_idx %arg10[%sub3A_164, %and3A_239], %shift_left3A_296 masked %and3A_207 {add = true} : memref<64x512xi32, #tpu.memory_space<vmem>>[vector<16xi32>, vector<16xi32>], vector<16xi32>, vector<16xi1>
      tpu.vector_store_idx %arg10[%sub3A_166, %and3A_242], %shift_left3A_305 masked %and3A_214 {add = true} : memref<64x512xi32, #tpu.memory_space<vmem>>[vector<16xi32>, vector<16xi32>], vector<16xi32>, vector<16xi1>
      tpu.vector_store_idx %arg10[%sub3A_168, %and3A_245], %shift_left3A_314 masked %and3A_221 {add = true} : memref<64x512xi32, #tpu.memory_space<vmem>>[vector<16xi32>, vector<16xi32>], vector<16xi32>, vector<16xi1>
    }
    %scan3A_51 = arith.constant 128 : i32
    %dma_start3A_52 = arith.constant 49152 : i32
    %dma_start3A_53 = tpu.memref_slice %arg2[%dma_start3A_52] : memref<65536xi32, #tpu.memory_space<hbm>> -> memref<16384xi32, #tpu.memory_space<hbm>>
    %dma_start3A_54 = arith.constant 49152 : i32
    %dma_start3A_55 = tpu.memref_slice %arg2[%dma_start3A_54] : memref<65536xi32, #tpu.memory_space<hbm>> -> memref<16384xi32, #tpu.memory_space<hbm>>
    tpu.enqueue_dma source(%dma_start3A_55 : memref<16384xi32, #tpu.memory_space<hbm>>) target(%arg8 : memref<16384xi32, #tpu.memory_space<vmem>>) target_semaphore(%arg12 : memref<!tpu.dma_semaphore, #tpu.memory_space<semaphore_mem>>)
    %dma_start3A_56 = arith.constant 49152 : i32
    %dma_start3A_57 = tpu.memref_slice %arg3[%dma_start3A_56] : memref<65536xi32, #tpu.memory_space<hbm>> -> memref<16384xi32, #tpu.memory_space<hbm>>
    %dma_start3A_58 = arith.constant 49152 : i32
    %dma_start3A_59 = tpu.memref_slice %arg3[%dma_start3A_58] : memref<65536xi32, #tpu.memory_space<hbm>> -> memref<16384xi32, #tpu.memory_space<hbm>>
    tpu.enqueue_dma source(%dma_start3A_59 : memref<16384xi32, #tpu.memory_space<hbm>>) target(%arg9 : memref<16384xi32, #tpu.memory_space<vmem>>) target_semaphore(%arg12 : memref<!tpu.dma_semaphore, #tpu.memory_space<semaphore_mem>>)
    %dma_wait3A_60 = arith.constant 32768 : i32
    %dma_wait3A_61 = tpu.memref_slice %arg2[%dma_wait3A_60] : memref<65536xi32, #tpu.memory_space<hbm>> -> memref<16384xi32, #tpu.memory_space<hbm>>
    %dma_wait3A_62 = arith.constant 32768 : i32
    %dma_wait3A_63 = tpu.memref_slice %arg2[%dma_wait3A_62] : memref<65536xi32, #tpu.memory_space<hbm>> -> memref<16384xi32, #tpu.memory_space<hbm>>
    tpu.wait_dma2 semaphore(%arg11 : memref<!tpu.dma_semaphore, #tpu.memory_space<semaphore_mem>>) src(%dma_wait3A_63 : memref<16384xi32, #tpu.memory_space<hbm>>) dst(%arg6 : memref<16384xi32, #tpu.memory_space<vmem>>)
    %dma_wait3A_64 = arith.constant 32768 : i32
    %dma_wait3A_65 = tpu.memref_slice %arg3[%dma_wait3A_64] : memref<65536xi32, #tpu.memory_space<hbm>> -> memref<16384xi32, #tpu.memory_space<hbm>>
    %dma_wait3A_66 = arith.constant 32768 : i32
    %dma_wait3A_67 = tpu.memref_slice %arg3[%dma_wait3A_66] : memref<65536xi32, #tpu.memory_space<hbm>> -> memref<16384xi32, #tpu.memory_space<hbm>>
    tpu.wait_dma2 semaphore(%arg11 : memref<!tpu.dma_semaphore, #tpu.memory_space<semaphore_mem>>) src(%dma_wait3A_67 : memref<16384xi32, #tpu.memory_space<hbm>>) dst(%arg7 : memref<16384xi32, #tpu.memory_space<vmem>>)
    %scan3A_68 = arith.constant 0 : i32
    %scan3A_69 = arith.constant 0 : i32
    %scan3A_70 = arith.constant 128 : i32
    %scan3A_71 = arith.addi %scan3A_69, %scan3A_70 : i32
    %scan3A_72 = arith.constant 1 : i32
    scf.for %scan3A_88 = %scan3A_69 to %scan3A_71 step %scan3A_72  : i32 {
      %mul3A_89 = arith.constant 128 : i32
      %mul3A_90 = arith.muli %scan3A_88, %mul3A_89 : i32
      %add3A_91 = arith.constant 0 : i32
      %add3A_92 = arith.addi %mul3A_90, %add3A_91 : i32
      %get3A = arith.index_cast %add3A_92 : i32 to index
      %get3A_93 = tpu.vector_load %arg7[%get3A] {strides = array<i32>} : memref<16384xi32, #tpu.memory_space<vmem>>, vector<16xi32>,
      %add3A_94 = arith.constant 16 : i32
      %add3A_95 = arith.addi %mul3A_90, %add3A_94 : i32
      %get3A_96 = arith.index_cast %add3A_95 : i32 to index
      %get3A_97 = tpu.vector_load %arg7[%get3A_96] {strides = array<i32>} : memref<16384xi32, #tpu.memory_space<vmem>>, vector<16xi32>,
      %add3A_98 = arith.constant 32 : i32
      %add3A_99 = arith.addi %mul3A_90, %add3A_98 : i32
      %get3A_100 = arith.index_cast %add3A_99 : i32 to index
      %get3A_101 = tpu.vector_load %arg7[%get3A_100] {strides = array<i32>} : memref<16384xi32, #tpu.memory_space<vmem>>, vector<16xi32>,
      %add3A_102 = arith.constant 48 : i32
      %add3A_103 = arith.addi %mul3A_90, %add3A_102 : i32
      %get3A_104 = arith.index_cast %add3A_103 : i32 to index
      %get3A_105 = tpu.vector_load %arg7[%get3A_104] {strides = array<i32>} : memref<16384xi32, #tpu.memory_space<vmem>>, vector<16xi32>,
      %add3A_106 = arith.constant 64 : i32
      %add3A_107 = arith.addi %mul3A_90, %add3A_106 : i32
      %get3A_108 = arith.index_cast %add3A_107 : i32 to index
      %get3A_109 = tpu.vector_load %arg7[%get3A_108] {strides = array<i32>} : memref<16384xi32, #tpu.memory_space<vmem>>, vector<16xi32>,
      %add3A_110 = arith.constant 80 : i32
      %add3A_111 = arith.addi %mul3A_90, %add3A_110 : i32
      %get3A_112 = arith.index_cast %add3A_111 : i32 to index
      %get3A_113 = tpu.vector_load %arg7[%get3A_112] {strides = array<i32>} : memref<16384xi32, #tpu.memory_space<vmem>>, vector<16xi32>,
      %add3A_114 = arith.constant 96 : i32
      %add3A_115 = arith.addi %mul3A_90, %add3A_114 : i32
      %get3A_116 = arith.index_cast %add3A_115 : i32 to index
      %get3A_117 = tpu.vector_load %arg7[%get3A_116] {strides = array<i32>} : memref<16384xi32, #tpu.memory_space<vmem>>, vector<16xi32>,
      %add3A_118 = arith.constant 112 : i32
      %add3A_119 = arith.addi %mul3A_90, %add3A_118 : i32
      %get3A_120 = arith.index_cast %add3A_119 : i32 to index
      %get3A_121 = tpu.vector_load %arg7[%get3A_120] {strides = array<i32>} : memref<16384xi32, #tpu.memory_space<vmem>>, vector<16xi32>,
      %add3A_122 = arith.constant 0 : i32
      %add3A_123 = arith.addi %mul3A_90, %add3A_122 : i32
      %get3A_124 = arith.index_cast %add3A_123 : i32 to index
      %get3A_125 = tpu.vector_load %arg6[%get3A_124] {strides = array<i32>} : memref<16384xi32, #tpu.memory_space<vmem>>, vector<16xi32>,
      %add3A_126 = arith.constant 16 : i32
      %add3A_127 = arith.addi %mul3A_90, %add3A_126 : i32
      %get3A_128 = arith.index_cast %add3A_127 : i32 to index
      %get3A_129 = tpu.vector_load %arg6[%get3A_128] {strides = array<i32>} : memref<16384xi32, #tpu.memory_space<vmem>>, vector<16xi32>,
      %add3A_130 = arith.constant 32 : i32
      %add3A_131 = arith.addi %mul3A_90, %add3A_130 : i32
      %get3A_132 = arith.index_cast %add3A_131 : i32 to index
      %get3A_133 = tpu.vector_load %arg6[%get3A_132] {strides = array<i32>} : memref<16384xi32, #tpu.memory_space<vmem>>, vector<16xi32>,
      %add3A_134 = arith.constant 48 : i32
      %add3A_135 = arith.addi %mul3A_90, %add3A_134 : i32
      %get3A_136 = arith.index_cast %add3A_135 : i32 to index
      %get3A_137 = tpu.vector_load %arg6[%get3A_136] {strides = array<i32>} : memref<16384xi32, #tpu.memory_space<vmem>>, vector<16xi32>,
      %add3A_138 = arith.constant 64 : i32
      %add3A_139 = arith.addi %mul3A_90, %add3A_138 : i32
      %get3A_140 = arith.index_cast %add3A_139 : i32 to index
      %get3A_141 = tpu.vector_load %arg6[%get3A_140] {strides = array<i32>} : memref<16384xi32, #tpu.memory_space<vmem>>, vector<16xi32>,
      %add3A_142 = arith.constant 80 : i32
      %add3A_143 = arith.addi %mul3A_90, %add3A_142 : i32
      %get3A_144 = arith.index_cast %add3A_143 : i32 to index
      %get3A_145 = tpu.vector_load %arg6[%get3A_144] {strides = array<i32>} : memref<16384xi32, #tpu.memory_space<vmem>>, vector<16xi32>,
      %add3A_146 = arith.constant 96 : i32
      %add3A_147 = arith.addi %mul3A_90, %add3A_146 : i32
      %get3A_148 = arith.index_cast %add3A_147 : i32 to index
      %get3A_149 = tpu.vector_load %arg6[%get3A_148] {strides = array<i32>} : memref<16384xi32, #tpu.memory_space<vmem>>, vector<16xi32>,
      %add3A_150 = arith.constant 112 : i32
      %add3A_151 = arith.addi %mul3A_90, %add3A_150 : i32
      %get3A_152 = arith.index_cast %add3A_151 : i32 to index
      %get3A_153 = tpu.vector_load %arg6[%get3A_152] {strides = array<i32>} : memref<16384xi32, #tpu.memory_space<vmem>>, vector<16xi32>,
      %sub3A = vector.broadcast %mul3A_2 : i32 to vector<16xi32>
      %sub3A_154 = arith.subi %get3A_93, %sub3A : vector<16xi32>
      %sub3A_155 = vector.broadcast %mul3A_2 : i32 to vector<16xi32>
      %sub3A_156 = arith.subi %get3A_97, %sub3A_155 : vector<16xi32>
      %sub3A_157 = vector.broadcast %mul3A_2 : i32 to vector<16xi32>
      %sub3A_158 = arith.subi %get3A_101, %sub3A_157 : vector<16xi32>
      %sub3A_159 = vector.broadcast %mul3A_2 : i32 to vector<16xi32>
      %sub3A_160 = arith.subi %get3A_105, %sub3A_159 : vector<16xi32>
      %sub3A_161 = vector.broadcast %mul3A_2 : i32 to vector<16xi32>
      %sub3A_162 = arith.subi %get3A_109, %sub3A_161 : vector<16xi32>
      %sub3A_163 = vector.broadcast %mul3A_2 : i32 to vector<16xi32>
      %sub3A_164 = arith.subi %get3A_113, %sub3A_163 : vector<16xi32>
      %sub3A_165 = vector.broadcast %mul3A_2 : i32 to vector<16xi32>
      %sub3A_166 = arith.subi %get3A_117, %sub3A_165 : vector<16xi32>
      %sub3A_167 = vector.broadcast %mul3A_2 : i32 to vector<16xi32>
      %sub3A_168 = arith.subi %get3A_121, %sub3A_167 : vector<16xi32>
      %ge3A = arith.constant 0 : i32
      %ge3A_169 = vector.broadcast %ge3A : i32 to vector<16xi32>
      %ge3A_170 = arith.cmpi sge, %sub3A_154, %ge3A_169 : vector<16xi32>
      %lt3A = arith.constant 64 : i32
      %lt3A_171 = vector.broadcast %lt3A : i32 to vector<16xi32>
      %lt3A_172 = arith.cmpi slt, %sub3A_154, %lt3A_171 : vector<16xi32>
      %and3A = arith.andi %ge3A_170, %lt3A_172 : vector<16xi1>
      %ge3A_173 = arith.constant 0 : i32
      %ge3A_174 = vector.broadcast %ge3A_173 : i32 to vector<16xi32>
      %ge3A_175 = arith.cmpi sge, %sub3A_156, %ge3A_174 : vector<16xi32>
      %lt3A_176 = arith.constant 64 : i32
      %lt3A_177 = vector.broadcast %lt3A_176 : i32 to vector<16xi32>
      %lt3A_178 = arith.cmpi slt, %sub3A_156, %lt3A_177 : vector<16xi32>
      %and3A_179 = arith.andi %ge3A_175, %lt3A_178 : vector<16xi1>
      %ge3A_180 = arith.constant 0 : i32
      %ge3A_181 = vector.broadcast %ge3A_180 : i32 to vector<16xi32>
      %ge3A_182 = arith.cmpi sge, %sub3A_158, %ge3A_181 : vector<16xi32>
      %lt3A_183 = arith.constant 64 : i32
      %lt3A_184 = vector.broadcast %lt3A_183 : i32 to vector<16xi32>
      %lt3A_185 = arith.cmpi slt, %sub3A_158, %lt3A_184 : vector<16xi32>
      %and3A_186 = arith.andi %ge3A_182, %lt3A_185 : vector<16xi1>
      %ge3A_187 = arith.constant 0 : i32
      %ge3A_188 = vector.broadcast %ge3A_187 : i32 to vector<16xi32>
      %ge3A_189 = arith.cmpi sge, %sub3A_160, %ge3A_188 : vector<16xi32>
      %lt3A_190 = arith.constant 64 : i32
      %lt3A_191 = vector.broadcast %lt3A_190 : i32 to vector<16xi32>
      %lt3A_192 = arith.cmpi slt, %sub3A_160, %lt3A_191 : vector<16xi32>
      %and3A_193 = arith.andi %ge3A_189, %lt3A_192 : vector<16xi1>
      %ge3A_194 = arith.constant 0 : i32
      %ge3A_195 = vector.broadcast %ge3A_194 : i32 to vector<16xi32>
      %ge3A_196 = arith.cmpi sge, %sub3A_162, %ge3A_195 : vector<16xi32>
      %lt3A_197 = arith.constant 64 : i32
      %lt3A_198 = vector.broadcast %lt3A_197 : i32 to vector<16xi32>
      %lt3A_199 = arith.cmpi slt, %sub3A_162, %lt3A_198 : vector<16xi32>
      %and3A_200 = arith.andi %ge3A_196, %lt3A_199 : vector<16xi1>
      %ge3A_201 = arith.constant 0 : i32
      %ge3A_202 = vector.broadcast %ge3A_201 : i32 to vector<16xi32>
      %ge3A_203 = arith.cmpi sge, %sub3A_164, %ge3A_202 : vector<16xi32>
      %lt3A_204 = arith.constant 64 : i32
      %lt3A_205 = vector.broadcast %lt3A_204 : i32 to vector<16xi32>
      %lt3A_206 = arith.cmpi slt, %sub3A_164, %lt3A_205 : vector<16xi32>
      %and3A_207 = arith.andi %ge3A_203, %lt3A_206 : vector<16xi1>
      %ge3A_208 = arith.constant 0 : i32
      %ge3A_209 = vector.broadcast %ge3A_208 : i32 to vector<16xi32>
      %ge3A_210 = arith.cmpi sge, %sub3A_166, %ge3A_209 : vector<16xi32>
      %lt3A_211 = arith.constant 64 : i32
      %lt3A_212 = vector.broadcast %lt3A_211 : i32 to vector<16xi32>
      %lt3A_213 = arith.cmpi slt, %sub3A_166, %lt3A_212 : vector<16xi32>
      %and3A_214 = arith.andi %ge3A_210, %lt3A_213 : vector<16xi1>
      %ge3A_215 = arith.constant 0 : i32
      %ge3A_216 = vector.broadcast %ge3A_215 : i32 to vector<16xi32>
      %ge3A_217 = arith.cmpi sge, %sub3A_168, %ge3A_216 : vector<16xi32>
      %lt3A_218 = arith.constant 64 : i32
      %lt3A_219 = vector.broadcast %lt3A_218 : i32 to vector<16xi32>
      %lt3A_220 = arith.cmpi slt, %sub3A_168, %lt3A_219 : vector<16xi32>
      %and3A_221 = arith.andi %ge3A_217, %lt3A_220 : vector<16xi1>
      %and3A_222 = arith.constant 511 : i32
      %and3A_223 = vector.broadcast %and3A_222 : i32 to vector<16xi32>
      %and3A_224 = arith.andi %get3A_125, %and3A_223 : vector<16xi32>
      %and3A_225 = arith.constant 511 : i32
      %and3A_226 = vector.broadcast %and3A_225 : i32 to vector<16xi32>
      %and3A_227 = arith.andi %get3A_129, %and3A_226 : vector<16xi32>
      %and3A_228 = arith.constant 511 : i32
      %and3A_229 = vector.broadcast %and3A_228 : i32 to vector<16xi32>
      %and3A_230 = arith.andi %get3A_133, %and3A_229 : vector<16xi32>
      %and3A_231 = arith.constant 511 : i32
      %and3A_232 = vector.broadcast %and3A_231 : i32 to vector<16xi32>
      %and3A_233 = arith.andi %get3A_137, %and3A_232 : vector<16xi32>
      %and3A_234 = arith.constant 511 : i32
      %and3A_235 = vector.broadcast %and3A_234 : i32 to vector<16xi32>
      %and3A_236 = arith.andi %get3A_141, %and3A_235 : vector<16xi32>
      %and3A_237 = arith.constant 511 : i32
      %and3A_238 = vector.broadcast %and3A_237 : i32 to vector<16xi32>
      %and3A_239 = arith.andi %get3A_145, %and3A_238 : vector<16xi32>
      %and3A_240 = arith.constant 511 : i32
      %and3A_241 = vector.broadcast %and3A_240 : i32 to vector<16xi32>
      %and3A_242 = arith.andi %get3A_149, %and3A_241 : vector<16xi32>
      %and3A_243 = arith.constant 511 : i32
      %and3A_244 = vector.broadcast %and3A_243 : i32 to vector<16xi32>
      %and3A_245 = arith.andi %get3A_153, %and3A_244 : vector<16xi32>
      %broadcast_in_dim3A = arith.constant 1 : i32
      %broadcast_in_dim3A_246 = vector.broadcast %broadcast_in_dim3A : i32 to vector<16xi32>
      %shift_right_arithmetic3A = arith.constant 9 : i32
      %shift_right_arithmetic3A_247 = vector.broadcast %shift_right_arithmetic3A : i32 to vector<16xi32>
      %shift_right_arithmetic3A_248 = arith.shrsi %get3A_125, %shift_right_arithmetic3A_247 : vector<16xi32>
      %shift_left3A = arith.constant 3 : i32
      %shift_left3A_249 = vector.broadcast %shift_left3A : i32 to vector<16xi32>
      %shift_left3A_250 = arith.shli %shift_right_arithmetic3A_248, %shift_left3A_249 : vector<16xi32>
      %shift_left3A_251 = arith.shli %broadcast_in_dim3A_246, %shift_left3A_250 : vector<16xi32>
      %broadcast_in_dim3A_252 = arith.constant 1 : i32
      %broadcast_in_dim3A_253 = vector.broadcast %broadcast_in_dim3A_252 : i32 to vector<16xi32>
      %shift_right_arithmetic3A_254 = arith.constant 9 : i32
      %shift_right_arithmetic3A_255 = vector.broadcast %shift_right_arithmetic3A_254 : i32 to vector<16xi32>
      %shift_right_arithmetic3A_256 = arith.shrsi %get3A_129, %shift_right_arithmetic3A_255 : vector<16xi32>
      %shift_left3A_257 = arith.constant 3 : i32
      %shift_left3A_258 = vector.broadcast %shift_left3A_257 : i32 to vector<16xi32>
      %shift_left3A_259 = arith.shli %shift_right_arithmetic3A_256, %shift_left3A_258 : vector<16xi32>
      %shift_left3A_260 = arith.shli %broadcast_in_dim3A_253, %shift_left3A_259 : vector<16xi32>
      %broadcast_in_dim3A_261 = arith.constant 1 : i32
      %broadcast_in_dim3A_262 = vector.broadcast %broadcast_in_dim3A_261 : i32 to vector<16xi32>
      %shift_right_arithmetic3A_263 = arith.constant 9 : i32
      %shift_right_arithmetic3A_264 = vector.broadcast %shift_right_arithmetic3A_263 : i32 to vector<16xi32>
      %shift_right_arithmetic3A_265 = arith.shrsi %get3A_133, %shift_right_arithmetic3A_264 : vector<16xi32>
      %shift_left3A_266 = arith.constant 3 : i32
      %shift_left3A_267 = vector.broadcast %shift_left3A_266 : i32 to vector<16xi32>
      %shift_left3A_268 = arith.shli %shift_right_arithmetic3A_265, %shift_left3A_267 : vector<16xi32>
      %shift_left3A_269 = arith.shli %broadcast_in_dim3A_262, %shift_left3A_268 : vector<16xi32>
      %broadcast_in_dim3A_270 = arith.constant 1 : i32
      %broadcast_in_dim3A_271 = vector.broadcast %broadcast_in_dim3A_270 : i32 to vector<16xi32>
      %shift_right_arithmetic3A_272 = arith.constant 9 : i32
      %shift_right_arithmetic3A_273 = vector.broadcast %shift_right_arithmetic3A_272 : i32 to vector<16xi32>
      %shift_right_arithmetic3A_274 = arith.shrsi %get3A_137, %shift_right_arithmetic3A_273 : vector<16xi32>
      %shift_left3A_275 = arith.constant 3 : i32
      %shift_left3A_276 = vector.broadcast %shift_left3A_275 : i32 to vector<16xi32>
      %shift_left3A_277 = arith.shli %shift_right_arithmetic3A_274, %shift_left3A_276 : vector<16xi32>
      %shift_left3A_278 = arith.shli %broadcast_in_dim3A_271, %shift_left3A_277 : vector<16xi32>
      %broadcast_in_dim3A_279 = arith.constant 1 : i32
      %broadcast_in_dim3A_280 = vector.broadcast %broadcast_in_dim3A_279 : i32 to vector<16xi32>
      %shift_right_arithmetic3A_281 = arith.constant 9 : i32
      %shift_right_arithmetic3A_282 = vector.broadcast %shift_right_arithmetic3A_281 : i32 to vector<16xi32>
      %shift_right_arithmetic3A_283 = arith.shrsi %get3A_141, %shift_right_arithmetic3A_282 : vector<16xi32>
      %shift_left3A_284 = arith.constant 3 : i32
      %shift_left3A_285 = vector.broadcast %shift_left3A_284 : i32 to vector<16xi32>
      %shift_left3A_286 = arith.shli %shift_right_arithmetic3A_283, %shift_left3A_285 : vector<16xi32>
      %shift_left3A_287 = arith.shli %broadcast_in_dim3A_280, %shift_left3A_286 : vector<16xi32>
      %broadcast_in_dim3A_288 = arith.constant 1 : i32
      %broadcast_in_dim3A_289 = vector.broadcast %broadcast_in_dim3A_288 : i32 to vector<16xi32>
      %shift_right_arithmetic3A_290 = arith.constant 9 : i32
      %shift_right_arithmetic3A_291 = vector.broadcast %shift_right_arithmetic3A_290 : i32 to vector<16xi32>
      %shift_right_arithmetic3A_292 = arith.shrsi %get3A_145, %shift_right_arithmetic3A_291 : vector<16xi32>
      %shift_left3A_293 = arith.constant 3 : i32
      %shift_left3A_294 = vector.broadcast %shift_left3A_293 : i32 to vector<16xi32>
      %shift_left3A_295 = arith.shli %shift_right_arithmetic3A_292, %shift_left3A_294 : vector<16xi32>
      %shift_left3A_296 = arith.shli %broadcast_in_dim3A_289, %shift_left3A_295 : vector<16xi32>
      %broadcast_in_dim3A_297 = arith.constant 1 : i32
      %broadcast_in_dim3A_298 = vector.broadcast %broadcast_in_dim3A_297 : i32 to vector<16xi32>
      %shift_right_arithmetic3A_299 = arith.constant 9 : i32
      %shift_right_arithmetic3A_300 = vector.broadcast %shift_right_arithmetic3A_299 : i32 to vector<16xi32>
      %shift_right_arithmetic3A_301 = arith.shrsi %get3A_149, %shift_right_arithmetic3A_300 : vector<16xi32>
      %shift_left3A_302 = arith.constant 3 : i32
      %shift_left3A_303 = vector.broadcast %shift_left3A_302 : i32 to vector<16xi32>
      %shift_left3A_304 = arith.shli %shift_right_arithmetic3A_301, %shift_left3A_303 : vector<16xi32>
      %shift_left3A_305 = arith.shli %broadcast_in_dim3A_298, %shift_left3A_304 : vector<16xi32>
      %broadcast_in_dim3A_306 = arith.constant 1 : i32
      %broadcast_in_dim3A_307 = vector.broadcast %broadcast_in_dim3A_306 : i32 to vector<16xi32>
      %shift_right_arithmetic3A_308 = arith.constant 9 : i32
      %shift_right_arithmetic3A_309 = vector.broadcast %shift_right_arithmetic3A_308 : i32 to vector<16xi32>
      %shift_right_arithmetic3A_310 = arith.shrsi %get3A_153, %shift_right_arithmetic3A_309 : vector<16xi32>
      %shift_left3A_311 = arith.constant 3 : i32
      %shift_left3A_312 = vector.broadcast %shift_left3A_311 : i32 to vector<16xi32>
      %shift_left3A_313 = arith.shli %shift_right_arithmetic3A_310, %shift_left3A_312 : vector<16xi32>
      %shift_left3A_314 = arith.shli %broadcast_in_dim3A_307, %shift_left3A_313 : vector<16xi32>
      tpu.vector_store_idx %arg10[%sub3A_154, %and3A_224], %shift_left3A_251 masked %and3A {add = true} : memref<64x512xi32, #tpu.memory_space<vmem>>[vector<16xi32>, vector<16xi32>], vector<16xi32>, vector<16xi1>
      tpu.vector_store_idx %arg10[%sub3A_156, %and3A_227], %shift_left3A_260 masked %and3A_179 {add = true} : memref<64x512xi32, #tpu.memory_space<vmem>>[vector<16xi32>, vector<16xi32>], vector<16xi32>, vector<16xi1>
      tpu.vector_store_idx %arg10[%sub3A_158, %and3A_230], %shift_left3A_269 masked %and3A_186 {add = true} : memref<64x512xi32, #tpu.memory_space<vmem>>[vector<16xi32>, vector<16xi32>], vector<16xi32>, vector<16xi1>
      tpu.vector_store_idx %arg10[%sub3A_160, %and3A_233], %shift_left3A_278 masked %and3A_193 {add = true} : memref<64x512xi32, #tpu.memory_space<vmem>>[vector<16xi32>, vector<16xi32>], vector<16xi32>, vector<16xi1>
      tpu.vector_store_idx %arg10[%sub3A_162, %and3A_236], %shift_left3A_287 masked %and3A_200 {add = true} : memref<64x512xi32, #tpu.memory_space<vmem>>[vector<16xi32>, vector<16xi32>], vector<16xi32>, vector<16xi1>
      tpu.vector_store_idx %arg10[%sub3A_164, %and3A_239], %shift_left3A_296 masked %and3A_207 {add = true} : memref<64x512xi32, #tpu.memory_space<vmem>>[vector<16xi32>, vector<16xi32>], vector<16xi32>, vector<16xi1>
      tpu.vector_store_idx %arg10[%sub3A_166, %and3A_242], %shift_left3A_305 masked %and3A_214 {add = true} : memref<64x512xi32, #tpu.memory_space<vmem>>[vector<16xi32>, vector<16xi32>], vector<16xi32>, vector<16xi1>
      tpu.vector_store_idx %arg10[%sub3A_168, %and3A_245], %shift_left3A_314 masked %and3A_221 {add = true} : memref<64x512xi32, #tpu.memory_space<vmem>>[vector<16xi32>, vector<16xi32>], vector<16xi32>, vector<16xi1>
    }
    %scan3A_73 = arith.constant 128 : i32
    %dma_wait3A_74 = arith.constant 49152 : i32
    %dma_wait3A_75 = tpu.memref_slice %arg2[%dma_wait3A_74] : memref<65536xi32, #tpu.memory_space<hbm>> -> memref<16384xi32, #tpu.memory_space<hbm>>
    %dma_wait3A_76 = arith.constant 49152 : i32
    %dma_wait3A_77 = tpu.memref_slice %arg2[%dma_wait3A_76] : memref<65536xi32, #tpu.memory_space<hbm>> -> memref<16384xi32, #tpu.memory_space<hbm>>
    tpu.wait_dma2 semaphore(%arg12 : memref<!tpu.dma_semaphore, #tpu.memory_space<semaphore_mem>>) src(%dma_wait3A_77 : memref<16384xi32, #tpu.memory_space<hbm>>) dst(%arg8 : memref<16384xi32, #tpu.memory_space<vmem>>)
    %dma_wait3A_78 = arith.constant 49152 : i32
    %dma_wait3A_79 = tpu.memref_slice %arg3[%dma_wait3A_78] : memref<65536xi32, #tpu.memory_space<hbm>> -> memref<16384xi32, #tpu.memory_space<hbm>>
    %dma_wait3A_80 = arith.constant 49152 : i32
    %dma_wait3A_81 = tpu.memref_slice %arg3[%dma_wait3A_80] : memref<65536xi32, #tpu.memory_space<hbm>> -> memref<16384xi32, #tpu.memory_space<hbm>>
    tpu.wait_dma2 semaphore(%arg12 : memref<!tpu.dma_semaphore, #tpu.memory_space<semaphore_mem>>) src(%dma_wait3A_81 : memref<16384xi32, #tpu.memory_space<hbm>>) dst(%arg9 : memref<16384xi32, #tpu.memory_space<vmem>>)
    %scan3A_82 = arith.constant 0 : i32
    %scan3A_83 = arith.constant 0 : i32
    %scan3A_84 = arith.constant 128 : i32
    %scan3A_85 = arith.addi %scan3A_83, %scan3A_84 : i32
    %scan3A_86 = arith.constant 1 : i32
    scf.for %scan3A_88 = %scan3A_83 to %scan3A_85 step %scan3A_86  : i32 {
      %mul3A_89 = arith.constant 128 : i32
      %mul3A_90 = arith.muli %scan3A_88, %mul3A_89 : i32
      %add3A_91 = arith.constant 0 : i32
      %add3A_92 = arith.addi %mul3A_90, %add3A_91 : i32
      %get3A = arith.index_cast %add3A_92 : i32 to index
      %get3A_93 = tpu.vector_load %arg9[%get3A] {strides = array<i32>} : memref<16384xi32, #tpu.memory_space<vmem>>, vector<16xi32>,
      %add3A_94 = arith.constant 16 : i32
      %add3A_95 = arith.addi %mul3A_90, %add3A_94 : i32
      %get3A_96 = arith.index_cast %add3A_95 : i32 to index
      %get3A_97 = tpu.vector_load %arg9[%get3A_96] {strides = array<i32>} : memref<16384xi32, #tpu.memory_space<vmem>>, vector<16xi32>,
      %add3A_98 = arith.constant 32 : i32
      %add3A_99 = arith.addi %mul3A_90, %add3A_98 : i32
      %get3A_100 = arith.index_cast %add3A_99 : i32 to index
      %get3A_101 = tpu.vector_load %arg9[%get3A_100] {strides = array<i32>} : memref<16384xi32, #tpu.memory_space<vmem>>, vector<16xi32>,
      %add3A_102 = arith.constant 48 : i32
      %add3A_103 = arith.addi %mul3A_90, %add3A_102 : i32
      %get3A_104 = arith.index_cast %add3A_103 : i32 to index
      %get3A_105 = tpu.vector_load %arg9[%get3A_104] {strides = array<i32>} : memref<16384xi32, #tpu.memory_space<vmem>>, vector<16xi32>,
      %add3A_106 = arith.constant 64 : i32
      %add3A_107 = arith.addi %mul3A_90, %add3A_106 : i32
      %get3A_108 = arith.index_cast %add3A_107 : i32 to index
      %get3A_109 = tpu.vector_load %arg9[%get3A_108] {strides = array<i32>} : memref<16384xi32, #tpu.memory_space<vmem>>, vector<16xi32>,
      %add3A_110 = arith.constant 80 : i32
      %add3A_111 = arith.addi %mul3A_90, %add3A_110 : i32
      %get3A_112 = arith.index_cast %add3A_111 : i32 to index
      %get3A_113 = tpu.vector_load %arg9[%get3A_112] {strides = array<i32>} : memref<16384xi32, #tpu.memory_space<vmem>>, vector<16xi32>,
      %add3A_114 = arith.constant 96 : i32
      %add3A_115 = arith.addi %mul3A_90, %add3A_114 : i32
      %get3A_116 = arith.index_cast %add3A_115 : i32 to index
      %get3A_117 = tpu.vector_load %arg9[%get3A_116] {strides = array<i32>} : memref<16384xi32, #tpu.memory_space<vmem>>, vector<16xi32>,
      %add3A_118 = arith.constant 112 : i32
      %add3A_119 = arith.addi %mul3A_90, %add3A_118 : i32
      %get3A_120 = arith.index_cast %add3A_119 : i32 to index
      %get3A_121 = tpu.vector_load %arg9[%get3A_120] {strides = array<i32>} : memref<16384xi32, #tpu.memory_space<vmem>>, vector<16xi32>,
      %add3A_122 = arith.constant 0 : i32
      %add3A_123 = arith.addi %mul3A_90, %add3A_122 : i32
      %get3A_124 = arith.index_cast %add3A_123 : i32 to index
      %get3A_125 = tpu.vector_load %arg8[%get3A_124] {strides = array<i32>} : memref<16384xi32, #tpu.memory_space<vmem>>, vector<16xi32>,
      %add3A_126 = arith.constant 16 : i32
      %add3A_127 = arith.addi %mul3A_90, %add3A_126 : i32
      %get3A_128 = arith.index_cast %add3A_127 : i32 to index
      %get3A_129 = tpu.vector_load %arg8[%get3A_128] {strides = array<i32>} : memref<16384xi32, #tpu.memory_space<vmem>>, vector<16xi32>,
      %add3A_130 = arith.constant 32 : i32
      %add3A_131 = arith.addi %mul3A_90, %add3A_130 : i32
      %get3A_132 = arith.index_cast %add3A_131 : i32 to index
      %get3A_133 = tpu.vector_load %arg8[%get3A_132] {strides = array<i32>} : memref<16384xi32, #tpu.memory_space<vmem>>, vector<16xi32>,
      %add3A_134 = arith.constant 48 : i32
      %add3A_135 = arith.addi %mul3A_90, %add3A_134 : i32
      %get3A_136 = arith.index_cast %add3A_135 : i32 to index
      %get3A_137 = tpu.vector_load %arg8[%get3A_136] {strides = array<i32>} : memref<16384xi32, #tpu.memory_space<vmem>>, vector<16xi32>,
      %add3A_138 = arith.constant 64 : i32
      %add3A_139 = arith.addi %mul3A_90, %add3A_138 : i32
      %get3A_140 = arith.index_cast %add3A_139 : i32 to index
      %get3A_141 = tpu.vector_load %arg8[%get3A_140] {strides = array<i32>} : memref<16384xi32, #tpu.memory_space<vmem>>, vector<16xi32>,
      %add3A_142 = arith.constant 80 : i32
      %add3A_143 = arith.addi %mul3A_90, %add3A_142 : i32
      %get3A_144 = arith.index_cast %add3A_143 : i32 to index
      %get3A_145 = tpu.vector_load %arg8[%get3A_144] {strides = array<i32>} : memref<16384xi32, #tpu.memory_space<vmem>>, vector<16xi32>,
      %add3A_146 = arith.constant 96 : i32
      %add3A_147 = arith.addi %mul3A_90, %add3A_146 : i32
      %get3A_148 = arith.index_cast %add3A_147 : i32 to index
      %get3A_149 = tpu.vector_load %arg8[%get3A_148] {strides = array<i32>} : memref<16384xi32, #tpu.memory_space<vmem>>, vector<16xi32>,
      %add3A_150 = arith.constant 112 : i32
      %add3A_151 = arith.addi %mul3A_90, %add3A_150 : i32
      %get3A_152 = arith.index_cast %add3A_151 : i32 to index
      %get3A_153 = tpu.vector_load %arg8[%get3A_152] {strides = array<i32>} : memref<16384xi32, #tpu.memory_space<vmem>>, vector<16xi32>,
      %sub3A = vector.broadcast %mul3A_2 : i32 to vector<16xi32>
      %sub3A_154 = arith.subi %get3A_93, %sub3A : vector<16xi32>
      %sub3A_155 = vector.broadcast %mul3A_2 : i32 to vector<16xi32>
      %sub3A_156 = arith.subi %get3A_97, %sub3A_155 : vector<16xi32>
      %sub3A_157 = vector.broadcast %mul3A_2 : i32 to vector<16xi32>
      %sub3A_158 = arith.subi %get3A_101, %sub3A_157 : vector<16xi32>
      %sub3A_159 = vector.broadcast %mul3A_2 : i32 to vector<16xi32>
      %sub3A_160 = arith.subi %get3A_105, %sub3A_159 : vector<16xi32>
      %sub3A_161 = vector.broadcast %mul3A_2 : i32 to vector<16xi32>
      %sub3A_162 = arith.subi %get3A_109, %sub3A_161 : vector<16xi32>
      %sub3A_163 = vector.broadcast %mul3A_2 : i32 to vector<16xi32>
      %sub3A_164 = arith.subi %get3A_113, %sub3A_163 : vector<16xi32>
      %sub3A_165 = vector.broadcast %mul3A_2 : i32 to vector<16xi32>
      %sub3A_166 = arith.subi %get3A_117, %sub3A_165 : vector<16xi32>
      %sub3A_167 = vector.broadcast %mul3A_2 : i32 to vector<16xi32>
      %sub3A_168 = arith.subi %get3A_121, %sub3A_167 : vector<16xi32>
      %ge3A = arith.constant 0 : i32
      %ge3A_169 = vector.broadcast %ge3A : i32 to vector<16xi32>
      %ge3A_170 = arith.cmpi sge, %sub3A_154, %ge3A_169 : vector<16xi32>
      %lt3A = arith.constant 64 : i32
      %lt3A_171 = vector.broadcast %lt3A : i32 to vector<16xi32>
      %lt3A_172 = arith.cmpi slt, %sub3A_154, %lt3A_171 : vector<16xi32>
      %and3A = arith.andi %ge3A_170, %lt3A_172 : vector<16xi1>
      %ge3A_173 = arith.constant 0 : i32
      %ge3A_174 = vector.broadcast %ge3A_173 : i32 to vector<16xi32>
      %ge3A_175 = arith.cmpi sge, %sub3A_156, %ge3A_174 : vector<16xi32>
      %lt3A_176 = arith.constant 64 : i32
      %lt3A_177 = vector.broadcast %lt3A_176 : i32 to vector<16xi32>
      %lt3A_178 = arith.cmpi slt, %sub3A_156, %lt3A_177 : vector<16xi32>
      %and3A_179 = arith.andi %ge3A_175, %lt3A_178 : vector<16xi1>
      %ge3A_180 = arith.constant 0 : i32
      %ge3A_181 = vector.broadcast %ge3A_180 : i32 to vector<16xi32>
      %ge3A_182 = arith.cmpi sge, %sub3A_158, %ge3A_181 : vector<16xi32>
      %lt3A_183 = arith.constant 64 : i32
      %lt3A_184 = vector.broadcast %lt3A_183 : i32 to vector<16xi32>
      %lt3A_185 = arith.cmpi slt, %sub3A_158, %lt3A_184 : vector<16xi32>
      %and3A_186 = arith.andi %ge3A_182, %lt3A_185 : vector<16xi1>
      %ge3A_187 = arith.constant 0 : i32
      %ge3A_188 = vector.broadcast %ge3A_187 : i32 to vector<16xi32>
      %ge3A_189 = arith.cmpi sge, %sub3A_160, %ge3A_188 : vector<16xi32>
      %lt3A_190 = arith.constant 64 : i32
      %lt3A_191 = vector.broadcast %lt3A_190 : i32 to vector<16xi32>
      %lt3A_192 = arith.cmpi slt, %sub3A_160, %lt3A_191 : vector<16xi32>
      %and3A_193 = arith.andi %ge3A_189, %lt3A_192 : vector<16xi1>
      %ge3A_194 = arith.constant 0 : i32
      %ge3A_195 = vector.broadcast %ge3A_194 : i32 to vector<16xi32>
      %ge3A_196 = arith.cmpi sge, %sub3A_162, %ge3A_195 : vector<16xi32>
      %lt3A_197 = arith.constant 64 : i32
      %lt3A_198 = vector.broadcast %lt3A_197 : i32 to vector<16xi32>
      %lt3A_199 = arith.cmpi slt, %sub3A_162, %lt3A_198 : vector<16xi32>
      %and3A_200 = arith.andi %ge3A_196, %lt3A_199 : vector<16xi1>
      %ge3A_201 = arith.constant 0 : i32
      %ge3A_202 = vector.broadcast %ge3A_201 : i32 to vector<16xi32>
      %ge3A_203 = arith.cmpi sge, %sub3A_164, %ge3A_202 : vector<16xi32>
      %lt3A_204 = arith.constant 64 : i32
      %lt3A_205 = vector.broadcast %lt3A_204 : i32 to vector<16xi32>
      %lt3A_206 = arith.cmpi slt, %sub3A_164, %lt3A_205 : vector<16xi32>
      %and3A_207 = arith.andi %ge3A_203, %lt3A_206 : vector<16xi1>
      %ge3A_208 = arith.constant 0 : i32
      %ge3A_209 = vector.broadcast %ge3A_208 : i32 to vector<16xi32>
      %ge3A_210 = arith.cmpi sge, %sub3A_166, %ge3A_209 : vector<16xi32>
      %lt3A_211 = arith.constant 64 : i32
      %lt3A_212 = vector.broadcast %lt3A_211 : i32 to vector<16xi32>
      %lt3A_213 = arith.cmpi slt, %sub3A_166, %lt3A_212 : vector<16xi32>
      %and3A_214 = arith.andi %ge3A_210, %lt3A_213 : vector<16xi1>
      %ge3A_215 = arith.constant 0 : i32
      %ge3A_216 = vector.broadcast %ge3A_215 : i32 to vector<16xi32>
      %ge3A_217 = arith.cmpi sge, %sub3A_168, %ge3A_216 : vector<16xi32>
      %lt3A_218 = arith.constant 64 : i32
      %lt3A_219 = vector.broadcast %lt3A_218 : i32 to vector<16xi32>
      %lt3A_220 = arith.cmpi slt, %sub3A_168, %lt3A_219 : vector<16xi32>
      %and3A_221 = arith.andi %ge3A_217, %lt3A_220 : vector<16xi1>
      %and3A_222 = arith.constant 511 : i32
      %and3A_223 = vector.broadcast %and3A_222 : i32 to vector<16xi32>
      %and3A_224 = arith.andi %get3A_125, %and3A_223 : vector<16xi32>
      %and3A_225 = arith.constant 511 : i32
      %and3A_226 = vector.broadcast %and3A_225 : i32 to vector<16xi32>
      %and3A_227 = arith.andi %get3A_129, %and3A_226 : vector<16xi32>
      %and3A_228 = arith.constant 511 : i32
      %and3A_229 = vector.broadcast %and3A_228 : i32 to vector<16xi32>
      %and3A_230 = arith.andi %get3A_133, %and3A_229 : vector<16xi32>
      %and3A_231 = arith.constant 511 : i32
      %and3A_232 = vector.broadcast %and3A_231 : i32 to vector<16xi32>
      %and3A_233 = arith.andi %get3A_137, %and3A_232 : vector<16xi32>
      %and3A_234 = arith.constant 511 : i32
      %and3A_235 = vector.broadcast %and3A_234 : i32 to vector<16xi32>
      %and3A_236 = arith.andi %get3A_141, %and3A_235 : vector<16xi32>
      %and3A_237 = arith.constant 511 : i32
      %and3A_238 = vector.broadcast %and3A_237 : i32 to vector<16xi32>
      %and3A_239 = arith.andi %get3A_145, %and3A_238 : vector<16xi32>
      %and3A_240 = arith.constant 511 : i32
      %and3A_241 = vector.broadcast %and3A_240 : i32 to vector<16xi32>
      %and3A_242 = arith.andi %get3A_149, %and3A_241 : vector<16xi32>
      %and3A_243 = arith.constant 511 : i32
      %and3A_244 = vector.broadcast %and3A_243 : i32 to vector<16xi32>
      %and3A_245 = arith.andi %get3A_153, %and3A_244 : vector<16xi32>
      %broadcast_in_dim3A = arith.constant 1 : i32
      %broadcast_in_dim3A_246 = vector.broadcast %broadcast_in_dim3A : i32 to vector<16xi32>
      %shift_right_arithmetic3A = arith.constant 9 : i32
      %shift_right_arithmetic3A_247 = vector.broadcast %shift_right_arithmetic3A : i32 to vector<16xi32>
      %shift_right_arithmetic3A_248 = arith.shrsi %get3A_125, %shift_right_arithmetic3A_247 : vector<16xi32>
      %shift_left3A = arith.constant 3 : i32
      %shift_left3A_249 = vector.broadcast %shift_left3A : i32 to vector<16xi32>
      %shift_left3A_250 = arith.shli %shift_right_arithmetic3A_248, %shift_left3A_249 : vector<16xi32>
      %shift_left3A_251 = arith.shli %broadcast_in_dim3A_246, %shift_left3A_250 : vector<16xi32>
      %broadcast_in_dim3A_252 = arith.constant 1 : i32
      %broadcast_in_dim3A_253 = vector.broadcast %broadcast_in_dim3A_252 : i32 to vector<16xi32>
      %shift_right_arithmetic3A_254 = arith.constant 9 : i32
      %shift_right_arithmetic3A_255 = vector.broadcast %shift_right_arithmetic3A_254 : i32 to vector<16xi32>
      %shift_right_arithmetic3A_256 = arith.shrsi %get3A_129, %shift_right_arithmetic3A_255 : vector<16xi32>
      %shift_left3A_257 = arith.constant 3 : i32
      %shift_left3A_258 = vector.broadcast %shift_left3A_257 : i32 to vector<16xi32>
      %shift_left3A_259 = arith.shli %shift_right_arithmetic3A_256, %shift_left3A_258 : vector<16xi32>
      %shift_left3A_260 = arith.shli %broadcast_in_dim3A_253, %shift_left3A_259 : vector<16xi32>
      %broadcast_in_dim3A_261 = arith.constant 1 : i32
      %broadcast_in_dim3A_262 = vector.broadcast %broadcast_in_dim3A_261 : i32 to vector<16xi32>
      %shift_right_arithmetic3A_263 = arith.constant 9 : i32
      %shift_right_arithmetic3A_264 = vector.broadcast %shift_right_arithmetic3A_263 : i32 to vector<16xi32>
      %shift_right_arithmetic3A_265 = arith.shrsi %get3A_133, %shift_right_arithmetic3A_264 : vector<16xi32>
      %shift_left3A_266 = arith.constant 3 : i32
      %shift_left3A_267 = vector.broadcast %shift_left3A_266 : i32 to vector<16xi32>
      %shift_left3A_268 = arith.shli %shift_right_arithmetic3A_265, %shift_left3A_267 : vector<16xi32>
      %shift_left3A_269 = arith.shli %broadcast_in_dim3A_262, %shift_left3A_268 : vector<16xi32>
      %broadcast_in_dim3A_270 = arith.constant 1 : i32
      %broadcast_in_dim3A_271 = vector.broadcast %broadcast_in_dim3A_270 : i32 to vector<16xi32>
      %shift_right_arithmetic3A_272 = arith.constant 9 : i32
      %shift_right_arithmetic3A_273 = vector.broadcast %shift_right_arithmetic3A_272 : i32 to vector<16xi32>
      %shift_right_arithmetic3A_274 = arith.shrsi %get3A_137, %shift_right_arithmetic3A_273 : vector<16xi32>
      %shift_left3A_275 = arith.constant 3 : i32
      %shift_left3A_276 = vector.broadcast %shift_left3A_275 : i32 to vector<16xi32>
      %shift_left3A_277 = arith.shli %shift_right_arithmetic3A_274, %shift_left3A_276 : vector<16xi32>
      %shift_left3A_278 = arith.shli %broadcast_in_dim3A_271, %shift_left3A_277 : vector<16xi32>
      %broadcast_in_dim3A_279 = arith.constant 1 : i32
      %broadcast_in_dim3A_280 = vector.broadcast %broadcast_in_dim3A_279 : i32 to vector<16xi32>
      %shift_right_arithmetic3A_281 = arith.constant 9 : i32
      %shift_right_arithmetic3A_282 = vector.broadcast %shift_right_arithmetic3A_281 : i32 to vector<16xi32>
      %shift_right_arithmetic3A_283 = arith.shrsi %get3A_141, %shift_right_arithmetic3A_282 : vector<16xi32>
      %shift_left3A_284 = arith.constant 3 : i32
      %shift_left3A_285 = vector.broadcast %shift_left3A_284 : i32 to vector<16xi32>
      %shift_left3A_286 = arith.shli %shift_right_arithmetic3A_283, %shift_left3A_285 : vector<16xi32>
      %shift_left3A_287 = arith.shli %broadcast_in_dim3A_280, %shift_left3A_286 : vector<16xi32>
      %broadcast_in_dim3A_288 = arith.constant 1 : i32
      %broadcast_in_dim3A_289 = vector.broadcast %broadcast_in_dim3A_288 : i32 to vector<16xi32>
      %shift_right_arithmetic3A_290 = arith.constant 9 : i32
      %shift_right_arithmetic3A_291 = vector.broadcast %shift_right_arithmetic3A_290 : i32 to vector<16xi32>
      %shift_right_arithmetic3A_292 = arith.shrsi %get3A_145, %shift_right_arithmetic3A_291 : vector<16xi32>
      %shift_left3A_293 = arith.constant 3 : i32
      %shift_left3A_294 = vector.broadcast %shift_left3A_293 : i32 to vector<16xi32>
      %shift_left3A_295 = arith.shli %shift_right_arithmetic3A_292, %shift_left3A_294 : vector<16xi32>
      %shift_left3A_296 = arith.shli %broadcast_in_dim3A_289, %shift_left3A_295 : vector<16xi32>
      %broadcast_in_dim3A_297 = arith.constant 1 : i32
      %broadcast_in_dim3A_298 = vector.broadcast %broadcast_in_dim3A_297 : i32 to vector<16xi32>
      %shift_right_arithmetic3A_299 = arith.constant 9 : i32
      %shift_right_arithmetic3A_300 = vector.broadcast %shift_right_arithmetic3A_299 : i32 to vector<16xi32>
      %shift_right_arithmetic3A_301 = arith.shrsi %get3A_149, %shift_right_arithmetic3A_300 : vector<16xi32>
      %shift_left3A_302 = arith.constant 3 : i32
      %shift_left3A_303 = vector.broadcast %shift_left3A_302 : i32 to vector<16xi32>
      %shift_left3A_304 = arith.shli %shift_right_arithmetic3A_301, %shift_left3A_303 : vector<16xi32>
      %shift_left3A_305 = arith.shli %broadcast_in_dim3A_298, %shift_left3A_304 : vector<16xi32>
      %broadcast_in_dim3A_306 = arith.constant 1 : i32
      %broadcast_in_dim3A_307 = vector.broadcast %broadcast_in_dim3A_306 : i32 to vector<16xi32>
      %shift_right_arithmetic3A_308 = arith.constant 9 : i32
      %shift_right_arithmetic3A_309 = vector.broadcast %shift_right_arithmetic3A_308 : i32 to vector<16xi32>
      %shift_right_arithmetic3A_310 = arith.shrsi %get3A_153, %shift_right_arithmetic3A_309 : vector<16xi32>
      %shift_left3A_311 = arith.constant 3 : i32
      %shift_left3A_312 = vector.broadcast %shift_left3A_311 : i32 to vector<16xi32>
      %shift_left3A_313 = arith.shli %shift_right_arithmetic3A_310, %shift_left3A_312 : vector<16xi32>
      %shift_left3A_314 = arith.shli %broadcast_in_dim3A_307, %shift_left3A_313 : vector<16xi32>
      tpu.vector_store_idx %arg10[%sub3A_154, %and3A_224], %shift_left3A_251 masked %and3A {add = true} : memref<64x512xi32, #tpu.memory_space<vmem>>[vector<16xi32>, vector<16xi32>], vector<16xi32>, vector<16xi1>
      tpu.vector_store_idx %arg10[%sub3A_156, %and3A_227], %shift_left3A_260 masked %and3A_179 {add = true} : memref<64x512xi32, #tpu.memory_space<vmem>>[vector<16xi32>, vector<16xi32>], vector<16xi32>, vector<16xi1>
      tpu.vector_store_idx %arg10[%sub3A_158, %and3A_230], %shift_left3A_269 masked %and3A_186 {add = true} : memref<64x512xi32, #tpu.memory_space<vmem>>[vector<16xi32>, vector<16xi32>], vector<16xi32>, vector<16xi1>
      tpu.vector_store_idx %arg10[%sub3A_160, %and3A_233], %shift_left3A_278 masked %and3A_193 {add = true} : memref<64x512xi32, #tpu.memory_space<vmem>>[vector<16xi32>, vector<16xi32>], vector<16xi32>, vector<16xi1>
      tpu.vector_store_idx %arg10[%sub3A_162, %and3A_236], %shift_left3A_287 masked %and3A_200 {add = true} : memref<64x512xi32, #tpu.memory_space<vmem>>[vector<16xi32>, vector<16xi32>], vector<16xi32>, vector<16xi1>
      tpu.vector_store_idx %arg10[%sub3A_164, %and3A_239], %shift_left3A_296 masked %and3A_207 {add = true} : memref<64x512xi32, #tpu.memory_space<vmem>>[vector<16xi32>, vector<16xi32>], vector<16xi32>, vector<16xi1>
      tpu.vector_store_idx %arg10[%sub3A_166, %and3A_242], %shift_left3A_305 masked %and3A_214 {add = true} : memref<64x512xi32, #tpu.memory_space<vmem>>[vector<16xi32>, vector<16xi32>], vector<16xi32>, vector<16xi1>
      tpu.vector_store_idx %arg10[%sub3A_168, %and3A_245], %shift_left3A_314 masked %and3A_221 {add = true} : memref<64x512xi32, #tpu.memory_space<vmem>>[vector<16xi32>, vector<16xi32>], vector<16xi32>, vector<16xi1>
    }
    %scan3A_87 = arith.constant 128 : i32
    "tpu.region"() ({
      %run_scoped3A = tpu.sem_alloc : memref<!tpu.dma_semaphore, #tpu.memory_space<semaphore_mem>>
      %dma_start3A_88 = arith.constant 0 : i32
      %dma_start3A_89 = tpu.memref_slice %arg5[%mul3A_2, %dma_start3A_88] : memref<2048x512xi32, #tpu.memory_space<hbm>> -> memref<64x512xi32, #tpu.memory_space<hbm>>
      %dma_start3A_90 = arith.constant 0 : i32
      %dma_start3A_91 = tpu.memref_slice %arg5[%mul3A_2, %dma_start3A_90] : memref<2048x512xi32, #tpu.memory_space<hbm>> -> memref<64x512xi32, #tpu.memory_space<hbm>>
      tpu.enqueue_dma source(%arg10 : memref<64x512xi32, #tpu.memory_space<vmem>>) target(%dma_start3A_91 : memref<64x512xi32, #tpu.memory_space<hbm>>) target_semaphore(%run_scoped3A : memref<!tpu.dma_semaphore, #tpu.memory_space<semaphore_mem>>)
      %dma_wait3A_92 = arith.constant 0 : i32
      %dma_wait3A_93 = tpu.memref_slice %arg5[%mul3A_2, %dma_wait3A_92] : memref<2048x512xi32, #tpu.memory_space<hbm>> -> memref<64x512xi32, #tpu.memory_space<hbm>>
      %dma_wait3A_94 = arith.constant 0 : i32
      %dma_wait3A_95 = tpu.memref_slice %arg5[%mul3A_2, %dma_wait3A_94] : memref<2048x512xi32, #tpu.memory_space<hbm>> -> memref<64x512xi32, #tpu.memory_space<hbm>>
      tpu.wait_dma2 semaphore(%run_scoped3A : memref<!tpu.dma_semaphore, #tpu.memory_space<semaphore_mem>>) src(%arg10 : memref<64x512xi32, #tpu.memory_space<vmem>>) dst(%dma_wait3A_95 : memref<64x512xi32, #tpu.memory_space<hbm>>)
      tpu.yield
    }) : () -> ()
    return
  }
}

module attributes {stable_mosaic.version = 14 : i64} {
  func.func @_proj0_body(%arg0: i32, %arg1: memref<512x256xf32, #tpu.memory_space<vmem>>, %arg2: memref<256x1024xf32, #tpu.memory_space<vmem>>, %arg3: memref<1024x128xf32, #tpu.memory_space<vmem>>, %arg4: memref<1024x128xf32, #tpu.memory_space<vmem>>, %arg5: memref<512x1xf32, #tpu.memory_space<vmem>>, %arg6: memref<1x1xf32, #tpu.memory_space<vmem>>, %arg7: memref<512x1xi32, #tpu.memory_space<vmem>>, %arg8: memref<1x256xf32, #tpu.memory_space<vmem>>, %arg9: memref<1x256xf32, #tpu.memory_space<vmem>>, %arg10: memref<1x256xf32, #tpu.memory_space<vmem>>, %arg11: memref<512x1024xf32, #tpu.memory_space<vmem>>, %arg12: memref<128x512xf32, #tpu.memory_space<vmem>>, %arg13: memref<512x128xf32, #tpu.memory_space<vmem>>, %arg14: memref<512x128xf32, #tpu.memory_space<vmem>>, %arg15: memref<512x256xf32, #tpu.memory_space<vmem>>) attributes {dimension_semantics = [#tpu.dimension_semantics<arbitrary>], iteration_bounds = array<i64: 4>, scalar_prefetch = 0 : i64, scratch_operands = 0 : i64, tpu.core_type = #tpu.core_type<tc>, window_params = [{transform_indices = @transform_0, window_bounds = array<i64: 512, 256>}, {pipeline_mode = #tpu.pipeline_mode<synchronous>, transform_indices = @transform_1, window_bounds = array<i64: 256, 1024>}, {pipeline_mode = #tpu.pipeline_mode<synchronous>, transform_indices = @transform_2, window_bounds = array<i64: 1024, 128>}, {pipeline_mode = #tpu.pipeline_mode<synchronous>, transform_indices = @transform_3, window_bounds = array<i64: 1024, 128>}, {transform_indices = @transform_4, window_bounds = array<i64: 512, 1>}, {pipeline_mode = #tpu.pipeline_mode<synchronous>, transform_indices = @transform_5, window_bounds = array<i64: 1, 1>}, {transform_indices = @transform_6, window_bounds = array<i64: 512, 1>}, {pipeline_mode = #tpu.pipeline_mode<synchronous>, transform_indices = @transform_7, window_bounds = array<i64: 1, 256>}, {pipeline_mode = #tpu.pipeline_mode<synchronous>, transform_indices = @transform_8, window_bounds = array<i64: 1, 256>}, {pipeline_mode = #tpu.pipeline_mode<synchronous>, transform_indices = @transform_9, window_bounds = array<i64: 1, 256>}, {transform_indices = @transform_10, window_bounds = array<i64: 512, 1024>}, {transform_indices = @transform_11, window_bounds = array<i64: 128, 512>}, {transform_indices = @transform_12, window_bounds = array<i64: 512, 128>}, {transform_indices = @transform_13, window_bounds = array<i64: 512, 128>}, {transform_indices = @transform_14, window_bounds = array<i64: 512, 256>}]} {
    %get3A = arith.constant 0 : index
    %get3A_0 = arith.constant 0 : index
    %get3A_1 = vector.load %arg1[%get3A, %get3A_0] : memref<512x256xf32, #tpu.memory_space<vmem>>, vector<512x256xf32>
    %get3A_2 = arith.constant 0 : index
    %get3A_3 = arith.constant 0 : index
    %get3A_4 = vector.load %arg2[%get3A_2, %get3A_3] : memref<256x1024xf32, #tpu.memory_space<vmem>>, vector<256x1024xf32>
    %dot_general3A = arith.constant dense<0.000000e+00> : vector<512x1024xf32>
    %dot_general3A_5 = tpu.matmul %get3A_1, %get3A_4, %dot_general3A {dimension_numbers = #tpu.dot_dimension_numbers<[1], [0], [0], [1], [0, 0, 1, 1], [], []>, transpose_lhs_hint = false} : vector<512x256xf32>, vector<256x1024xf32>, vector<512x1024xf32> -> vector<512x1024xf32>
    %swap3A = arith.constant 0 : index
    %swap3A_6 = arith.constant 0 : index
    %swap3A_7 = vector.load %arg11[%swap3A, %swap3A_6] : memref<512x1024xf32, #tpu.memory_space<vmem>>, vector<512x1024xf32>
    tpu.vector_store %arg11[%swap3A, %swap3A_6], %dot_general3A_5 {strides = array<i32>} : memref<512x1024xf32, #tpu.memory_space<vmem>>, vector<512x1024xf32>,
    %get3A_8 = arith.constant 0 : index
    %get3A_9 = arith.constant 0 : index
    %get3A_10 = vector.load %arg4[%get3A_8, %get3A_9] : memref<1024x128xf32, #tpu.memory_space<vmem>>, vector<1024x128xf32>
    %dot_general3A_11 = arith.constant dense<0.000000e+00> : vector<512x128xf32>
    %dot_general3A_12 = tpu.matmul %dot_general3A_5, %get3A_10, %dot_general3A_11 {dimension_numbers = #tpu.dot_dimension_numbers<[1], [0], [0], [1], [0, 0, 1, 1], [], []>, transpose_lhs_hint = false} : vector<512x1024xf32>, vector<1024x128xf32>, vector<512x128xf32> -> vector<512x128xf32>
    %swap3A_13 = arith.constant 0 : index
    %swap3A_14 = arith.constant 0 : index
    %swap3A_15 = vector.load %arg13[%swap3A_13, %swap3A_14] : memref<512x128xf32, #tpu.memory_space<vmem>>, vector<512x128xf32>
    tpu.vector_store %arg13[%swap3A_13, %swap3A_14], %dot_general3A_12 {strides = array<i32>} : memref<512x128xf32, #tpu.memory_space<vmem>>, vector<512x128xf32>,
    %get3A_16 = arith.constant 0 : index
    %get3A_17 = arith.constant 0 : index
    %get3A_18 = vector.load %arg3[%get3A_16, %get3A_17] : memref<1024x128xf32, #tpu.memory_space<vmem>>, vector<1024x128xf32>
    %dot_general3A_19 = arith.constant dense<0.000000e+00> : vector<512x128xf32>
    %dot_general3A_20 = tpu.matmul %dot_general3A_5, %get3A_18, %dot_general3A_19 {dimension_numbers = #tpu.dot_dimension_numbers<[1], [0], [0], [1], [0, 0, 1, 1], [], []>, transpose_lhs_hint = false} : vector<512x1024xf32>, vector<1024x128xf32>, vector<512x128xf32> -> vector<512x128xf32>
    %swap3A_21 = arith.constant 0 : index
    %swap3A_22 = arith.constant 0 : index
    %swap3A_23 = vector.load %arg14[%swap3A_21, %swap3A_22] : memref<512x128xf32, #tpu.memory_space<vmem>>, vector<512x128xf32>
    tpu.vector_store %arg14[%swap3A_21, %swap3A_22], %dot_general3A_20 {strides = array<i32>} : memref<512x128xf32, #tpu.memory_space<vmem>>, vector<512x128xf32>,
    %get3A_24 = arith.constant 0 : index
    %get3A_25 = arith.constant 0 : index
    %get3A_26 = vector.load %arg3[%get3A_24, %get3A_25] : memref<1024x128xf32, #tpu.memory_space<vmem>>, vector<1024x128xf32>
    %dot_general3A_27 = arith.constant dense<0.000000e+00> : vector<128x512xf32>
    %dot_general3A_28 = tpu.matmul %get3A_26, %dot_general3A_5, %dot_general3A_27 {dimension_numbers = #tpu.dot_dimension_numbers<[0], [1], [1], [0], [0, 1, 1, 0], [], []>, transpose_lhs_hint = false} : vector<1024x128xf32>, vector<512x1024xf32>, vector<128x512xf32> -> vector<128x512xf32>
    %swap3A_29 = arith.constant 0 : index
    %swap3A_30 = arith.constant 0 : index
    %swap3A_31 = vector.load %arg12[%swap3A_29, %swap3A_30] : memref<128x512xf32, #tpu.memory_space<vmem>>, vector<128x512xf32>
    tpu.vector_store %arg12[%swap3A_29, %swap3A_30], %dot_general3A_28 {strides = array<i32>} : memref<128x512xf32, #tpu.memory_space<vmem>>, vector<128x512xf32>,
    %get3A_32 = arith.constant 0 : index
    %get3A_33 = arith.constant 0 : index
    %get3A_34 = vector.load %arg5[%get3A_32, %get3A_33] : memref<512x1xf32, #tpu.memory_space<vmem>>, vector<512x1xf32>
    %get3A_35 = arith.constant 0 : index
    %get3A_36 = arith.constant 0 : index
    %get3A_37 = vector.load %arg6[%get3A_35, %get3A_36] : memref<1x1xf32, #tpu.memory_space<vmem>>, vector<1x1xf32>
    %get3A_38 = vector.extract %get3A_37[0, 0] : f32 from vector<1x1xf32>
    %iota3A = tpu.iota {dimensions = array<i32: 1>} : vector<512x256xi32>
    %convert_element_type3A = arith.sitofp %iota3A : vector<512x256xi32> to vector<512x256xf32>
    %jit3A = arith.constant 2 : i32
    %eq3A = arith.constant 0 : i32
    %eq3A_39 = arith.cmpi eq, %jit3A, %eq3A : i32
    %jit3A_40 = arith.constant 1 : i32
    %select_n3A = arith.select %eq3A_39, %jit3A_40, %jit3A : i32
    %rem3A = vector.broadcast %select_n3A : i32 to vector<512x256xi32>
    %rem3A_41 = arith.remsi %iota3A, %rem3A : vector<512x256xi32>
    %ne3A = arith.constant 0 : i32
    %ne3A_42 = vector.broadcast %ne3A : i32 to vector<512x256xi32>
    %ne3A_43 = arith.cmpi ne, %rem3A_41, %ne3A_42 : vector<512x256xi32>
    %lt3A = arith.constant 0 : i32
    %lt3A_44 = vector.broadcast %lt3A : i32 to vector<512x256xi32>
    %lt3A_45 = arith.cmpi slt, %rem3A_41, %lt3A_44 : vector<512x256xi32>
    %lt3A_46 = arith.constant 0 : i32
    %lt3A_47 = arith.cmpi slt, %select_n3A, %lt3A_46 : i32
    %ne3A_48 = vector.broadcast %lt3A_47 : i1 to vector<512x256xi1>
    %ne3A_49 = vector.broadcast %ne3A_48 : vector<512x256xi1> to vector<512x256xi1>
    %ne3A_50 = arith.xori %lt3A_45, %ne3A_49 : vector<512x256xi1>
    %and3A = arith.andi %ne3A_50, %ne3A_43 : vector<512x256xi1>
    %add3A = vector.broadcast %select_n3A : i32 to vector<512x256xi32>
    %add3A_51 = arith.addi %rem3A_41, %add3A : vector<512x256xi32>
    %select_n3A_52 = arith.select %and3A, %add3A_51, %rem3A_41 : vector<512x256xi1>, vector<512x256xi32>
    %eq3A_53 = arith.constant 0 : i32
    %eq3A_54 = vector.broadcast %eq3A_53 : i32 to vector<512x256xi32>
    %eq3A_55 = arith.cmpi eq, %select_n3A_52, %eq3A_54 : vector<512x256xi32>
    %mul3A = arith.constant -0.0719557852 : f32
    %mul3A_56 = vector.broadcast %mul3A : f32 to vector<512x256xf32>
    %mul3A_57 = arith.mulf %convert_element_type3A, %mul3A_56 : vector<512x256xf32>
    %exp3A = math.exp %mul3A_57 : vector<512x256xf32>
    %mul3A_58 = vector.broadcast %get3A_34 : vector<512x1xf32> to vector<512x256xf32>
    %mul3A_59 = arith.mulf %mul3A_58, %exp3A : vector<512x256xf32>
    %sin3A = math.sin %mul3A_59 : vector<512x256xf32>
    %cos3A = math.cos %mul3A_59 : vector<512x256xf32>
    %select_n3A_60 = arith.select %eq3A_55, %sin3A, %cos3A : vector<512x256xi1>, vector<512x256xf32>
    %get3A_61 = arith.constant 0 : index
    %get3A_62 = arith.constant 0 : index
    %get3A_63 = vector.load %arg7[%get3A_61, %get3A_62] : memref<512x1xi32, #tpu.memory_space<vmem>>, vector<512x1xi32>
    %jit3A_64 = arith.constant 0 : i32
    %jit3A_65 = arith.constant 2 : i32
    %max3A = vector.broadcast %jit3A_64 : i32 to vector<512x1xi32>
    %max3A_66 = arith.maxsi %max3A, %get3A_63 : vector<512x1xi32>
    %min3A = vector.broadcast %jit3A_65 : i32 to vector<512x1xi32>
    %min3A_67 = arith.minsi %min3A, %max3A_66 : vector<512x1xi32>
    %eq3A_68 = arith.constant 0 : i32
    %eq3A_69 = vector.broadcast %eq3A_68 : i32 to vector<512x1xi32>
    %eq3A_70 = arith.cmpi eq, %min3A_67, %eq3A_69 : vector<512x1xi32>
    %get3A_71 = arith.constant 0 : index
    %get3A_72 = arith.constant 0 : index
    %get3A_73 = vector.load %arg8[%get3A_71, %get3A_72] : memref<1x256xf32, #tpu.memory_space<vmem>>, vector<1x256xf32>
    %eq3A_74 = arith.constant 1 : i32
    %eq3A_75 = vector.broadcast %eq3A_74 : i32 to vector<512x1xi32>
    %eq3A_76 = arith.cmpi eq, %min3A_67, %eq3A_75 : vector<512x1xi32>
    %get3A_77 = arith.constant 0 : index
    %get3A_78 = arith.constant 0 : index
    %get3A_79 = vector.load %arg9[%get3A_77, %get3A_78] : memref<1x256xf32, #tpu.memory_space<vmem>>, vector<1x256xf32>
    %get3A_80 = arith.constant 0 : index
    %get3A_81 = arith.constant 0 : index
    %get3A_82 = vector.load %arg10[%get3A_80, %get3A_81] : memref<1x256xf32, #tpu.memory_space<vmem>>, vector<1x256xf32>
    %broadcast_in_dim3A = vector.shape_cast %eq3A_76 : vector<512x1xi1> to vector<512x1xi1>
    %broadcast_in_dim3A_83 = vector.broadcast %broadcast_in_dim3A : vector<512x1xi1> to vector<512x256xi1>
    %broadcast_in_dim3A_84 = vector.shape_cast %get3A_79 : vector<1x256xf32> to vector<1x256xf32>
    %broadcast_in_dim3A_85 = vector.broadcast %broadcast_in_dim3A_84 : vector<1x256xf32> to vector<512x256xf32>
    %broadcast_in_dim3A_86 = vector.shape_cast %get3A_82 : vector<1x256xf32> to vector<1x256xf32>
    %broadcast_in_dim3A_87 = vector.broadcast %broadcast_in_dim3A_86 : vector<1x256xf32> to vector<512x256xf32>
    %select_n3A_88 = arith.select %broadcast_in_dim3A_83, %broadcast_in_dim3A_85, %broadcast_in_dim3A_87 : vector<512x256xi1>, vector<512x256xf32>
    %broadcast_in_dim3A_89 = vector.shape_cast %eq3A_70 : vector<512x1xi1> to vector<512x1xi1>
    %broadcast_in_dim3A_90 = vector.broadcast %broadcast_in_dim3A_89 : vector<512x1xi1> to vector<512x256xi1>
    %broadcast_in_dim3A_91 = vector.shape_cast %get3A_73 : vector<1x256xf32> to vector<1x256xf32>
    %broadcast_in_dim3A_92 = vector.broadcast %broadcast_in_dim3A_91 : vector<1x256xf32> to vector<512x256xf32>
    %select_n3A_93 = arith.select %broadcast_in_dim3A_90, %broadcast_in_dim3A_92, %select_n3A_88 : vector<512x256xi1>, vector<512x256xf32>
    %max3A_94 = arith.constant 0.000000e+00 : f32
    %max3A_95 = vector.broadcast %max3A_94 : f32 to vector<512x1xf32>
    %max3A_96 = arith.maximumf %get3A_34, %max3A_95 : vector<512x1xf32>
    %sub3A = vector.broadcast %get3A_38 : f32 to vector<512x1xf32>
    %sub3A_97 = arith.subf %get3A_34, %sub3A : vector<512x1xf32>
    %max3A_98 = arith.constant 0.000000e+00 : f32
    %max3A_99 = vector.broadcast %max3A_98 : f32 to vector<512x1xf32>
    %max3A_100 = arith.maximumf %sub3A_97, %max3A_99 : vector<512x1xf32>
    %add3A_101 = arith.addf %max3A_96, %max3A_100 : vector<512x1xf32>
    %add3A_102 = vector.broadcast %add3A_101 : vector<512x1xf32> to vector<512x256xf32>
    %add3A_103 = arith.addf %add3A_102, %select_n3A_60 : vector<512x256xf32>
    %add3A_104 = arith.addf %add3A_103, %select_n3A_93 : vector<512x256xf32>
    %swap3A_105 = arith.constant 0 : index
    %swap3A_106 = arith.constant 0 : index
    %swap3A_107 = vector.load %arg15[%swap3A_105, %swap3A_106] : memref<512x256xf32, #tpu.memory_space<vmem>>, vector<512x256xf32>
    tpu.vector_store %arg15[%swap3A_105, %swap3A_106], %add3A_104 {strides = array<i32>} : memref<512x256xf32, #tpu.memory_space<vmem>>, vector<512x256xf32>,
    return
  }
  func.func @transform_0(%arg0: i32) -> (i32, i32) {
    %c0_i32 = arith.constant 0 : i32
    %c0_i32_0 = arith.constant 0 : i32
    return %arg0, %c0_i32 : i32, i32
  }
  func.func @transform_1(%arg0: i32) -> (i32, i32) {
    %c0_i32 = arith.constant 0 : i32
    %c0_i32_0 = arith.constant 0 : i32
    %c0_i32_1 = arith.constant 0 : i32
    return %c0_i32, %c0_i32_0 : i32, i32
  }
  func.func @transform_2(%arg0: i32) -> (i32, i32) {
    %c0_i32 = arith.constant 0 : i32
    %c0_i32_0 = arith.constant 0 : i32
    %c0_i32_1 = arith.constant 0 : i32
    return %c0_i32, %c0_i32_0 : i32, i32
  }
  func.func @transform_3(%arg0: i32) -> (i32, i32) {
    %c0_i32 = arith.constant 0 : i32
    %c0_i32_0 = arith.constant 0 : i32
    %c0_i32_1 = arith.constant 0 : i32
    return %c0_i32, %c0_i32_0 : i32, i32
  }
  func.func @transform_4(%arg0: i32) -> (i32, i32) {
    %c0_i32 = arith.constant 0 : i32
    %c0_i32_0 = arith.constant 0 : i32
    return %arg0, %c0_i32 : i32, i32
  }
  func.func @transform_5(%arg0: i32) -> (i32, i32) {
    %c0_i32 = arith.constant 0 : i32
    %c0_i32_0 = arith.constant 0 : i32
    %c0_i32_1 = arith.constant 0 : i32
    return %c0_i32, %c0_i32_0 : i32, i32
  }
  func.func @transform_6(%arg0: i32) -> (i32, i32) {
    %c0_i32 = arith.constant 0 : i32
    %c0_i32_0 = arith.constant 0 : i32
    return %arg0, %c0_i32 : i32, i32
  }
  func.func @transform_7(%arg0: i32) -> (i32, i32) {
    %c0_i32 = arith.constant 0 : i32
    %c0_i32_0 = arith.constant 0 : i32
    %c0_i32_1 = arith.constant 0 : i32
    return %c0_i32, %c0_i32_0 : i32, i32
  }
  func.func @transform_8(%arg0: i32) -> (i32, i32) {
    %c0_i32 = arith.constant 0 : i32
    %c0_i32_0 = arith.constant 0 : i32
    %c0_i32_1 = arith.constant 0 : i32
    return %c0_i32, %c0_i32_0 : i32, i32
  }
  func.func @transform_9(%arg0: i32) -> (i32, i32) {
    %c0_i32 = arith.constant 0 : i32
    %c0_i32_0 = arith.constant 0 : i32
    %c0_i32_1 = arith.constant 0 : i32
    return %c0_i32, %c0_i32_0 : i32, i32
  }
  func.func @transform_10(%arg0: i32) -> (i32, i32) {
    %c0_i32 = arith.constant 0 : i32
    %c0_i32_0 = arith.constant 0 : i32
    return %arg0, %c0_i32 : i32, i32
  }
  func.func @transform_11(%arg0: i32) -> (i32, i32) {
    %c0_i32 = arith.constant 0 : i32
    %c0_i32_0 = arith.constant 0 : i32
    return %c0_i32, %arg0 : i32, i32
  }
  func.func @transform_12(%arg0: i32) -> (i32, i32) {
    %c0_i32 = arith.constant 0 : i32
    %c0_i32_0 = arith.constant 0 : i32
    return %arg0, %c0_i32 : i32, i32
  }
  func.func @transform_13(%arg0: i32) -> (i32, i32) {
    %c0_i32 = arith.constant 0 : i32
    %c0_i32_0 = arith.constant 0 : i32
    return %arg0, %c0_i32 : i32, i32
  }
  func.func @transform_14(%arg0: i32) -> (i32, i32) {
    %c0_i32 = arith.constant 0 : i32
    %c0_i32_0 = arith.constant 0 : i32
    return %arg0, %c0_i32 : i32, i32
  }
}

module attributes {stable_mosaic.version = 14 : i64} {
  func.func @body(%arg0: i32, %arg1: memref<2048x768xf32, #tpu.memory_space<vmem>>, %arg2: memref<512x256xf32, #tpu.memory_space<vmem>>, %arg3: memref<256x256xf32, #tpu.memory_space<vmem>>, %arg4: memref<1x256xf32, #tpu.memory_space<vmem>>, %arg5: memref<1x256xf32, #tpu.memory_space<vmem>>, %arg6: memref<1x256xf32, #tpu.memory_space<vmem>>, %arg7: memref<256x2048xf32, #tpu.memory_space<vmem>>, %arg8: memref<1x2048xf32, #tpu.memory_space<vmem>>, %arg9: memref<2048x256xf32, #tpu.memory_space<vmem>>, %arg10: memref<1x256xf32, #tpu.memory_space<vmem>>, %arg11: memref<1x256xf32, #tpu.memory_space<vmem>>, %arg12: memref<1x256xf32, #tpu.memory_space<vmem>>, %arg13: memref<256x1024xf32, #tpu.memory_space<vmem>>, %arg14: memref<1024x128xf32, #tpu.memory_space<vmem>>, %arg15: memref<1024x128xf32, #tpu.memory_space<vmem>>, %arg16: memref<512x256xf32, #tpu.memory_space<vmem>>, %arg17: memref<512x1024xf32, #tpu.memory_space<vmem>>, %arg18: memref<128x512xf32, #tpu.memory_space<vmem>>, %arg19: memref<512x128xf32, #tpu.memory_space<vmem>>, %arg20: memref<512x128xf32, #tpu.memory_space<vmem>>) attributes {dimension_semantics = [#tpu.dimension_semantics<arbitrary>], iteration_bounds = array<i64: 4>, scalar_prefetch = 0 : i64, scratch_operands = 0 : i64, tpu.core_type = #tpu.core_type<tc>, window_params = [{pipeline_mode = #tpu.pipeline_mode<synchronous>, transform_indices = @transform_0, window_bounds = array<i64: 2048, 768>}, {transform_indices = @transform_1, window_bounds = array<i64: 512, 256>}, {pipeline_mode = #tpu.pipeline_mode<synchronous>, transform_indices = @transform_2, window_bounds = array<i64: 256, 256>}, {pipeline_mode = #tpu.pipeline_mode<synchronous>, transform_indices = @transform_3, window_bounds = array<i64: 1, 256>}, {pipeline_mode = #tpu.pipeline_mode<synchronous>, transform_indices = @transform_4, window_bounds = array<i64: 1, 256>}, {pipeline_mode = #tpu.pipeline_mode<synchronous>, transform_indices = @transform_5, window_bounds = array<i64: 1, 256>}, {pipeline_mode = #tpu.pipeline_mode<synchronous>, transform_indices = @transform_6, window_bounds = array<i64: 256, 2048>}, {pipeline_mode = #tpu.pipeline_mode<synchronous>, transform_indices = @transform_7, window_bounds = array<i64: 1, 2048>}, {pipeline_mode = #tpu.pipeline_mode<synchronous>, transform_indices = @transform_8, window_bounds = array<i64: 2048, 256>}, {pipeline_mode = #tpu.pipeline_mode<synchronous>, transform_indices = @transform_9, window_bounds = array<i64: 1, 256>}, {pipeline_mode = #tpu.pipeline_mode<synchronous>, transform_indices = @transform_10, window_bounds = array<i64: 1, 256>}, {pipeline_mode = #tpu.pipeline_mode<synchronous>, transform_indices = @transform_11, window_bounds = array<i64: 1, 256>}, {pipeline_mode = #tpu.pipeline_mode<synchronous>, transform_indices = @transform_12, window_bounds = array<i64: 256, 1024>}, {pipeline_mode = #tpu.pipeline_mode<synchronous>, transform_indices = @transform_13, window_bounds = array<i64: 1024, 128>}, {pipeline_mode = #tpu.pipeline_mode<synchronous>, transform_indices = @transform_14, window_bounds = array<i64: 1024, 128>}, {transform_indices = @transform_15, window_bounds = array<i64: 512, 256>}, {transform_indices = @transform_16, window_bounds = array<i64: 512, 1024>}, {transform_indices = @transform_17, window_bounds = array<i64: 128, 512>}, {transform_indices = @transform_18, window_bounds = array<i64: 512, 128>}, {transform_indices = @transform_19, window_bounds = array<i64: 512, 128>}]} {
    %mul3A = arith.constant 512 : i32
    %mul3A_0 = arith.muli %arg0, %mul3A : i32
    %get3A = arith.index_cast %mul3A_0 : i32 to index
    %get3A_1 = arith.constant 0 : index
    %get3A_2 = vector.load %arg1[%get3A, %get3A_1] : memref<2048x768xf32, #tpu.memory_space<vmem>>, vector<512x64xf32>
    %get3A_3 = arith.constant 0 : index
    %get3A_4 = arith.constant 256 : index
    %get3A_5 = vector.load %arg1[%get3A_3, %get3A_4] : memref<2048x768xf32, #tpu.memory_space<vmem>>, vector<2048x64xf32>
    %get3A_6 = arith.constant 0 : index
    %get3A_7 = arith.constant 512 : index
    %get3A_8 = vector.load %arg1[%get3A_6, %get3A_7] : memref<2048x768xf32, #tpu.memory_space<vmem>>, vector<2048x64xf32>
    %dot_general3A = arith.constant dense<0.000000e+00> : vector<512x2048xf32>
    %dot_general3A_9 = tpu.matmul %get3A_2, %get3A_5, %dot_general3A {dimension_numbers = #tpu.dot_dimension_numbers<[1], [1], [0], [0], [0, 0, 1, 0], [], []>, transpose_lhs_hint = false} : vector<512x64xf32>, vector<2048x64xf32>, vector<512x2048xf32> -> vector<512x2048xf32>
    %reduce_max3A = arith.constant dense<0xFF800000> : vector<512xf32>
    %reduce_max3A_10 = vector.multi_reduction <maximumf>, %dot_general3A_9, %reduce_max3A [1] : vector<512x2048xf32> to vector<512xf32>
    %broadcast_in_dim3A = vector.shape_cast %reduce_max3A_10 : vector<512xf32> to vector<512x1xf32>
    %sub3A = vector.broadcast %broadcast_in_dim3A : vector<512x1xf32> to vector<512x2048xf32>
    %sub3A_11 = arith.subf %dot_general3A_9, %sub3A : vector<512x2048xf32>
    %exp3A = math.exp %sub3A_11 : vector<512x2048xf32>
    %dot_general3A_12 = arith.constant dense<0.000000e+00> : vector<512x64xf32>
    %dot_general3A_13 = tpu.matmul %exp3A, %get3A_8, %dot_general3A_12 {dimension_numbers = #tpu.dot_dimension_numbers<[1], [0], [0], [1], [0, 0, 1, 1], [], []>, transpose_lhs_hint = false} : vector<512x2048xf32>, vector<2048x64xf32>, vector<512x64xf32> -> vector<512x64xf32>
    %reduce_sum3A = arith.constant dense<0.000000e+00> : vector<512xf32>
    %reduce_sum3A_14 = vector.multi_reduction <add>, %exp3A, %reduce_sum3A [1] : vector<512x2048xf32> to vector<512xf32>
    %broadcast_in_dim3A_15 = vector.shape_cast %reduce_sum3A_14 : vector<512xf32> to vector<512x1xf32>
    %div3A = vector.broadcast %broadcast_in_dim3A_15 : vector<512x1xf32> to vector<512x64xf32>
    %div3A_16 = arith.divf %dot_general3A_13, %div3A : vector<512x64xf32>
    %mul3A_17 = arith.constant 512 : i32
    %mul3A_18 = arith.muli %arg0, %mul3A_17 : i32
    %get3A_19 = arith.index_cast %mul3A_18 : i32 to index
    %get3A_20 = arith.constant 64 : index
    %get3A_21 = vector.load %arg1[%get3A_19, %get3A_20] : memref<2048x768xf32, #tpu.memory_space<vmem>>, vector<512x64xf32>
    %get3A_22 = arith.constant 0 : index
    %get3A_23 = arith.constant 320 : index
    %get3A_24 = vector.load %arg1[%get3A_22, %get3A_23] : memref<2048x768xf32, #tpu.memory_space<vmem>>, vector<2048x64xf32>
    %get3A_25 = arith.constant 0 : index
    %get3A_26 = arith.constant 576 : index
    %get3A_27 = vector.load %arg1[%get3A_25, %get3A_26] : memref<2048x768xf32, #tpu.memory_space<vmem>>, vector<2048x64xf32>
    %dot_general3A_28 = arith.constant dense<0.000000e+00> : vector<512x2048xf32>
    %dot_general3A_29 = tpu.matmul %get3A_21, %get3A_24, %dot_general3A_28 {dimension_numbers = #tpu.dot_dimension_numbers<[1], [1], [0], [0], [0, 0, 1, 0], [], []>, transpose_lhs_hint = false} : vector<512x64xf32>, vector<2048x64xf32>, vector<512x2048xf32> -> vector<512x2048xf32>
    %reduce_max3A_30 = arith.constant dense<0xFF800000> : vector<512xf32>
    %reduce_max3A_31 = vector.multi_reduction <maximumf>, %dot_general3A_29, %reduce_max3A_30 [1] : vector<512x2048xf32> to vector<512xf32>
    %broadcast_in_dim3A_32 = vector.shape_cast %reduce_max3A_31 : vector<512xf32> to vector<512x1xf32>
    %sub3A_33 = vector.broadcast %broadcast_in_dim3A_32 : vector<512x1xf32> to vector<512x2048xf32>
    %sub3A_34 = arith.subf %dot_general3A_29, %sub3A_33 : vector<512x2048xf32>
    %exp3A_35 = math.exp %sub3A_34 : vector<512x2048xf32>
    %dot_general3A_36 = arith.constant dense<0.000000e+00> : vector<512x64xf32>
    %dot_general3A_37 = tpu.matmul %exp3A_35, %get3A_27, %dot_general3A_36 {dimension_numbers = #tpu.dot_dimension_numbers<[1], [0], [0], [1], [0, 0, 1, 1], [], []>, transpose_lhs_hint = false} : vector<512x2048xf32>, vector<2048x64xf32>, vector<512x64xf32> -> vector<512x64xf32>
    %reduce_sum3A_38 = arith.constant dense<0.000000e+00> : vector<512xf32>
    %reduce_sum3A_39 = vector.multi_reduction <add>, %exp3A_35, %reduce_sum3A_38 [1] : vector<512x2048xf32> to vector<512xf32>
    %broadcast_in_dim3A_40 = vector.shape_cast %reduce_sum3A_39 : vector<512xf32> to vector<512x1xf32>
    %div3A_41 = vector.broadcast %broadcast_in_dim3A_40 : vector<512x1xf32> to vector<512x64xf32>
    %div3A_42 = arith.divf %dot_general3A_37, %div3A_41 : vector<512x64xf32>
    %mul3A_43 = arith.constant 512 : i32
    %mul3A_44 = arith.muli %arg0, %mul3A_43 : i32
    %get3A_45 = arith.index_cast %mul3A_44 : i32 to index
    %get3A_46 = arith.constant 128 : index
    %get3A_47 = vector.load %arg1[%get3A_45, %get3A_46] : memref<2048x768xf32, #tpu.memory_space<vmem>>, vector<512x64xf32>
    %get3A_48 = arith.constant 0 : index
    %get3A_49 = arith.constant 384 : index
    %get3A_50 = vector.load %arg1[%get3A_48, %get3A_49] : memref<2048x768xf32, #tpu.memory_space<vmem>>, vector<2048x64xf32>
    %get3A_51 = arith.constant 0 : index
    %get3A_52 = arith.constant 640 : index
    %get3A_53 = vector.load %arg1[%get3A_51, %get3A_52] : memref<2048x768xf32, #tpu.memory_space<vmem>>, vector<2048x64xf32>
    %dot_general3A_54 = arith.constant dense<0.000000e+00> : vector<512x2048xf32>
    %dot_general3A_55 = tpu.matmul %get3A_47, %get3A_50, %dot_general3A_54 {dimension_numbers = #tpu.dot_dimension_numbers<[1], [1], [0], [0], [0, 0, 1, 0], [], []>, transpose_lhs_hint = false} : vector<512x64xf32>, vector<2048x64xf32>, vector<512x2048xf32> -> vector<512x2048xf32>
    %reduce_max3A_56 = arith.constant dense<0xFF800000> : vector<512xf32>
    %reduce_max3A_57 = vector.multi_reduction <maximumf>, %dot_general3A_55, %reduce_max3A_56 [1] : vector<512x2048xf32> to vector<512xf32>
    %broadcast_in_dim3A_58 = vector.shape_cast %reduce_max3A_57 : vector<512xf32> to vector<512x1xf32>
    %sub3A_59 = vector.broadcast %broadcast_in_dim3A_58 : vector<512x1xf32> to vector<512x2048xf32>
    %sub3A_60 = arith.subf %dot_general3A_55, %sub3A_59 : vector<512x2048xf32>
    %exp3A_61 = math.exp %sub3A_60 : vector<512x2048xf32>
    %dot_general3A_62 = arith.constant dense<0.000000e+00> : vector<512x64xf32>
    %dot_general3A_63 = tpu.matmul %exp3A_61, %get3A_53, %dot_general3A_62 {dimension_numbers = #tpu.dot_dimension_numbers<[1], [0], [0], [1], [0, 0, 1, 1], [], []>, transpose_lhs_hint = false} : vector<512x2048xf32>, vector<2048x64xf32>, vector<512x64xf32> -> vector<512x64xf32>
    %reduce_sum3A_64 = arith.constant dense<0.000000e+00> : vector<512xf32>
    %reduce_sum3A_65 = vector.multi_reduction <add>, %exp3A_61, %reduce_sum3A_64 [1] : vector<512x2048xf32> to vector<512xf32>
    %broadcast_in_dim3A_66 = vector.shape_cast %reduce_sum3A_65 : vector<512xf32> to vector<512x1xf32>
    %div3A_67 = vector.broadcast %broadcast_in_dim3A_66 : vector<512x1xf32> to vector<512x64xf32>
    %div3A_68 = arith.divf %dot_general3A_63, %div3A_67 : vector<512x64xf32>
    %mul3A_69 = arith.constant 512 : i32
    %mul3A_70 = arith.muli %arg0, %mul3A_69 : i32
    %get3A_71 = arith.index_cast %mul3A_70 : i32 to index
    %get3A_72 = arith.constant 192 : index
    %get3A_73 = vector.load %arg1[%get3A_71, %get3A_72] : memref<2048x768xf32, #tpu.memory_space<vmem>>, vector<512x64xf32>
    %get3A_74 = arith.constant 0 : index
    %get3A_75 = arith.constant 448 : index
    %get3A_76 = vector.load %arg1[%get3A_74, %get3A_75] : memref<2048x768xf32, #tpu.memory_space<vmem>>, vector<2048x64xf32>
    %get3A_77 = arith.constant 0 : index
    %get3A_78 = arith.constant 704 : index
    %get3A_79 = vector.load %arg1[%get3A_77, %get3A_78] : memref<2048x768xf32, #tpu.memory_space<vmem>>, vector<2048x64xf32>
    %dot_general3A_80 = arith.constant dense<0.000000e+00> : vector<512x2048xf32>
    %dot_general3A_81 = tpu.matmul %get3A_73, %get3A_76, %dot_general3A_80 {dimension_numbers = #tpu.dot_dimension_numbers<[1], [1], [0], [0], [0, 0, 1, 0], [], []>, transpose_lhs_hint = false} : vector<512x64xf32>, vector<2048x64xf32>, vector<512x2048xf32> -> vector<512x2048xf32>
    %reduce_max3A_82 = arith.constant dense<0xFF800000> : vector<512xf32>
    %reduce_max3A_83 = vector.multi_reduction <maximumf>, %dot_general3A_81, %reduce_max3A_82 [1] : vector<512x2048xf32> to vector<512xf32>
    %broadcast_in_dim3A_84 = vector.shape_cast %reduce_max3A_83 : vector<512xf32> to vector<512x1xf32>
    %sub3A_85 = vector.broadcast %broadcast_in_dim3A_84 : vector<512x1xf32> to vector<512x2048xf32>
    %sub3A_86 = arith.subf %dot_general3A_81, %sub3A_85 : vector<512x2048xf32>
    %exp3A_87 = math.exp %sub3A_86 : vector<512x2048xf32>
    %dot_general3A_88 = arith.constant dense<0.000000e+00> : vector<512x64xf32>
    %dot_general3A_89 = tpu.matmul %exp3A_87, %get3A_79, %dot_general3A_88 {dimension_numbers = #tpu.dot_dimension_numbers<[1], [0], [0], [1], [0, 0, 1, 1], [], []>, transpose_lhs_hint = false} : vector<512x2048xf32>, vector<2048x64xf32>, vector<512x64xf32> -> vector<512x64xf32>
    %reduce_sum3A_90 = arith.constant dense<0.000000e+00> : vector<512xf32>
    %reduce_sum3A_91 = vector.multi_reduction <add>, %exp3A_87, %reduce_sum3A_90 [1] : vector<512x2048xf32> to vector<512xf32>
    %broadcast_in_dim3A_92 = vector.shape_cast %reduce_sum3A_91 : vector<512xf32> to vector<512x1xf32>
    %div3A_93 = vector.broadcast %broadcast_in_dim3A_92 : vector<512x1xf32> to vector<512x64xf32>
    %div3A_94 = arith.divf %dot_general3A_89, %div3A_93 : vector<512x64xf32>
    %concatenate3A = tpu.concatenate %div3A_16, %div3A_42, %div3A_68, %div3A_94 in 1 : vector<512x64xf32>, vector<512x64xf32>, vector<512x64xf32>, vector<512x64xf32> -> vector<512x256xf32>
    %get3A_95 = arith.constant 0 : index
    %get3A_96 = arith.constant 0 : index
    %get3A_97 = vector.load %arg3[%get3A_95, %get3A_96] : memref<256x256xf32, #tpu.memory_space<vmem>>, vector<256x256xf32>
    %dot_general3A_98 = arith.constant dense<0.000000e+00> : vector<512x256xf32>
    %dot_general3A_99 = tpu.matmul %concatenate3A, %get3A_97, %dot_general3A_98 {dimension_numbers = #tpu.dot_dimension_numbers<[1], [0], [0], [1], [0, 0, 1, 1], [], []>, transpose_lhs_hint = false} : vector<512x256xf32>, vector<256x256xf32>, vector<512x256xf32> -> vector<512x256xf32>
    %get3A_100 = arith.constant 0 : index
    %get3A_101 = arith.constant 0 : index
    %get3A_102 = vector.load %arg4[%get3A_100, %get3A_101] : memref<1x256xf32, #tpu.memory_space<vmem>>, vector<1x256xf32>
    %add3A = vector.broadcast %get3A_102 : vector<1x256xf32> to vector<512x256xf32>
    %add3A_103 = arith.addf %dot_general3A_99, %add3A : vector<512x256xf32>
    %get3A_104 = arith.constant 0 : index
    %get3A_105 = arith.constant 0 : index
    %get3A_106 = vector.load %arg2[%get3A_104, %get3A_105] : memref<512x256xf32, #tpu.memory_space<vmem>>, vector<512x256xf32>
    %add3A_107 = arith.addf %get3A_106, %add3A_103 : vector<512x256xf32>
    %get3A_108 = arith.constant 0 : index
    %get3A_109 = arith.constant 0 : index
    %get3A_110 = vector.load %arg5[%get3A_108, %get3A_109] : memref<1x256xf32, #tpu.memory_space<vmem>>, vector<1x256xf32>
    %get3A_111 = arith.constant 0 : index
    %get3A_112 = arith.constant 0 : index
    %get3A_113 = vector.load %arg6[%get3A_111, %get3A_112] : memref<1x256xf32, #tpu.memory_space<vmem>>, vector<1x256xf32>
    %reduce_sum3A_114 = arith.constant dense<0.000000e+00> : vector<512xf32>
    %reduce_sum3A_115 = vector.multi_reduction <add>, %add3A_107, %reduce_sum3A_114 [1] : vector<512x256xf32> to vector<512xf32>
    %broadcast_in_dim3A_116 = vector.shape_cast %reduce_sum3A_115 : vector<512xf32> to vector<512x1xf32>
    %div3A_117 = arith.constant 2.560000e+02 : f32
    %div3A_118 = vector.broadcast %div3A_117 : f32 to vector<512x1xf32>
    %div3A_119 = arith.divf %broadcast_in_dim3A_116, %div3A_118 : vector<512x1xf32>
    %sub3A_120 = vector.broadcast %div3A_119 : vector<512x1xf32> to vector<512x256xf32>
    %sub3A_121 = arith.subf %add3A_107, %sub3A_120 : vector<512x256xf32>
    %integer_pow3A = arith.mulf %sub3A_121, %sub3A_121 : vector<512x256xf32>
    %reduce_sum3A_122 = arith.constant dense<0.000000e+00> : vector<512xf32>
    %reduce_sum3A_123 = vector.multi_reduction <add>, %integer_pow3A, %reduce_sum3A_122 [1] : vector<512x256xf32> to vector<512xf32>
    %broadcast_in_dim3A_124 = vector.shape_cast %reduce_sum3A_123 : vector<512xf32> to vector<512x1xf32>
    %div3A_125 = arith.constant 2.560000e+02 : f32
    %div3A_126 = vector.broadcast %div3A_125 : f32 to vector<512x1xf32>
    %div3A_127 = arith.divf %broadcast_in_dim3A_124, %div3A_126 : vector<512x1xf32>
    %sub3A_128 = vector.broadcast %div3A_119 : vector<512x1xf32> to vector<512x256xf32>
    %sub3A_129 = arith.subf %add3A_107, %sub3A_128 : vector<512x256xf32>
    %add3A_130 = arith.constant 9.99999974E-6 : f32
    %add3A_131 = vector.broadcast %add3A_130 : f32 to vector<512x1xf32>
    %add3A_132 = arith.addf %div3A_127, %add3A_131 : vector<512x1xf32>
    %sqrt3A = math.sqrt %add3A_132 : vector<512x1xf32>
    %div3A_133 = vector.broadcast %sqrt3A : vector<512x1xf32> to vector<512x256xf32>
    %div3A_134 = arith.divf %sub3A_129, %div3A_133 : vector<512x256xf32>
    %mul3A_135 = vector.broadcast %get3A_110 : vector<1x256xf32> to vector<512x256xf32>
    %mul3A_136 = arith.mulf %div3A_134, %mul3A_135 : vector<512x256xf32>
    %add3A_137 = vector.broadcast %get3A_113 : vector<1x256xf32> to vector<512x256xf32>
    %add3A_138 = arith.addf %mul3A_136, %add3A_137 : vector<512x256xf32>
    %get3A_139 = arith.constant 0 : index
    %get3A_140 = arith.constant 0 : index
    %get3A_141 = vector.load %arg7[%get3A_139, %get3A_140] : memref<256x2048xf32, #tpu.memory_space<vmem>>, vector<256x2048xf32>
    %dot_general3A_142 = arith.constant dense<0.000000e+00> : vector<512x2048xf32>
    %dot_general3A_143 = tpu.matmul %add3A_138, %get3A_141, %dot_general3A_142 {dimension_numbers = #tpu.dot_dimension_numbers<[1], [0], [0], [1], [0, 0, 1, 1], [], []>, transpose_lhs_hint = false} : vector<512x256xf32>, vector<256x2048xf32>, vector<512x2048xf32> -> vector<512x2048xf32>
    %get3A_144 = arith.constant 0 : index
    %get3A_145 = arith.constant 0 : index
    %get3A_146 = vector.load %arg8[%get3A_144, %get3A_145] : memref<1x2048xf32, #tpu.memory_space<vmem>>, vector<1x2048xf32>
    %add3A_147 = vector.broadcast %get3A_146 : vector<1x2048xf32> to vector<512x2048xf32>
    %add3A_148 = arith.addf %dot_general3A_143, %add3A_147 : vector<512x2048xf32>
    %max3A = arith.constant 0.000000e+00 : f32
    %max3A_149 = vector.broadcast %max3A : f32 to vector<512x2048xf32>
    %max3A_150 = arith.maximumf %add3A_148, %max3A_149 : vector<512x2048xf32>
    %get3A_151 = arith.constant 0 : index
    %get3A_152 = arith.constant 0 : index
    %get3A_153 = vector.load %arg9[%get3A_151, %get3A_152] : memref<2048x256xf32, #tpu.memory_space<vmem>>, vector<2048x256xf32>
    %dot_general3A_154 = arith.constant dense<0.000000e+00> : vector<512x256xf32>
    %dot_general3A_155 = tpu.matmul %max3A_150, %get3A_153, %dot_general3A_154 {dimension_numbers = #tpu.dot_dimension_numbers<[1], [0], [0], [1], [0, 0, 1, 1], [], []>, transpose_lhs_hint = false} : vector<512x2048xf32>, vector<2048x256xf32>, vector<512x256xf32> -> vector<512x256xf32>
    %get3A_156 = arith.constant 0 : index
    %get3A_157 = arith.constant 0 : index
    %get3A_158 = vector.load %arg10[%get3A_156, %get3A_157] : memref<1x256xf32, #tpu.memory_space<vmem>>, vector<1x256xf32>
    %add3A_159 = vector.broadcast %get3A_158 : vector<1x256xf32> to vector<512x256xf32>
    %add3A_160 = arith.addf %dot_general3A_155, %add3A_159 : vector<512x256xf32>
    %add3A_161 = arith.addf %add3A_138, %add3A_160 : vector<512x256xf32>
    %get3A_162 = arith.constant 0 : index
    %get3A_163 = arith.constant 0 : index
    %get3A_164 = vector.load %arg11[%get3A_162, %get3A_163] : memref<1x256xf32, #tpu.memory_space<vmem>>, vector<1x256xf32>
    %get3A_165 = arith.constant 0 : index
    %get3A_166 = arith.constant 0 : index
    %get3A_167 = vector.load %arg12[%get3A_165, %get3A_166] : memref<1x256xf32, #tpu.memory_space<vmem>>, vector<1x256xf32>
    %reduce_sum3A_168 = arith.constant dense<0.000000e+00> : vector<512xf32>
    %reduce_sum3A_169 = vector.multi_reduction <add>, %add3A_161, %reduce_sum3A_168 [1] : vector<512x256xf32> to vector<512xf32>
    %broadcast_in_dim3A_170 = vector.shape_cast %reduce_sum3A_169 : vector<512xf32> to vector<512x1xf32>
    %div3A_171 = arith.constant 2.560000e+02 : f32
    %div3A_172 = vector.broadcast %div3A_171 : f32 to vector<512x1xf32>
    %div3A_173 = arith.divf %broadcast_in_dim3A_170, %div3A_172 : vector<512x1xf32>
    %sub3A_174 = vector.broadcast %div3A_173 : vector<512x1xf32> to vector<512x256xf32>
    %sub3A_175 = arith.subf %add3A_161, %sub3A_174 : vector<512x256xf32>
    %integer_pow3A_176 = arith.mulf %sub3A_175, %sub3A_175 : vector<512x256xf32>
    %reduce_sum3A_177 = arith.constant dense<0.000000e+00> : vector<512xf32>
    %reduce_sum3A_178 = vector.multi_reduction <add>, %integer_pow3A_176, %reduce_sum3A_177 [1] : vector<512x256xf32> to vector<512xf32>
    %broadcast_in_dim3A_179 = vector.shape_cast %reduce_sum3A_178 : vector<512xf32> to vector<512x1xf32>
    %div3A_180 = arith.constant 2.560000e+02 : f32
    %div3A_181 = vector.broadcast %div3A_180 : f32 to vector<512x1xf32>
    %div3A_182 = arith.divf %broadcast_in_dim3A_179, %div3A_181 : vector<512x1xf32>
    %sub3A_183 = vector.broadcast %div3A_173 : vector<512x1xf32> to vector<512x256xf32>
    %sub3A_184 = arith.subf %add3A_161, %sub3A_183 : vector<512x256xf32>
    %add3A_185 = arith.constant 9.99999974E-6 : f32
    %add3A_186 = vector.broadcast %add3A_185 : f32 to vector<512x1xf32>
    %add3A_187 = arith.addf %div3A_182, %add3A_186 : vector<512x1xf32>
    %sqrt3A_188 = math.sqrt %add3A_187 : vector<512x1xf32>
    %div3A_189 = vector.broadcast %sqrt3A_188 : vector<512x1xf32> to vector<512x256xf32>
    %div3A_190 = arith.divf %sub3A_184, %div3A_189 : vector<512x256xf32>
    %mul3A_191 = vector.broadcast %get3A_164 : vector<1x256xf32> to vector<512x256xf32>
    %mul3A_192 = arith.mulf %div3A_190, %mul3A_191 : vector<512x256xf32>
    %add3A_193 = vector.broadcast %get3A_167 : vector<1x256xf32> to vector<512x256xf32>
    %add3A_194 = arith.addf %mul3A_192, %add3A_193 : vector<512x256xf32>
    %swap3A = arith.constant 0 : index
    %swap3A_195 = arith.constant 0 : index
    %swap3A_196 = vector.load %arg16[%swap3A, %swap3A_195] : memref<512x256xf32, #tpu.memory_space<vmem>>, vector<512x256xf32>
    tpu.vector_store %arg16[%swap3A, %swap3A_195], %add3A_194 {strides = array<i32>} : memref<512x256xf32, #tpu.memory_space<vmem>>, vector<512x256xf32>,
    %get3A_197 = arith.constant 0 : index
    %get3A_198 = arith.constant 0 : index
    %get3A_199 = vector.load %arg13[%get3A_197, %get3A_198] : memref<256x1024xf32, #tpu.memory_space<vmem>>, vector<256x1024xf32>
    %dot_general3A_200 = arith.constant dense<0.000000e+00> : vector<512x1024xf32>
    %dot_general3A_201 = tpu.matmul %add3A_194, %get3A_199, %dot_general3A_200 {dimension_numbers = #tpu.dot_dimension_numbers<[1], [0], [0], [1], [0, 0, 1, 1], [], []>, transpose_lhs_hint = false} : vector<512x256xf32>, vector<256x1024xf32>, vector<512x1024xf32> -> vector<512x1024xf32>
    %swap3A_202 = arith.constant 0 : index
    %swap3A_203 = arith.constant 0 : index
    %swap3A_204 = vector.load %arg17[%swap3A_202, %swap3A_203] : memref<512x1024xf32, #tpu.memory_space<vmem>>, vector<512x1024xf32>
    tpu.vector_store %arg17[%swap3A_202, %swap3A_203], %dot_general3A_201 {strides = array<i32>} : memref<512x1024xf32, #tpu.memory_space<vmem>>, vector<512x1024xf32>,
    %get3A_205 = arith.constant 0 : index
    %get3A_206 = arith.constant 0 : index
    %get3A_207 = vector.load %arg15[%get3A_205, %get3A_206] : memref<1024x128xf32, #tpu.memory_space<vmem>>, vector<1024x128xf32>
    %dot_general3A_208 = arith.constant dense<0.000000e+00> : vector<512x128xf32>
    %dot_general3A_209 = tpu.matmul %dot_general3A_201, %get3A_207, %dot_general3A_208 {dimension_numbers = #tpu.dot_dimension_numbers<[1], [0], [0], [1], [0, 0, 1, 1], [], []>, transpose_lhs_hint = false} : vector<512x1024xf32>, vector<1024x128xf32>, vector<512x128xf32> -> vector<512x128xf32>
    %swap3A_210 = arith.constant 0 : index
    %swap3A_211 = arith.constant 0 : index
    %swap3A_212 = vector.load %arg19[%swap3A_210, %swap3A_211] : memref<512x128xf32, #tpu.memory_space<vmem>>, vector<512x128xf32>
    tpu.vector_store %arg19[%swap3A_210, %swap3A_211], %dot_general3A_209 {strides = array<i32>} : memref<512x128xf32, #tpu.memory_space<vmem>>, vector<512x128xf32>,
    %get3A_213 = arith.constant 0 : index
    %get3A_214 = arith.constant 0 : index
    %get3A_215 = vector.load %arg14[%get3A_213, %get3A_214] : memref<1024x128xf32, #tpu.memory_space<vmem>>, vector<1024x128xf32>
    %dot_general3A_216 = arith.constant dense<0.000000e+00> : vector<512x128xf32>
    %dot_general3A_217 = tpu.matmul %dot_general3A_201, %get3A_215, %dot_general3A_216 {dimension_numbers = #tpu.dot_dimension_numbers<[1], [0], [0], [1], [0, 0, 1, 1], [], []>, transpose_lhs_hint = false} : vector<512x1024xf32>, vector<1024x128xf32>, vector<512x128xf32> -> vector<512x128xf32>
    %swap3A_218 = arith.constant 0 : index
    %swap3A_219 = arith.constant 0 : index
    %swap3A_220 = vector.load %arg20[%swap3A_218, %swap3A_219] : memref<512x128xf32, #tpu.memory_space<vmem>>, vector<512x128xf32>
    tpu.vector_store %arg20[%swap3A_218, %swap3A_219], %dot_general3A_217 {strides = array<i32>} : memref<512x128xf32, #tpu.memory_space<vmem>>, vector<512x128xf32>,
    %get3A_221 = arith.constant 0 : index
    %get3A_222 = arith.constant 0 : index
    %get3A_223 = vector.load %arg14[%get3A_221, %get3A_222] : memref<1024x128xf32, #tpu.memory_space<vmem>>, vector<1024x128xf32>
    %dot_general3A_224 = arith.constant dense<0.000000e+00> : vector<128x512xf32>
    %dot_general3A_225 = tpu.matmul %get3A_223, %dot_general3A_201, %dot_general3A_224 {dimension_numbers = #tpu.dot_dimension_numbers<[0], [1], [1], [0], [0, 1, 1, 0], [], []>, transpose_lhs_hint = false} : vector<1024x128xf32>, vector<512x1024xf32>, vector<128x512xf32> -> vector<128x512xf32>
    %swap3A_226 = arith.constant 0 : index
    %swap3A_227 = arith.constant 0 : index
    %swap3A_228 = vector.load %arg18[%swap3A_226, %swap3A_227] : memref<128x512xf32, #tpu.memory_space<vmem>>, vector<128x512xf32>
    tpu.vector_store %arg18[%swap3A_226, %swap3A_227], %dot_general3A_225 {strides = array<i32>} : memref<128x512xf32, #tpu.memory_space<vmem>>, vector<128x512xf32>,
    return
  }
  func.func @transform_0(%arg0: i32) -> (i32, i32) {
    %c0_i32 = arith.constant 0 : i32
    %c0_i32_0 = arith.constant 0 : i32
    %c0_i32_1 = arith.constant 0 : i32
    return %c0_i32, %c0_i32_0 : i32, i32
  }
  func.func @transform_1(%arg0: i32) -> (i32, i32) {
    %c0_i32 = arith.constant 0 : i32
    %c0_i32_0 = arith.constant 0 : i32
    return %arg0, %c0_i32 : i32, i32
  }
  func.func @transform_2(%arg0: i32) -> (i32, i32) {
    %c0_i32 = arith.constant 0 : i32
    %c0_i32_0 = arith.constant 0 : i32
    %c0_i32_1 = arith.constant 0 : i32
    return %c0_i32, %c0_i32_0 : i32, i32
  }
  func.func @transform_3(%arg0: i32) -> (i32, i32) {
    %c0_i32 = arith.constant 0 : i32
    %c0_i32_0 = arith.constant 0 : i32
    %c0_i32_1 = arith.constant 0 : i32
    return %c0_i32, %c0_i32_0 : i32, i32
  }
  func.func @transform_4(%arg0: i32) -> (i32, i32) {
    %c0_i32 = arith.constant 0 : i32
    %c0_i32_0 = arith.constant 0 : i32
    %c0_i32_1 = arith.constant 0 : i32
    return %c0_i32, %c0_i32_0 : i32, i32
  }
  func.func @transform_5(%arg0: i32) -> (i32, i32) {
    %c0_i32 = arith.constant 0 : i32
    %c0_i32_0 = arith.constant 0 : i32
    %c0_i32_1 = arith.constant 0 : i32
    return %c0_i32, %c0_i32_0 : i32, i32
  }
  func.func @transform_6(%arg0: i32) -> (i32, i32) {
    %c0_i32 = arith.constant 0 : i32
    %c0_i32_0 = arith.constant 0 : i32
    %c0_i32_1 = arith.constant 0 : i32
    return %c0_i32, %c0_i32_0 : i32, i32
  }
  func.func @transform_7(%arg0: i32) -> (i32, i32) {
    %c0_i32 = arith.constant 0 : i32
    %c0_i32_0 = arith.constant 0 : i32
    %c0_i32_1 = arith.constant 0 : i32
    return %c0_i32, %c0_i32_0 : i32, i32
  }
  func.func @transform_8(%arg0: i32) -> (i32, i32) {
    %c0_i32 = arith.constant 0 : i32
    %c0_i32_0 = arith.constant 0 : i32
    %c0_i32_1 = arith.constant 0 : i32
    return %c0_i32, %c0_i32_0 : i32, i32
  }
  func.func @transform_9(%arg0: i32) -> (i32, i32) {
    %c0_i32 = arith.constant 0 : i32
    %c0_i32_0 = arith.constant 0 : i32
    %c0_i32_1 = arith.constant 0 : i32
    return %c0_i32, %c0_i32_0 : i32, i32
  }
  func.func @transform_10(%arg0: i32) -> (i32, i32) {
    %c0_i32 = arith.constant 0 : i32
    %c0_i32_0 = arith.constant 0 : i32
    %c0_i32_1 = arith.constant 0 : i32
    return %c0_i32, %c0_i32_0 : i32, i32
  }
  func.func @transform_11(%arg0: i32) -> (i32, i32) {
    %c0_i32 = arith.constant 0 : i32
    %c0_i32_0 = arith.constant 0 : i32
    %c0_i32_1 = arith.constant 0 : i32
    return %c0_i32, %c0_i32_0 : i32, i32
  }
  func.func @transform_12(%arg0: i32) -> (i32, i32) {
    %c0_i32 = arith.constant 0 : i32
    %c0_i32_0 = arith.constant 0 : i32
    %c0_i32_1 = arith.constant 0 : i32
    return %c0_i32, %c0_i32_0 : i32, i32
  }
  func.func @transform_13(%arg0: i32) -> (i32, i32) {
    %c0_i32 = arith.constant 0 : i32
    %c0_i32_0 = arith.constant 0 : i32
    %c0_i32_1 = arith.constant 0 : i32
    return %c0_i32, %c0_i32_0 : i32, i32
  }
  func.func @transform_14(%arg0: i32) -> (i32, i32) {
    %c0_i32 = arith.constant 0 : i32
    %c0_i32_0 = arith.constant 0 : i32
    %c0_i32_1 = arith.constant 0 : i32
    return %c0_i32, %c0_i32_0 : i32, i32
  }
  func.func @transform_15(%arg0: i32) -> (i32, i32) {
    %c0_i32 = arith.constant 0 : i32
    %c0_i32_0 = arith.constant 0 : i32
    return %arg0, %c0_i32 : i32, i32
  }
  func.func @transform_16(%arg0: i32) -> (i32, i32) {
    %c0_i32 = arith.constant 0 : i32
    %c0_i32_0 = arith.constant 0 : i32
    return %arg0, %c0_i32 : i32, i32
  }
  func.func @transform_17(%arg0: i32) -> (i32, i32) {
    %c0_i32 = arith.constant 0 : i32
    %c0_i32_0 = arith.constant 0 : i32
    return %c0_i32, %arg0 : i32, i32
  }
  func.func @transform_18(%arg0: i32) -> (i32, i32) {
    %c0_i32 = arith.constant 0 : i32
    %c0_i32_0 = arith.constant 0 : i32
    return %arg0, %c0_i32 : i32, i32
  }
  func.func @transform_19(%arg0: i32) -> (i32, i32) {
    %c0_i32 = arith.constant 0 : i32
    %c0_i32_0 = arith.constant 0 : i32
    return %arg0, %c0_i32 : i32, i32
  }
}

module attributes {stable_mosaic.version = 14 : i64} {
  func.func @_gat_body(%arg0: i32, %arg1: memref<512x128xf32, #tpu.memory_space<vmem>>, %arg2: memref<512x128xf32, #tpu.memory_space<vmem>>, %arg3: memref<128x2048xf32, #tpu.memory_space<vmem>>, %arg4: memref<512x512xi32, #tpu.memory_space<vmem>>, %arg5: memref<2048x1024xf32, #tpu.memory_space<vmem>>, %arg6: memref<1x256xf32, #tpu.memory_space<vmem>>, %arg7: memref<512x256xf32, #tpu.memory_space<vmem>>, %arg8: memref<256x768xf32, #tpu.memory_space<vmem>>, %arg9: memref<1x768xf32, #tpu.memory_space<vmem>>, %arg10: memref<512x256xf32, #tpu.memory_space<vmem>>, %arg11: memref<512x768xf32, #tpu.memory_space<vmem>>) attributes {dimension_semantics = [#tpu.dimension_semantics<arbitrary>], iteration_bounds = array<i64: 4>, scalar_prefetch = 0 : i64, scratch_operands = 0 : i64, tpu.core_type = #tpu.core_type<tc>, window_params = [{transform_indices = @transform_0, window_bounds = array<i64: 512, 128>}, {transform_indices = @transform_1, window_bounds = array<i64: 512, 128>}, {pipeline_mode = #tpu.pipeline_mode<synchronous>, transform_indices = @transform_2, window_bounds = array<i64: 128, 2048>}, {transform_indices = @transform_3, window_bounds = array<i64: 512, 512>}, {pipeline_mode = #tpu.pipeline_mode<synchronous>, transform_indices = @transform_4, window_bounds = array<i64: 2048, 1024>}, {pipeline_mode = #tpu.pipeline_mode<synchronous>, transform_indices = @transform_5, window_bounds = array<i64: 1, 256>}, {transform_indices = @transform_6, window_bounds = array<i64: 512, 256>}, {pipeline_mode = #tpu.pipeline_mode<synchronous>, transform_indices = @transform_7, window_bounds = array<i64: 256, 768>}, {pipeline_mode = #tpu.pipeline_mode<synchronous>, transform_indices = @transform_8, window_bounds = array<i64: 1, 768>}, {transform_indices = @transform_9, window_bounds = array<i64: 512, 256>}, {transform_indices = @transform_10, window_bounds = array<i64: 512, 768>}]} {
    %get3A = arith.constant 0 : index
    %get3A_0 = arith.constant 0 : index
    %get3A_1 = vector.load %arg4[%get3A, %get3A_0] : memref<512x512xi32, #tpu.memory_space<vmem>>, vector<512x512xi32>
    %and3A = arith.constant 255 : i32
    %and3A_2 = vector.broadcast %and3A : i32 to vector<512x512xi32>
    %and3A_3 = arith.andi %get3A_1, %and3A_2 : vector<512x512xi32>
    %shift_right_arithmetic3A = arith.constant 8 : i32
    %shift_right_arithmetic3A_4 = vector.broadcast %shift_right_arithmetic3A : i32 to vector<512x512xi32>
    %shift_right_arithmetic3A_5 = arith.shrsi %get3A_1, %shift_right_arithmetic3A_4 : vector<512x512xi32>
    %and3A_6 = arith.constant 255 : i32
    %and3A_7 = vector.broadcast %and3A_6 : i32 to vector<512x512xi32>
    %and3A_8 = arith.andi %shift_right_arithmetic3A_5, %and3A_7 : vector<512x512xi32>
    %shift_right_arithmetic3A_9 = arith.constant 16 : i32
    %shift_right_arithmetic3A_10 = vector.broadcast %shift_right_arithmetic3A_9 : i32 to vector<512x512xi32>
    %shift_right_arithmetic3A_11 = arith.shrsi %get3A_1, %shift_right_arithmetic3A_10 : vector<512x512xi32>
    %and3A_12 = arith.constant 255 : i32
    %and3A_13 = vector.broadcast %and3A_12 : i32 to vector<512x512xi32>
    %and3A_14 = arith.andi %shift_right_arithmetic3A_11, %and3A_13 : vector<512x512xi32>
    %shift_right_logical3A = arith.constant 24 : i32
    %shift_right_logical3A_15 = vector.broadcast %shift_right_logical3A : i32 to vector<512x512xi32>
    %shift_right_logical3A_16 = arith.shrui %get3A_1, %shift_right_logical3A_15 : vector<512x512xi32>
    %concatenate3A = tpu.concatenate %and3A_3, %and3A_8, %and3A_14, %shift_right_logical3A_16 in 1 : vector<512x512xi32>, vector<512x512xi32>, vector<512x512xi32>, vector<512x512xi32> -> vector<512x2048xi32>
    %convert_element_type3A = arith.sitofp %concatenate3A : vector<512x2048xi32> to vector<512x2048xf32>
    %broadcast_in_dim3A = arith.constant 0.000000e+00 : f32
    %broadcast_in_dim3A_17 = vector.broadcast %broadcast_in_dim3A : f32 to vector<512x256xf32>
    %get3A_18 = arith.constant 0 : index
    %get3A_19 = arith.constant 0 : index
    %get3A_20 = vector.load %arg1[%get3A_18, %get3A_19] : memref<512x128xf32, #tpu.memory_space<vmem>>, vector<512x1xf32>
    %get3A_21 = arith.constant 0 : index
    %get3A_22 = arith.constant 0 : index
    %get3A_23 = vector.load %arg3[%get3A_21, %get3A_22] : memref<128x2048xf32, #tpu.memory_space<vmem>>, vector<1x2048xf32>
    %exp3A = math.exp %get3A_20 : vector<512x1xf32>
    %mul3A = arith.constant 2.000000e-01 : f32
    %mul3A_24 = vector.broadcast %mul3A : f32 to vector<512x1xf32>
    %mul3A_25 = arith.mulf %mul3A_24, %get3A_20 : vector<512x1xf32>
    %exp3A_26 = math.exp %mul3A_25 : vector<512x1xf32>
    %exp3A_27 = math.exp %get3A_23 : vector<1x2048xf32>
    %mul3A_28 = arith.constant 2.000000e-01 : f32
    %mul3A_29 = vector.broadcast %mul3A_28 : f32 to vector<1x2048xf32>
    %mul3A_30 = arith.mulf %mul3A_29, %get3A_23 : vector<1x2048xf32>
    %exp3A_31 = math.exp %mul3A_30 : vector<1x2048xf32>
    %mul3A_32 = vector.broadcast %exp3A : vector<512x1xf32> to vector<512x2048xf32>
    %mul3A_33 = vector.broadcast %exp3A_27 : vector<1x2048xf32> to vector<512x2048xf32>
    %mul3A_34 = arith.mulf %mul3A_32, %mul3A_33 : vector<512x2048xf32>
    %mul3A_35 = vector.broadcast %exp3A_26 : vector<512x1xf32> to vector<512x2048xf32>
    %mul3A_36 = vector.broadcast %exp3A_31 : vector<1x2048xf32> to vector<512x2048xf32>
    %mul3A_37 = arith.mulf %mul3A_35, %mul3A_36 : vector<512x2048xf32>
    %max3A = arith.maximumf %mul3A_34, %mul3A_37 : vector<512x2048xf32>
    %mul3A_38 = arith.mulf %convert_element_type3A, %max3A : vector<512x2048xf32>
    %reduce_sum3A = arith.constant dense<0.000000e+00> : vector<512xf32>
    %reduce_sum3A_39 = vector.multi_reduction <add>, %mul3A_38, %reduce_sum3A [1] : vector<512x2048xf32> to vector<512xf32>
    %broadcast_in_dim3A_40 = vector.shape_cast %reduce_sum3A_39 : vector<512xf32> to vector<512x1xf32>
    %get3A_41 = arith.constant 0 : index
    %get3A_42 = arith.constant 0 : index
    %get3A_43 = vector.load %arg5[%get3A_41, %get3A_42] : memref<2048x1024xf32, #tpu.memory_space<vmem>>, vector<2048x256xf32>
    %dot_general3A = arith.constant dense<0.000000e+00> : vector<512x256xf32>
    %dot_general3A_44 = tpu.matmul %mul3A_38, %get3A_43, %dot_general3A {dimension_numbers = #tpu.dot_dimension_numbers<[1], [0], [0], [1], [0, 0, 1, 1], [], []>, transpose_lhs_hint = false} : vector<512x2048xf32>, vector<2048x256xf32>, vector<512x256xf32> -> vector<512x256xf32>
    %get3A_45 = arith.constant 0 : index
    %get3A_46 = arith.constant 0 : index
    %get3A_47 = vector.load %arg2[%get3A_45, %get3A_46] : memref<512x128xf32, #tpu.memory_space<vmem>>, vector<512x1xf32>
    %add3A = arith.addf %get3A_20, %get3A_47 : vector<512x1xf32>
    %mul3A_48 = arith.constant 2.000000e-01 : f32
    %mul3A_49 = vector.broadcast %mul3A_48 : f32 to vector<512x1xf32>
    %mul3A_50 = arith.mulf %mul3A_49, %add3A : vector<512x1xf32>
    %max3A_51 = arith.maximumf %add3A, %mul3A_50 : vector<512x1xf32>
    %exp3A_52 = math.exp %max3A_51 : vector<512x1xf32>
    %mul3A_53 = arith.constant 512 : i32
    %mul3A_54 = arith.muli %arg0, %mul3A_53 : i32
    %get3A_55 = arith.index_cast %mul3A_54 : i32 to index
    %get3A_56 = arith.constant 0 : index
    %get3A_57 = vector.load %arg5[%get3A_55, %get3A_56] : memref<2048x1024xf32, #tpu.memory_space<vmem>>, vector<512x256xf32>
    %mul3A_58 = vector.broadcast %exp3A_52 : vector<512x1xf32> to vector<512x256xf32>
    %mul3A_59 = arith.mulf %mul3A_58, %get3A_57 : vector<512x256xf32>
    %add3A_60 = arith.addf %dot_general3A_44, %mul3A_59 : vector<512x256xf32>
    %add3A_61 = arith.addf %broadcast_in_dim3A_40, %exp3A_52 : vector<512x1xf32>
    %div3A = vector.broadcast %add3A_61 : vector<512x1xf32> to vector<512x256xf32>
    %div3A_62 = arith.divf %add3A_60, %div3A : vector<512x256xf32>
    %add3A_63 = arith.addf %broadcast_in_dim3A_17, %div3A_62 : vector<512x256xf32>
    %get3A_64 = arith.constant 0 : index
    %get3A_65 = arith.constant 1 : index
    %get3A_66 = vector.load %arg1[%get3A_64, %get3A_65] : memref<512x128xf32, #tpu.memory_space<vmem>>, vector<512x1xf32>
    %get3A_67 = arith.constant 1 : index
    %get3A_68 = arith.constant 0 : index
    %get3A_69 = vector.load %arg3[%get3A_67, %get3A_68] : memref<128x2048xf32, #tpu.memory_space<vmem>>, vector<1x2048xf32>
    %exp3A_70 = math.exp %get3A_66 : vector<512x1xf32>
    %mul3A_71 = arith.constant 2.000000e-01 : f32
    %mul3A_72 = vector.broadcast %mul3A_71 : f32 to vector<512x1xf32>
    %mul3A_73 = arith.mulf %mul3A_72, %get3A_66 : vector<512x1xf32>
    %exp3A_74 = math.exp %mul3A_73 : vector<512x1xf32>
    %exp3A_75 = math.exp %get3A_69 : vector<1x2048xf32>
    %mul3A_76 = arith.constant 2.000000e-01 : f32
    %mul3A_77 = vector.broadcast %mul3A_76 : f32 to vector<1x2048xf32>
    %mul3A_78 = arith.mulf %mul3A_77, %get3A_69 : vector<1x2048xf32>
    %exp3A_79 = math.exp %mul3A_78 : vector<1x2048xf32>
    %mul3A_80 = vector.broadcast %exp3A_70 : vector<512x1xf32> to vector<512x2048xf32>
    %mul3A_81 = vector.broadcast %exp3A_75 : vector<1x2048xf32> to vector<512x2048xf32>
    %mul3A_82 = arith.mulf %mul3A_80, %mul3A_81 : vector<512x2048xf32>
    %mul3A_83 = vector.broadcast %exp3A_74 : vector<512x1xf32> to vector<512x2048xf32>
    %mul3A_84 = vector.broadcast %exp3A_79 : vector<1x2048xf32> to vector<512x2048xf32>
    %mul3A_85 = arith.mulf %mul3A_83, %mul3A_84 : vector<512x2048xf32>
    %max3A_86 = arith.maximumf %mul3A_82, %mul3A_85 : vector<512x2048xf32>
    %mul3A_87 = arith.mulf %convert_element_type3A, %max3A_86 : vector<512x2048xf32>
    %reduce_sum3A_88 = arith.constant dense<0.000000e+00> : vector<512xf32>
    %reduce_sum3A_89 = vector.multi_reduction <add>, %mul3A_87, %reduce_sum3A_88 [1] : vector<512x2048xf32> to vector<512xf32>
    %broadcast_in_dim3A_90 = vector.shape_cast %reduce_sum3A_89 : vector<512xf32> to vector<512x1xf32>
    %get3A_91 = arith.constant 0 : index
    %get3A_92 = arith.constant 256 : index
    %get3A_93 = vector.load %arg5[%get3A_91, %get3A_92] : memref<2048x1024xf32, #tpu.memory_space<vmem>>, vector<2048x256xf32>
    %dot_general3A_94 = arith.constant dense<0.000000e+00> : vector<512x256xf32>
    %dot_general3A_95 = tpu.matmul %mul3A_87, %get3A_93, %dot_general3A_94 {dimension_numbers = #tpu.dot_dimension_numbers<[1], [0], [0], [1], [0, 0, 1, 1], [], []>, transpose_lhs_hint = false} : vector<512x2048xf32>, vector<2048x256xf32>, vector<512x256xf32> -> vector<512x256xf32>
    %get3A_96 = arith.constant 0 : index
    %get3A_97 = arith.constant 1 : index
    %get3A_98 = vector.load %arg2[%get3A_96, %get3A_97] : memref<512x128xf32, #tpu.memory_space<vmem>>, vector<512x1xf32>
    %add3A_99 = arith.addf %get3A_66, %get3A_98 : vector<512x1xf32>
    %mul3A_100 = arith.constant 2.000000e-01 : f32
    %mul3A_101 = vector.broadcast %mul3A_100 : f32 to vector<512x1xf32>
    %mul3A_102 = arith.mulf %mul3A_101, %add3A_99 : vector<512x1xf32>
    %max3A_103 = arith.maximumf %add3A_99, %mul3A_102 : vector<512x1xf32>
    %exp3A_104 = math.exp %max3A_103 : vector<512x1xf32>
    %mul3A_105 = arith.constant 512 : i32
    %mul3A_106 = arith.muli %arg0, %mul3A_105 : i32
    %get3A_107 = arith.index_cast %mul3A_106 : i32 to index
    %get3A_108 = arith.constant 256 : index
    %get3A_109 = vector.load %arg5[%get3A_107, %get3A_108] : memref<2048x1024xf32, #tpu.memory_space<vmem>>, vector<512x256xf32>
    %mul3A_110 = vector.broadcast %exp3A_104 : vector<512x1xf32> to vector<512x256xf32>
    %mul3A_111 = arith.mulf %mul3A_110, %get3A_109 : vector<512x256xf32>
    %add3A_112 = arith.addf %dot_general3A_95, %mul3A_111 : vector<512x256xf32>
    %add3A_113 = arith.addf %broadcast_in_dim3A_90, %exp3A_104 : vector<512x1xf32>
    %div3A_114 = vector.broadcast %add3A_113 : vector<512x1xf32> to vector<512x256xf32>
    %div3A_115 = arith.divf %add3A_112, %div3A_114 : vector<512x256xf32>
    %add3A_116 = arith.addf %add3A_63, %div3A_115 : vector<512x256xf32>
    %get3A_117 = arith.constant 0 : index
    %get3A_118 = arith.constant 2 : index
    %get3A_119 = vector.load %arg1[%get3A_117, %get3A_118] : memref<512x128xf32, #tpu.memory_space<vmem>>, vector<512x1xf32>
    %get3A_120 = arith.constant 2 : index
    %get3A_121 = arith.constant 0 : index
    %get3A_122 = vector.load %arg3[%get3A_120, %get3A_121] : memref<128x2048xf32, #tpu.memory_space<vmem>>, vector<1x2048xf32>
    %exp3A_123 = math.exp %get3A_119 : vector<512x1xf32>
    %mul3A_124 = arith.constant 2.000000e-01 : f32
    %mul3A_125 = vector.broadcast %mul3A_124 : f32 to vector<512x1xf32>
    %mul3A_126 = arith.mulf %mul3A_125, %get3A_119 : vector<512x1xf32>
    %exp3A_127 = math.exp %mul3A_126 : vector<512x1xf32>
    %exp3A_128 = math.exp %get3A_122 : vector<1x2048xf32>
    %mul3A_129 = arith.constant 2.000000e-01 : f32
    %mul3A_130 = vector.broadcast %mul3A_129 : f32 to vector<1x2048xf32>
    %mul3A_131 = arith.mulf %mul3A_130, %get3A_122 : vector<1x2048xf32>
    %exp3A_132 = math.exp %mul3A_131 : vector<1x2048xf32>
    %mul3A_133 = vector.broadcast %exp3A_123 : vector<512x1xf32> to vector<512x2048xf32>
    %mul3A_134 = vector.broadcast %exp3A_128 : vector<1x2048xf32> to vector<512x2048xf32>
    %mul3A_135 = arith.mulf %mul3A_133, %mul3A_134 : vector<512x2048xf32>
    %mul3A_136 = vector.broadcast %exp3A_127 : vector<512x1xf32> to vector<512x2048xf32>
    %mul3A_137 = vector.broadcast %exp3A_132 : vector<1x2048xf32> to vector<512x2048xf32>
    %mul3A_138 = arith.mulf %mul3A_136, %mul3A_137 : vector<512x2048xf32>
    %max3A_139 = arith.maximumf %mul3A_135, %mul3A_138 : vector<512x2048xf32>
    %mul3A_140 = arith.mulf %convert_element_type3A, %max3A_139 : vector<512x2048xf32>
    %reduce_sum3A_141 = arith.constant dense<0.000000e+00> : vector<512xf32>
    %reduce_sum3A_142 = vector.multi_reduction <add>, %mul3A_140, %reduce_sum3A_141 [1] : vector<512x2048xf32> to vector<512xf32>
    %broadcast_in_dim3A_143 = vector.shape_cast %reduce_sum3A_142 : vector<512xf32> to vector<512x1xf32>
    %get3A_144 = arith.constant 0 : index
    %get3A_145 = arith.constant 512 : index
    %get3A_146 = vector.load %arg5[%get3A_144, %get3A_145] : memref<2048x1024xf32, #tpu.memory_space<vmem>>, vector<2048x256xf32>
    %dot_general3A_147 = arith.constant dense<0.000000e+00> : vector<512x256xf32>
    %dot_general3A_148 = tpu.matmul %mul3A_140, %get3A_146, %dot_general3A_147 {dimension_numbers = #tpu.dot_dimension_numbers<[1], [0], [0], [1], [0, 0, 1, 1], [], []>, transpose_lhs_hint = false} : vector<512x2048xf32>, vector<2048x256xf32>, vector<512x256xf32> -> vector<512x256xf32>
    %get3A_149 = arith.constant 0 : index
    %get3A_150 = arith.constant 2 : index
    %get3A_151 = vector.load %arg2[%get3A_149, %get3A_150] : memref<512x128xf32, #tpu.memory_space<vmem>>, vector<512x1xf32>
    %add3A_152 = arith.addf %get3A_119, %get3A_151 : vector<512x1xf32>
    %mul3A_153 = arith.constant 2.000000e-01 : f32
    %mul3A_154 = vector.broadcast %mul3A_153 : f32 to vector<512x1xf32>
    %mul3A_155 = arith.mulf %mul3A_154, %add3A_152 : vector<512x1xf32>
    %max3A_156 = arith.maximumf %add3A_152, %mul3A_155 : vector<512x1xf32>
    %exp3A_157 = math.exp %max3A_156 : vector<512x1xf32>
    %mul3A_158 = arith.constant 512 : i32
    %mul3A_159 = arith.muli %arg0, %mul3A_158 : i32
    %get3A_160 = arith.index_cast %mul3A_159 : i32 to index
    %get3A_161 = arith.constant 512 : index
    %get3A_162 = vector.load %arg5[%get3A_160, %get3A_161] : memref<2048x1024xf32, #tpu.memory_space<vmem>>, vector<512x256xf32>
    %mul3A_163 = vector.broadcast %exp3A_157 : vector<512x1xf32> to vector<512x256xf32>
    %mul3A_164 = arith.mulf %mul3A_163, %get3A_162 : vector<512x256xf32>
    %add3A_165 = arith.addf %dot_general3A_148, %mul3A_164 : vector<512x256xf32>
    %add3A_166 = arith.addf %broadcast_in_dim3A_143, %exp3A_157 : vector<512x1xf32>
    %div3A_167 = vector.broadcast %add3A_166 : vector<512x1xf32> to vector<512x256xf32>
    %div3A_168 = arith.divf %add3A_165, %div3A_167 : vector<512x256xf32>
    %add3A_169 = arith.addf %add3A_116, %div3A_168 : vector<512x256xf32>
    %get3A_170 = arith.constant 0 : index
    %get3A_171 = arith.constant 3 : index
    %get3A_172 = vector.load %arg1[%get3A_170, %get3A_171] : memref<512x128xf32, #tpu.memory_space<vmem>>, vector<512x1xf32>
    %get3A_173 = arith.constant 3 : index
    %get3A_174 = arith.constant 0 : index
    %get3A_175 = vector.load %arg3[%get3A_173, %get3A_174] : memref<128x2048xf32, #tpu.memory_space<vmem>>, vector<1x2048xf32>
    %exp3A_176 = math.exp %get3A_172 : vector<512x1xf32>
    %mul3A_177 = arith.constant 2.000000e-01 : f32
    %mul3A_178 = vector.broadcast %mul3A_177 : f32 to vector<512x1xf32>
    %mul3A_179 = arith.mulf %mul3A_178, %get3A_172 : vector<512x1xf32>
    %exp3A_180 = math.exp %mul3A_179 : vector<512x1xf32>
    %exp3A_181 = math.exp %get3A_175 : vector<1x2048xf32>
    %mul3A_182 = arith.constant 2.000000e-01 : f32
    %mul3A_183 = vector.broadcast %mul3A_182 : f32 to vector<1x2048xf32>
    %mul3A_184 = arith.mulf %mul3A_183, %get3A_175 : vector<1x2048xf32>
    %exp3A_185 = math.exp %mul3A_184 : vector<1x2048xf32>
    %mul3A_186 = vector.broadcast %exp3A_176 : vector<512x1xf32> to vector<512x2048xf32>
    %mul3A_187 = vector.broadcast %exp3A_181 : vector<1x2048xf32> to vector<512x2048xf32>
    %mul3A_188 = arith.mulf %mul3A_186, %mul3A_187 : vector<512x2048xf32>
    %mul3A_189 = vector.broadcast %exp3A_180 : vector<512x1xf32> to vector<512x2048xf32>
    %mul3A_190 = vector.broadcast %exp3A_185 : vector<1x2048xf32> to vector<512x2048xf32>
    %mul3A_191 = arith.mulf %mul3A_189, %mul3A_190 : vector<512x2048xf32>
    %max3A_192 = arith.maximumf %mul3A_188, %mul3A_191 : vector<512x2048xf32>
    %mul3A_193 = arith.mulf %convert_element_type3A, %max3A_192 : vector<512x2048xf32>
    %reduce_sum3A_194 = arith.constant dense<0.000000e+00> : vector<512xf32>
    %reduce_sum3A_195 = vector.multi_reduction <add>, %mul3A_193, %reduce_sum3A_194 [1] : vector<512x2048xf32> to vector<512xf32>
    %broadcast_in_dim3A_196 = vector.shape_cast %reduce_sum3A_195 : vector<512xf32> to vector<512x1xf32>
    %get3A_197 = arith.constant 0 : index
    %get3A_198 = arith.constant 768 : index
    %get3A_199 = vector.load %arg5[%get3A_197, %get3A_198] : memref<2048x1024xf32, #tpu.memory_space<vmem>>, vector<2048x256xf32>
    %dot_general3A_200 = arith.constant dense<0.000000e+00> : vector<512x256xf32>
    %dot_general3A_201 = tpu.matmul %mul3A_193, %get3A_199, %dot_general3A_200 {dimension_numbers = #tpu.dot_dimension_numbers<[1], [0], [0], [1], [0, 0, 1, 1], [], []>, transpose_lhs_hint = false} : vector<512x2048xf32>, vector<2048x256xf32>, vector<512x256xf32> -> vector<512x256xf32>
    %get3A_202 = arith.constant 0 : index
    %get3A_203 = arith.constant 3 : index
    %get3A_204 = vector.load %arg2[%get3A_202, %get3A_203] : memref<512x128xf32, #tpu.memory_space<vmem>>, vector<512x1xf32>
    %add3A_205 = arith.addf %get3A_172, %get3A_204 : vector<512x1xf32>
    %mul3A_206 = arith.constant 2.000000e-01 : f32
    %mul3A_207 = vector.broadcast %mul3A_206 : f32 to vector<512x1xf32>
    %mul3A_208 = arith.mulf %mul3A_207, %add3A_205 : vector<512x1xf32>
    %max3A_209 = arith.maximumf %add3A_205, %mul3A_208 : vector<512x1xf32>
    %exp3A_210 = math.exp %max3A_209 : vector<512x1xf32>
    %mul3A_211 = arith.constant 512 : i32
    %mul3A_212 = arith.muli %arg0, %mul3A_211 : i32
    %get3A_213 = arith.index_cast %mul3A_212 : i32 to index
    %get3A_214 = arith.constant 768 : index
    %get3A_215 = vector.load %arg5[%get3A_213, %get3A_214] : memref<2048x1024xf32, #tpu.memory_space<vmem>>, vector<512x256xf32>
    %mul3A_216 = vector.broadcast %exp3A_210 : vector<512x1xf32> to vector<512x256xf32>
    %mul3A_217 = arith.mulf %mul3A_216, %get3A_215 : vector<512x256xf32>
    %add3A_218 = arith.addf %dot_general3A_201, %mul3A_217 : vector<512x256xf32>
    %add3A_219 = arith.addf %broadcast_in_dim3A_196, %exp3A_210 : vector<512x1xf32>
    %div3A_220 = vector.broadcast %add3A_219 : vector<512x1xf32> to vector<512x256xf32>
    %div3A_221 = arith.divf %add3A_218, %div3A_220 : vector<512x256xf32>
    %add3A_222 = arith.addf %add3A_169, %div3A_221 : vector<512x256xf32>
    %mul3A_223 = arith.constant 2.500000e-01 : f32
    %mul3A_224 = vector.broadcast %mul3A_223 : f32 to vector<512x256xf32>
    %mul3A_225 = arith.mulf %add3A_222, %mul3A_224 : vector<512x256xf32>
    %get3A_226 = arith.constant 0 : index
    %get3A_227 = arith.constant 0 : index
    %get3A_228 = vector.load %arg6[%get3A_226, %get3A_227] : memref<1x256xf32, #tpu.memory_space<vmem>>, vector<1x256xf32>
    %add3A_229 = vector.broadcast %get3A_228 : vector<1x256xf32> to vector<512x256xf32>
    %add3A_230 = arith.addf %mul3A_225, %add3A_229 : vector<512x256xf32>
    %get3A_231 = arith.constant 0 : index
    %get3A_232 = arith.constant 0 : index
    %get3A_233 = vector.load %arg7[%get3A_231, %get3A_232] : memref<512x256xf32, #tpu.memory_space<vmem>>, vector<512x256xf32>
    %add3A_234 = arith.addf %add3A_230, %get3A_233 : vector<512x256xf32>
    %swap3A = arith.constant 0 : index
    %swap3A_235 = arith.constant 0 : index
    %swap3A_236 = vector.load %arg10[%swap3A, %swap3A_235] : memref<512x256xf32, #tpu.memory_space<vmem>>, vector<512x256xf32>
    tpu.vector_store %arg10[%swap3A, %swap3A_235], %add3A_234 {strides = array<i32>} : memref<512x256xf32, #tpu.memory_space<vmem>>, vector<512x256xf32>,
    %get3A_237 = arith.constant 0 : index
    %get3A_238 = arith.constant 0 : index
    %get3A_239 = vector.load %arg8[%get3A_237, %get3A_238] : memref<256x768xf32, #tpu.memory_space<vmem>>, vector<256x768xf32>
    %dot_general3A_240 = arith.constant dense<0.000000e+00> : vector<512x768xf32>
    %dot_general3A_241 = tpu.matmul %add3A_234, %get3A_239, %dot_general3A_240 {dimension_numbers = #tpu.dot_dimension_numbers<[1], [0], [0], [1], [0, 0, 1, 1], [], []>, transpose_lhs_hint = false} : vector<512x256xf32>, vector<256x768xf32>, vector<512x768xf32> -> vector<512x768xf32>
    %get3A_242 = arith.constant 0 : index
    %get3A_243 = arith.constant 0 : index
    %get3A_244 = vector.load %arg9[%get3A_242, %get3A_243] : memref<1x768xf32, #tpu.memory_space<vmem>>, vector<1x768xf32>
    %add3A_245 = vector.broadcast %get3A_244 : vector<1x768xf32> to vector<512x768xf32>
    %add3A_246 = arith.addf %dot_general3A_241, %add3A_245 : vector<512x768xf32>
    %swap3A_247 = arith.constant 0 : index
    %swap3A_248 = arith.constant 0 : index
    %swap3A_249 = vector.load %arg11[%swap3A_247, %swap3A_248] : memref<512x768xf32, #tpu.memory_space<vmem>>, vector<512x768xf32>
    tpu.vector_store %arg11[%swap3A_247, %swap3A_248], %add3A_246 {strides = array<i32>} : memref<512x768xf32, #tpu.memory_space<vmem>>, vector<512x768xf32>,
    return
  }
  func.func @transform_0(%arg0: i32) -> (i32, i32) {
    %c0_i32 = arith.constant 0 : i32
    %c0_i32_0 = arith.constant 0 : i32
    return %arg0, %c0_i32 : i32, i32
  }
  func.func @transform_1(%arg0: i32) -> (i32, i32) {
    %c0_i32 = arith.constant 0 : i32
    %c0_i32_0 = arith.constant 0 : i32
    return %arg0, %c0_i32 : i32, i32
  }
  func.func @transform_2(%arg0: i32) -> (i32, i32) {
    %c0_i32 = arith.constant 0 : i32
    %c0_i32_0 = arith.constant 0 : i32
    %c0_i32_1 = arith.constant 0 : i32
    return %c0_i32, %c0_i32_0 : i32, i32
  }
  func.func @transform_3(%arg0: i32) -> (i32, i32) {
    %c0_i32 = arith.constant 0 : i32
    %c0_i32_0 = arith.constant 0 : i32
    return %arg0, %c0_i32 : i32, i32
  }
  func.func @transform_4(%arg0: i32) -> (i32, i32) {
    %c0_i32 = arith.constant 0 : i32
    %c0_i32_0 = arith.constant 0 : i32
    %c0_i32_1 = arith.constant 0 : i32
    return %c0_i32, %c0_i32_0 : i32, i32
  }
  func.func @transform_5(%arg0: i32) -> (i32, i32) {
    %c0_i32 = arith.constant 0 : i32
    %c0_i32_0 = arith.constant 0 : i32
    %c0_i32_1 = arith.constant 0 : i32
    return %c0_i32, %c0_i32_0 : i32, i32
  }
  func.func @transform_6(%arg0: i32) -> (i32, i32) {
    %c0_i32 = arith.constant 0 : i32
    %c0_i32_0 = arith.constant 0 : i32
    return %arg0, %c0_i32 : i32, i32
  }
  func.func @transform_7(%arg0: i32) -> (i32, i32) {
    %c0_i32 = arith.constant 0 : i32
    %c0_i32_0 = arith.constant 0 : i32
    %c0_i32_1 = arith.constant 0 : i32
    return %c0_i32, %c0_i32_0 : i32, i32
  }
  func.func @transform_8(%arg0: i32) -> (i32, i32) {
    %c0_i32 = arith.constant 0 : i32
    %c0_i32_0 = arith.constant 0 : i32
    %c0_i32_1 = arith.constant 0 : i32
    return %c0_i32, %c0_i32_0 : i32, i32
  }
  func.func @transform_9(%arg0: i32) -> (i32, i32) {
    %c0_i32 = arith.constant 0 : i32
    %c0_i32_0 = arith.constant 0 : i32
    return %arg0, %c0_i32 : i32, i32
  }
  func.func @transform_10(%arg0: i32) -> (i32, i32) {
    %c0_i32 = arith.constant 0 : i32
    %c0_i32_0 = arith.constant 0 : i32
    return %arg0, %c0_i32 : i32, i32
  }
}

module attributes {stable_mosaic.version = 14 : i64} {
  func.func @body(%arg0: i32, %arg1: memref<2048x768xf32, #tpu.memory_space<vmem>>, %arg2: memref<512x256xf32, #tpu.memory_space<vmem>>, %arg3: memref<256x256xf32, #tpu.memory_space<vmem>>, %arg4: memref<1x256xf32, #tpu.memory_space<vmem>>, %arg5: memref<1x256xf32, #tpu.memory_space<vmem>>, %arg6: memref<1x256xf32, #tpu.memory_space<vmem>>, %arg7: memref<256x2048xf32, #tpu.memory_space<vmem>>, %arg8: memref<1x2048xf32, #tpu.memory_space<vmem>>, %arg9: memref<2048x256xf32, #tpu.memory_space<vmem>>, %arg10: memref<1x256xf32, #tpu.memory_space<vmem>>, %arg11: memref<1x256xf32, #tpu.memory_space<vmem>>, %arg12: memref<1x256xf32, #tpu.memory_space<vmem>>, %arg13: memref<512x256xf32, #tpu.memory_space<vmem>>) attributes {dimension_semantics = [#tpu.dimension_semantics<arbitrary>], iteration_bounds = array<i64: 4>, scalar_prefetch = 0 : i64, scratch_operands = 0 : i64, tpu.core_type = #tpu.core_type<tc>, window_params = [{pipeline_mode = #tpu.pipeline_mode<synchronous>, transform_indices = @transform_0, window_bounds = array<i64: 2048, 768>}, {transform_indices = @transform_1, window_bounds = array<i64: 512, 256>}, {pipeline_mode = #tpu.pipeline_mode<synchronous>, transform_indices = @transform_2, window_bounds = array<i64: 256, 256>}, {pipeline_mode = #tpu.pipeline_mode<synchronous>, transform_indices = @transform_3, window_bounds = array<i64: 1, 256>}, {pipeline_mode = #tpu.pipeline_mode<synchronous>, transform_indices = @transform_4, window_bounds = array<i64: 1, 256>}, {pipeline_mode = #tpu.pipeline_mode<synchronous>, transform_indices = @transform_5, window_bounds = array<i64: 1, 256>}, {pipeline_mode = #tpu.pipeline_mode<synchronous>, transform_indices = @transform_6, window_bounds = array<i64: 256, 2048>}, {pipeline_mode = #tpu.pipeline_mode<synchronous>, transform_indices = @transform_7, window_bounds = array<i64: 1, 2048>}, {pipeline_mode = #tpu.pipeline_mode<synchronous>, transform_indices = @transform_8, window_bounds = array<i64: 2048, 256>}, {pipeline_mode = #tpu.pipeline_mode<synchronous>, transform_indices = @transform_9, window_bounds = array<i64: 1, 256>}, {pipeline_mode = #tpu.pipeline_mode<synchronous>, transform_indices = @transform_10, window_bounds = array<i64: 1, 256>}, {pipeline_mode = #tpu.pipeline_mode<synchronous>, transform_indices = @transform_11, window_bounds = array<i64: 1, 256>}, {transform_indices = @transform_12, window_bounds = array<i64: 512, 256>}]} {
    %mul3A = arith.constant 512 : i32
    %mul3A_0 = arith.muli %arg0, %mul3A : i32
    %get3A = arith.index_cast %mul3A_0 : i32 to index
    %get3A_1 = arith.constant 0 : index
    %get3A_2 = vector.load %arg1[%get3A, %get3A_1] : memref<2048x768xf32, #tpu.memory_space<vmem>>, vector<512x64xf32>
    %get3A_3 = arith.constant 0 : index
    %get3A_4 = arith.constant 256 : index
    %get3A_5 = vector.load %arg1[%get3A_3, %get3A_4] : memref<2048x768xf32, #tpu.memory_space<vmem>>, vector<2048x64xf32>
    %get3A_6 = arith.constant 0 : index
    %get3A_7 = arith.constant 512 : index
    %get3A_8 = vector.load %arg1[%get3A_6, %get3A_7] : memref<2048x768xf32, #tpu.memory_space<vmem>>, vector<2048x64xf32>
    %dot_general3A = arith.constant dense<0.000000e+00> : vector<512x2048xf32>
    %dot_general3A_9 = tpu.matmul %get3A_2, %get3A_5, %dot_general3A {dimension_numbers = #tpu.dot_dimension_numbers<[1], [1], [0], [0], [0, 0, 1, 0], [], []>, transpose_lhs_hint = false} : vector<512x64xf32>, vector<2048x64xf32>, vector<512x2048xf32> -> vector<512x2048xf32>
    %reduce_max3A = arith.constant dense<0xFF800000> : vector<512xf32>
    %reduce_max3A_10 = vector.multi_reduction <maximumf>, %dot_general3A_9, %reduce_max3A [1] : vector<512x2048xf32> to vector<512xf32>
    %broadcast_in_dim3A = vector.shape_cast %reduce_max3A_10 : vector<512xf32> to vector<512x1xf32>
    %sub3A = vector.broadcast %broadcast_in_dim3A : vector<512x1xf32> to vector<512x2048xf32>
    %sub3A_11 = arith.subf %dot_general3A_9, %sub3A : vector<512x2048xf32>
    %exp3A = math.exp %sub3A_11 : vector<512x2048xf32>
    %dot_general3A_12 = arith.constant dense<0.000000e+00> : vector<512x64xf32>
    %dot_general3A_13 = tpu.matmul %exp3A, %get3A_8, %dot_general3A_12 {dimension_numbers = #tpu.dot_dimension_numbers<[1], [0], [0], [1], [0, 0, 1, 1], [], []>, transpose_lhs_hint = false} : vector<512x2048xf32>, vector<2048x64xf32>, vector<512x64xf32> -> vector<512x64xf32>
    %reduce_sum3A = arith.constant dense<0.000000e+00> : vector<512xf32>
    %reduce_sum3A_14 = vector.multi_reduction <add>, %exp3A, %reduce_sum3A [1] : vector<512x2048xf32> to vector<512xf32>
    %broadcast_in_dim3A_15 = vector.shape_cast %reduce_sum3A_14 : vector<512xf32> to vector<512x1xf32>
    %div3A = vector.broadcast %broadcast_in_dim3A_15 : vector<512x1xf32> to vector<512x64xf32>
    %div3A_16 = arith.divf %dot_general3A_13, %div3A : vector<512x64xf32>
    %mul3A_17 = arith.constant 512 : i32
    %mul3A_18 = arith.muli %arg0, %mul3A_17 : i32
    %get3A_19 = arith.index_cast %mul3A_18 : i32 to index
    %get3A_20 = arith.constant 64 : index
    %get3A_21 = vector.load %arg1[%get3A_19, %get3A_20] : memref<2048x768xf32, #tpu.memory_space<vmem>>, vector<512x64xf32>
    %get3A_22 = arith.constant 0 : index
    %get3A_23 = arith.constant 320 : index
    %get3A_24 = vector.load %arg1[%get3A_22, %get3A_23] : memref<2048x768xf32, #tpu.memory_space<vmem>>, vector<2048x64xf32>
    %get3A_25 = arith.constant 0 : index
    %get3A_26 = arith.constant 576 : index
    %get3A_27 = vector.load %arg1[%get3A_25, %get3A_26] : memref<2048x768xf32, #tpu.memory_space<vmem>>, vector<2048x64xf32>
    %dot_general3A_28 = arith.constant dense<0.000000e+00> : vector<512x2048xf32>
    %dot_general3A_29 = tpu.matmul %get3A_21, %get3A_24, %dot_general3A_28 {dimension_numbers = #tpu.dot_dimension_numbers<[1], [1], [0], [0], [0, 0, 1, 0], [], []>, transpose_lhs_hint = false} : vector<512x64xf32>, vector<2048x64xf32>, vector<512x2048xf32> -> vector<512x2048xf32>
    %reduce_max3A_30 = arith.constant dense<0xFF800000> : vector<512xf32>
    %reduce_max3A_31 = vector.multi_reduction <maximumf>, %dot_general3A_29, %reduce_max3A_30 [1] : vector<512x2048xf32> to vector<512xf32>
    %broadcast_in_dim3A_32 = vector.shape_cast %reduce_max3A_31 : vector<512xf32> to vector<512x1xf32>
    %sub3A_33 = vector.broadcast %broadcast_in_dim3A_32 : vector<512x1xf32> to vector<512x2048xf32>
    %sub3A_34 = arith.subf %dot_general3A_29, %sub3A_33 : vector<512x2048xf32>
    %exp3A_35 = math.exp %sub3A_34 : vector<512x2048xf32>
    %dot_general3A_36 = arith.constant dense<0.000000e+00> : vector<512x64xf32>
    %dot_general3A_37 = tpu.matmul %exp3A_35, %get3A_27, %dot_general3A_36 {dimension_numbers = #tpu.dot_dimension_numbers<[1], [0], [0], [1], [0, 0, 1, 1], [], []>, transpose_lhs_hint = false} : vector<512x2048xf32>, vector<2048x64xf32>, vector<512x64xf32> -> vector<512x64xf32>
    %reduce_sum3A_38 = arith.constant dense<0.000000e+00> : vector<512xf32>
    %reduce_sum3A_39 = vector.multi_reduction <add>, %exp3A_35, %reduce_sum3A_38 [1] : vector<512x2048xf32> to vector<512xf32>
    %broadcast_in_dim3A_40 = vector.shape_cast %reduce_sum3A_39 : vector<512xf32> to vector<512x1xf32>
    %div3A_41 = vector.broadcast %broadcast_in_dim3A_40 : vector<512x1xf32> to vector<512x64xf32>
    %div3A_42 = arith.divf %dot_general3A_37, %div3A_41 : vector<512x64xf32>
    %mul3A_43 = arith.constant 512 : i32
    %mul3A_44 = arith.muli %arg0, %mul3A_43 : i32
    %get3A_45 = arith.index_cast %mul3A_44 : i32 to index
    %get3A_46 = arith.constant 128 : index
    %get3A_47 = vector.load %arg1[%get3A_45, %get3A_46] : memref<2048x768xf32, #tpu.memory_space<vmem>>, vector<512x64xf32>
    %get3A_48 = arith.constant 0 : index
    %get3A_49 = arith.constant 384 : index
    %get3A_50 = vector.load %arg1[%get3A_48, %get3A_49] : memref<2048x768xf32, #tpu.memory_space<vmem>>, vector<2048x64xf32>
    %get3A_51 = arith.constant 0 : index
    %get3A_52 = arith.constant 640 : index
    %get3A_53 = vector.load %arg1[%get3A_51, %get3A_52] : memref<2048x768xf32, #tpu.memory_space<vmem>>, vector<2048x64xf32>
    %dot_general3A_54 = arith.constant dense<0.000000e+00> : vector<512x2048xf32>
    %dot_general3A_55 = tpu.matmul %get3A_47, %get3A_50, %dot_general3A_54 {dimension_numbers = #tpu.dot_dimension_numbers<[1], [1], [0], [0], [0, 0, 1, 0], [], []>, transpose_lhs_hint = false} : vector<512x64xf32>, vector<2048x64xf32>, vector<512x2048xf32> -> vector<512x2048xf32>
    %reduce_max3A_56 = arith.constant dense<0xFF800000> : vector<512xf32>
    %reduce_max3A_57 = vector.multi_reduction <maximumf>, %dot_general3A_55, %reduce_max3A_56 [1] : vector<512x2048xf32> to vector<512xf32>
    %broadcast_in_dim3A_58 = vector.shape_cast %reduce_max3A_57 : vector<512xf32> to vector<512x1xf32>
    %sub3A_59 = vector.broadcast %broadcast_in_dim3A_58 : vector<512x1xf32> to vector<512x2048xf32>
    %sub3A_60 = arith.subf %dot_general3A_55, %sub3A_59 : vector<512x2048xf32>
    %exp3A_61 = math.exp %sub3A_60 : vector<512x2048xf32>
    %dot_general3A_62 = arith.constant dense<0.000000e+00> : vector<512x64xf32>
    %dot_general3A_63 = tpu.matmul %exp3A_61, %get3A_53, %dot_general3A_62 {dimension_numbers = #tpu.dot_dimension_numbers<[1], [0], [0], [1], [0, 0, 1, 1], [], []>, transpose_lhs_hint = false} : vector<512x2048xf32>, vector<2048x64xf32>, vector<512x64xf32> -> vector<512x64xf32>
    %reduce_sum3A_64 = arith.constant dense<0.000000e+00> : vector<512xf32>
    %reduce_sum3A_65 = vector.multi_reduction <add>, %exp3A_61, %reduce_sum3A_64 [1] : vector<512x2048xf32> to vector<512xf32>
    %broadcast_in_dim3A_66 = vector.shape_cast %reduce_sum3A_65 : vector<512xf32> to vector<512x1xf32>
    %div3A_67 = vector.broadcast %broadcast_in_dim3A_66 : vector<512x1xf32> to vector<512x64xf32>
    %div3A_68 = arith.divf %dot_general3A_63, %div3A_67 : vector<512x64xf32>
    %mul3A_69 = arith.constant 512 : i32
    %mul3A_70 = arith.muli %arg0, %mul3A_69 : i32
    %get3A_71 = arith.index_cast %mul3A_70 : i32 to index
    %get3A_72 = arith.constant 192 : index
    %get3A_73 = vector.load %arg1[%get3A_71, %get3A_72] : memref<2048x768xf32, #tpu.memory_space<vmem>>, vector<512x64xf32>
    %get3A_74 = arith.constant 0 : index
    %get3A_75 = arith.constant 448 : index
    %get3A_76 = vector.load %arg1[%get3A_74, %get3A_75] : memref<2048x768xf32, #tpu.memory_space<vmem>>, vector<2048x64xf32>
    %get3A_77 = arith.constant 0 : index
    %get3A_78 = arith.constant 704 : index
    %get3A_79 = vector.load %arg1[%get3A_77, %get3A_78] : memref<2048x768xf32, #tpu.memory_space<vmem>>, vector<2048x64xf32>
    %dot_general3A_80 = arith.constant dense<0.000000e+00> : vector<512x2048xf32>
    %dot_general3A_81 = tpu.matmul %get3A_73, %get3A_76, %dot_general3A_80 {dimension_numbers = #tpu.dot_dimension_numbers<[1], [1], [0], [0], [0, 0, 1, 0], [], []>, transpose_lhs_hint = false} : vector<512x64xf32>, vector<2048x64xf32>, vector<512x2048xf32> -> vector<512x2048xf32>
    %reduce_max3A_82 = arith.constant dense<0xFF800000> : vector<512xf32>
    %reduce_max3A_83 = vector.multi_reduction <maximumf>, %dot_general3A_81, %reduce_max3A_82 [1] : vector<512x2048xf32> to vector<512xf32>
    %broadcast_in_dim3A_84 = vector.shape_cast %reduce_max3A_83 : vector<512xf32> to vector<512x1xf32>
    %sub3A_85 = vector.broadcast %broadcast_in_dim3A_84 : vector<512x1xf32> to vector<512x2048xf32>
    %sub3A_86 = arith.subf %dot_general3A_81, %sub3A_85 : vector<512x2048xf32>
    %exp3A_87 = math.exp %sub3A_86 : vector<512x2048xf32>
    %dot_general3A_88 = arith.constant dense<0.000000e+00> : vector<512x64xf32>
    %dot_general3A_89 = tpu.matmul %exp3A_87, %get3A_79, %dot_general3A_88 {dimension_numbers = #tpu.dot_dimension_numbers<[1], [0], [0], [1], [0, 0, 1, 1], [], []>, transpose_lhs_hint = false} : vector<512x2048xf32>, vector<2048x64xf32>, vector<512x64xf32> -> vector<512x64xf32>
    %reduce_sum3A_90 = arith.constant dense<0.000000e+00> : vector<512xf32>
    %reduce_sum3A_91 = vector.multi_reduction <add>, %exp3A_87, %reduce_sum3A_90 [1] : vector<512x2048xf32> to vector<512xf32>
    %broadcast_in_dim3A_92 = vector.shape_cast %reduce_sum3A_91 : vector<512xf32> to vector<512x1xf32>
    %div3A_93 = vector.broadcast %broadcast_in_dim3A_92 : vector<512x1xf32> to vector<512x64xf32>
    %div3A_94 = arith.divf %dot_general3A_89, %div3A_93 : vector<512x64xf32>
    %concatenate3A = tpu.concatenate %div3A_16, %div3A_42, %div3A_68, %div3A_94 in 1 : vector<512x64xf32>, vector<512x64xf32>, vector<512x64xf32>, vector<512x64xf32> -> vector<512x256xf32>
    %get3A_95 = arith.constant 0 : index
    %get3A_96 = arith.constant 0 : index
    %get3A_97 = vector.load %arg3[%get3A_95, %get3A_96] : memref<256x256xf32, #tpu.memory_space<vmem>>, vector<256x256xf32>
    %dot_general3A_98 = arith.constant dense<0.000000e+00> : vector<512x256xf32>
    %dot_general3A_99 = tpu.matmul %concatenate3A, %get3A_97, %dot_general3A_98 {dimension_numbers = #tpu.dot_dimension_numbers<[1], [0], [0], [1], [0, 0, 1, 1], [], []>, transpose_lhs_hint = false} : vector<512x256xf32>, vector<256x256xf32>, vector<512x256xf32> -> vector<512x256xf32>
    %get3A_100 = arith.constant 0 : index
    %get3A_101 = arith.constant 0 : index
    %get3A_102 = vector.load %arg4[%get3A_100, %get3A_101] : memref<1x256xf32, #tpu.memory_space<vmem>>, vector<1x256xf32>
    %add3A = vector.broadcast %get3A_102 : vector<1x256xf32> to vector<512x256xf32>
    %add3A_103 = arith.addf %dot_general3A_99, %add3A : vector<512x256xf32>
    %get3A_104 = arith.constant 0 : index
    %get3A_105 = arith.constant 0 : index
    %get3A_106 = vector.load %arg2[%get3A_104, %get3A_105] : memref<512x256xf32, #tpu.memory_space<vmem>>, vector<512x256xf32>
    %add3A_107 = arith.addf %get3A_106, %add3A_103 : vector<512x256xf32>
    %get3A_108 = arith.constant 0 : index
    %get3A_109 = arith.constant 0 : index
    %get3A_110 = vector.load %arg5[%get3A_108, %get3A_109] : memref<1x256xf32, #tpu.memory_space<vmem>>, vector<1x256xf32>
    %get3A_111 = arith.constant 0 : index
    %get3A_112 = arith.constant 0 : index
    %get3A_113 = vector.load %arg6[%get3A_111, %get3A_112] : memref<1x256xf32, #tpu.memory_space<vmem>>, vector<1x256xf32>
    %reduce_sum3A_114 = arith.constant dense<0.000000e+00> : vector<512xf32>
    %reduce_sum3A_115 = vector.multi_reduction <add>, %add3A_107, %reduce_sum3A_114 [1] : vector<512x256xf32> to vector<512xf32>
    %broadcast_in_dim3A_116 = vector.shape_cast %reduce_sum3A_115 : vector<512xf32> to vector<512x1xf32>
    %div3A_117 = arith.constant 2.560000e+02 : f32
    %div3A_118 = vector.broadcast %div3A_117 : f32 to vector<512x1xf32>
    %div3A_119 = arith.divf %broadcast_in_dim3A_116, %div3A_118 : vector<512x1xf32>
    %sub3A_120 = vector.broadcast %div3A_119 : vector<512x1xf32> to vector<512x256xf32>
    %sub3A_121 = arith.subf %add3A_107, %sub3A_120 : vector<512x256xf32>
    %integer_pow3A = arith.mulf %sub3A_121, %sub3A_121 : vector<512x256xf32>
    %reduce_sum3A_122 = arith.constant dense<0.000000e+00> : vector<512xf32>
    %reduce_sum3A_123 = vector.multi_reduction <add>, %integer_pow3A, %reduce_sum3A_122 [1] : vector<512x256xf32> to vector<512xf32>
    %broadcast_in_dim3A_124 = vector.shape_cast %reduce_sum3A_123 : vector<512xf32> to vector<512x1xf32>
    %div3A_125 = arith.constant 2.560000e+02 : f32
    %div3A_126 = vector.broadcast %div3A_125 : f32 to vector<512x1xf32>
    %div3A_127 = arith.divf %broadcast_in_dim3A_124, %div3A_126 : vector<512x1xf32>
    %sub3A_128 = vector.broadcast %div3A_119 : vector<512x1xf32> to vector<512x256xf32>
    %sub3A_129 = arith.subf %add3A_107, %sub3A_128 : vector<512x256xf32>
    %add3A_130 = arith.constant 9.99999974E-6 : f32
    %add3A_131 = vector.broadcast %add3A_130 : f32 to vector<512x1xf32>
    %add3A_132 = arith.addf %div3A_127, %add3A_131 : vector<512x1xf32>
    %sqrt3A = math.sqrt %add3A_132 : vector<512x1xf32>
    %div3A_133 = vector.broadcast %sqrt3A : vector<512x1xf32> to vector<512x256xf32>
    %div3A_134 = arith.divf %sub3A_129, %div3A_133 : vector<512x256xf32>
    %mul3A_135 = vector.broadcast %get3A_110 : vector<1x256xf32> to vector<512x256xf32>
    %mul3A_136 = arith.mulf %div3A_134, %mul3A_135 : vector<512x256xf32>
    %add3A_137 = vector.broadcast %get3A_113 : vector<1x256xf32> to vector<512x256xf32>
    %add3A_138 = arith.addf %mul3A_136, %add3A_137 : vector<512x256xf32>
    %get3A_139 = arith.constant 0 : index
    %get3A_140 = arith.constant 0 : index
    %get3A_141 = vector.load %arg7[%get3A_139, %get3A_140] : memref<256x2048xf32, #tpu.memory_space<vmem>>, vector<256x2048xf32>
    %dot_general3A_142 = arith.constant dense<0.000000e+00> : vector<512x2048xf32>
    %dot_general3A_143 = tpu.matmul %add3A_138, %get3A_141, %dot_general3A_142 {dimension_numbers = #tpu.dot_dimension_numbers<[1], [0], [0], [1], [0, 0, 1, 1], [], []>, transpose_lhs_hint = false} : vector<512x256xf32>, vector<256x2048xf32>, vector<512x2048xf32> -> vector<512x2048xf32>
    %get3A_144 = arith.constant 0 : index
    %get3A_145 = arith.constant 0 : index
    %get3A_146 = vector.load %arg8[%get3A_144, %get3A_145] : memref<1x2048xf32, #tpu.memory_space<vmem>>, vector<1x2048xf32>
    %add3A_147 = vector.broadcast %get3A_146 : vector<1x2048xf32> to vector<512x2048xf32>
    %add3A_148 = arith.addf %dot_general3A_143, %add3A_147 : vector<512x2048xf32>
    %max3A = arith.constant 0.000000e+00 : f32
    %max3A_149 = vector.broadcast %max3A : f32 to vector<512x2048xf32>
    %max3A_150 = arith.maximumf %add3A_148, %max3A_149 : vector<512x2048xf32>
    %get3A_151 = arith.constant 0 : index
    %get3A_152 = arith.constant 0 : index
    %get3A_153 = vector.load %arg9[%get3A_151, %get3A_152] : memref<2048x256xf32, #tpu.memory_space<vmem>>, vector<2048x256xf32>
    %dot_general3A_154 = arith.constant dense<0.000000e+00> : vector<512x256xf32>
    %dot_general3A_155 = tpu.matmul %max3A_150, %get3A_153, %dot_general3A_154 {dimension_numbers = #tpu.dot_dimension_numbers<[1], [0], [0], [1], [0, 0, 1, 1], [], []>, transpose_lhs_hint = false} : vector<512x2048xf32>, vector<2048x256xf32>, vector<512x256xf32> -> vector<512x256xf32>
    %get3A_156 = arith.constant 0 : index
    %get3A_157 = arith.constant 0 : index
    %get3A_158 = vector.load %arg10[%get3A_156, %get3A_157] : memref<1x256xf32, #tpu.memory_space<vmem>>, vector<1x256xf32>
    %add3A_159 = vector.broadcast %get3A_158 : vector<1x256xf32> to vector<512x256xf32>
    %add3A_160 = arith.addf %dot_general3A_155, %add3A_159 : vector<512x256xf32>
    %add3A_161 = arith.addf %add3A_138, %add3A_160 : vector<512x256xf32>
    %get3A_162 = arith.constant 0 : index
    %get3A_163 = arith.constant 0 : index
    %get3A_164 = vector.load %arg11[%get3A_162, %get3A_163] : memref<1x256xf32, #tpu.memory_space<vmem>>, vector<1x256xf32>
    %get3A_165 = arith.constant 0 : index
    %get3A_166 = arith.constant 0 : index
    %get3A_167 = vector.load %arg12[%get3A_165, %get3A_166] : memref<1x256xf32, #tpu.memory_space<vmem>>, vector<1x256xf32>
    %reduce_sum3A_168 = arith.constant dense<0.000000e+00> : vector<512xf32>
    %reduce_sum3A_169 = vector.multi_reduction <add>, %add3A_161, %reduce_sum3A_168 [1] : vector<512x256xf32> to vector<512xf32>
    %broadcast_in_dim3A_170 = vector.shape_cast %reduce_sum3A_169 : vector<512xf32> to vector<512x1xf32>
    %div3A_171 = arith.constant 2.560000e+02 : f32
    %div3A_172 = vector.broadcast %div3A_171 : f32 to vector<512x1xf32>
    %div3A_173 = arith.divf %broadcast_in_dim3A_170, %div3A_172 : vector<512x1xf32>
    %sub3A_174 = vector.broadcast %div3A_173 : vector<512x1xf32> to vector<512x256xf32>
    %sub3A_175 = arith.subf %add3A_161, %sub3A_174 : vector<512x256xf32>
    %integer_pow3A_176 = arith.mulf %sub3A_175, %sub3A_175 : vector<512x256xf32>
    %reduce_sum3A_177 = arith.constant dense<0.000000e+00> : vector<512xf32>
    %reduce_sum3A_178 = vector.multi_reduction <add>, %integer_pow3A_176, %reduce_sum3A_177 [1] : vector<512x256xf32> to vector<512xf32>
    %broadcast_in_dim3A_179 = vector.shape_cast %reduce_sum3A_178 : vector<512xf32> to vector<512x1xf32>
    %div3A_180 = arith.constant 2.560000e+02 : f32
    %div3A_181 = vector.broadcast %div3A_180 : f32 to vector<512x1xf32>
    %div3A_182 = arith.divf %broadcast_in_dim3A_179, %div3A_181 : vector<512x1xf32>
    %sub3A_183 = vector.broadcast %div3A_173 : vector<512x1xf32> to vector<512x256xf32>
    %sub3A_184 = arith.subf %add3A_161, %sub3A_183 : vector<512x256xf32>
    %add3A_185 = arith.constant 9.99999974E-6 : f32
    %add3A_186 = vector.broadcast %add3A_185 : f32 to vector<512x1xf32>
    %add3A_187 = arith.addf %div3A_182, %add3A_186 : vector<512x1xf32>
    %sqrt3A_188 = math.sqrt %add3A_187 : vector<512x1xf32>
    %div3A_189 = vector.broadcast %sqrt3A_188 : vector<512x1xf32> to vector<512x256xf32>
    %div3A_190 = arith.divf %sub3A_184, %div3A_189 : vector<512x256xf32>
    %mul3A_191 = vector.broadcast %get3A_164 : vector<1x256xf32> to vector<512x256xf32>
    %mul3A_192 = arith.mulf %div3A_190, %mul3A_191 : vector<512x256xf32>
    %add3A_193 = vector.broadcast %get3A_167 : vector<1x256xf32> to vector<512x256xf32>
    %add3A_194 = arith.addf %mul3A_192, %add3A_193 : vector<512x256xf32>
    %swap3A = arith.constant 0 : index
    %swap3A_195 = arith.constant 0 : index
    %swap3A_196 = vector.load %arg13[%swap3A, %swap3A_195] : memref<512x256xf32, #tpu.memory_space<vmem>>, vector<512x256xf32>
    tpu.vector_store %arg13[%swap3A, %swap3A_195], %add3A_194 {strides = array<i32>} : memref<512x256xf32, #tpu.memory_space<vmem>>, vector<512x256xf32>,
    return
  }
  func.func @transform_0(%arg0: i32) -> (i32, i32) {
    %c0_i32 = arith.constant 0 : i32
    %c0_i32_0 = arith.constant 0 : i32
    %c0_i32_1 = arith.constant 0 : i32
    return %c0_i32, %c0_i32_0 : i32, i32
  }
  func.func @transform_1(%arg0: i32) -> (i32, i32) {
    %c0_i32 = arith.constant 0 : i32
    %c0_i32_0 = arith.constant 0 : i32
    return %arg0, %c0_i32 : i32, i32
  }
  func.func @transform_2(%arg0: i32) -> (i32, i32) {
    %c0_i32 = arith.constant 0 : i32
    %c0_i32_0 = arith.constant 0 : i32
    %c0_i32_1 = arith.constant 0 : i32
    return %c0_i32, %c0_i32_0 : i32, i32
  }
  func.func @transform_3(%arg0: i32) -> (i32, i32) {
    %c0_i32 = arith.constant 0 : i32
    %c0_i32_0 = arith.constant 0 : i32
    %c0_i32_1 = arith.constant 0 : i32
    return %c0_i32, %c0_i32_0 : i32, i32
  }
  func.func @transform_4(%arg0: i32) -> (i32, i32) {
    %c0_i32 = arith.constant 0 : i32
    %c0_i32_0 = arith.constant 0 : i32
    %c0_i32_1 = arith.constant 0 : i32
    return %c0_i32, %c0_i32_0 : i32, i32
  }
  func.func @transform_5(%arg0: i32) -> (i32, i32) {
    %c0_i32 = arith.constant 0 : i32
    %c0_i32_0 = arith.constant 0 : i32
    %c0_i32_1 = arith.constant 0 : i32
    return %c0_i32, %c0_i32_0 : i32, i32
  }
  func.func @transform_6(%arg0: i32) -> (i32, i32) {
    %c0_i32 = arith.constant 0 : i32
    %c0_i32_0 = arith.constant 0 : i32
    %c0_i32_1 = arith.constant 0 : i32
    return %c0_i32, %c0_i32_0 : i32, i32
  }
  func.func @transform_7(%arg0: i32) -> (i32, i32) {
    %c0_i32 = arith.constant 0 : i32
    %c0_i32_0 = arith.constant 0 : i32
    %c0_i32_1 = arith.constant 0 : i32
    return %c0_i32, %c0_i32_0 : i32, i32
  }
  func.func @transform_8(%arg0: i32) -> (i32, i32) {
    %c0_i32 = arith.constant 0 : i32
    %c0_i32_0 = arith.constant 0 : i32
    %c0_i32_1 = arith.constant 0 : i32
    return %c0_i32, %c0_i32_0 : i32, i32
  }
  func.func @transform_9(%arg0: i32) -> (i32, i32) {
    %c0_i32 = arith.constant 0 : i32
    %c0_i32_0 = arith.constant 0 : i32
    %c0_i32_1 = arith.constant 0 : i32
    return %c0_i32, %c0_i32_0 : i32, i32
  }
  func.func @transform_10(%arg0: i32) -> (i32, i32) {
    %c0_i32 = arith.constant 0 : i32
    %c0_i32_0 = arith.constant 0 : i32
    %c0_i32_1 = arith.constant 0 : i32
    return %c0_i32, %c0_i32_0 : i32, i32
  }
  func.func @transform_11(%arg0: i32) -> (i32, i32) {
    %c0_i32 = arith.constant 0 : i32
    %c0_i32_0 = arith.constant 0 : i32
    %c0_i32_1 = arith.constant 0 : i32
    return %c0_i32, %c0_i32_0 : i32, i32
  }
  func.func @transform_12(%arg0: i32) -> (i32, i32) {
    %c0_i32 = arith.constant 0 : i32
    %c0_i32_0 = arith.constant 0 : i32
    return %arg0, %c0_i32 : i32, i32
  }
}

</mosaic_0001>

<sc_bundles>
// kernel: kernel.8.cloned.1.call-start
scs
__scs_entry_jumppad:
0x0: {  	(pc) =	sbr.rel $0x88, $3  }
0x1: {  	(tag) =	ssettag $0x0;
	lr =	simm.s32 $0x1  }
0x2: {  	[smem:$0x3F71] =	sst lr;
	_ =	strace $0xD0000000  }
0x3: {  	_ = 	snop  }
0x4: {  	_ = 	snop  }
0x5: {  	_ = 	snop  }
0x6: {  	_ = 	snop  }
0x7: {  	_ = 	snop  }
__scs_overlays_trampoline_lowered:
0x8: {  	[smem:$0x3F80] =	sst s0  }
0x9: {  	[smem:$0x3F81] =	sst s1  }
0xa: {  	[smem:$0x3F82] =	sst s2  }
0xb: {  	[smem:$0x3F83] =	sst s3  }
0xc: {  	[smem:$0x3F84] =	sst s4  }
0xd: {  	[smem:$0x3F85] =	sst s5  }
0xe: {  	[smem:$0x3F86] =	sst s6  }
0xf: {  	[smem:$0x3F87] =	sst s7  }
0x10: {  	[smem:$0x3F88] =	sst s8  }
0x11: {  	[smem:$0x3F89] =	sst s9;
	s0 =	simm.s32 @!p0 $0x0  }
0x12: {  	s1 =	sld [smem:$0x3F6F];
	s0 =	simm.s32 @p0 $0x1  }
0x13: {  	[smem:$0x3F8A] =	sst s0;
	s0 =	simm.s32 @!p1 $0x0  }
0x14: {  	s2 =	sld [smem:$0x3F6E];
	s0 =	simm.s32 @p1 $0x1  }
0x15: {  	[smem:$0x3F8B] =	sst s0;
	s0 =	simm.s32 @!p2 $0x0  }
0x16: {  	s3 =	sld [smem:$0x3FDB];
	s0 =	simm.s32 @p2 $0x1  }
0x17: {  	s4 =	simm.s32 $0x1BF5;
	[smem:$0x3F8D] =	sst s0  }
0x18: {  	s0 =	sld [smem:$0x3F70];
	_ =	swait.ge [sflag:s4], $0x0  }
0x19: {  	s7 =	sld [smem:$0x3F71]  }
0x1a: {  	s8 =	sadd.s32 $0xFFFFE003, lr  }
0x1b: {  	s9 =	sadd.s32 $0xFFFFFEF7, lr;
	s5 =	simm.s32 $0xFFFFFFFF;
	p2 =	slt.u32 s8, $0xFFFFF086  }
0x1c: {  	p1 =	slt.u32 s9, $0xF7A;
	s5 =	simm.s32 @!p2 $0x0  }
0x1d: {  	s5 =	simm.s32 @p1 $0x1;
	p0 =	seq.s32 s7, s2  }
0x1e: {  	s7 =	smul.u32 @!p0 $0xF7A, s2;
	p2 =	seq.s32 @!p0 s5, $0x0  }
0x1f: {  	s9 =	smul.u32 $0xF7A, s1;
	s8 =	simm.s32 @!p0 $0x1BF5;
	p2 =	por !p2, p0  }
0x20: {  	[sflag:s8] =	ssyncset.s32 @!p0 $0xFFFFF086;
	s6 =	sadd.s32 @!p0 s3, s7;
	s7 =	simm.s32 @!p0 $0x108  }
0x21: {  	s3 =	sadd.s32 s3, s9;
	s6 =	sadd.s32 @!p0 $0x88, s6;
	s7 =	simm.s32 @p2 $0x1082  }
0x22: {  	[simem:s7], [sflag:s8] =	dma.local @!p0 [hbm:s6], $0xF7A  }
0x23: {  	s9 =	sor.u32 $0xD0000000, s2;
	s6 =	simm.s32 $0x108;
	_ =	swait.ge @!p0 [sflag:s8], $0x0  }
0x24: {  	s3 =	sadd.s32 $0x88, s3;
	s6 =	simm.s32 @!p1 $0x1082;
	[sflag:s4] =	ssyncset.s32 $0xFFFFF086  }
0x25: {  	[simem:s6], [sflag:s4] =	dma.local [hbm:s3], $0xF7A  }
0x26: {  	[smem:$0x3F71] =	sst s1;
	(tag) =	ssettag s2;
	_ =	strace s9  }
0x27: {  	s1 =	sld [smem:$0x3F81]  }
0x28: {  	s2 =	sld [smem:$0x3F82]  }
0x29: {  	s4 =	sld [smem:$0x3F84]  }
0x2a: {  	p0 =	seq.s32 s5, $0x0;
	s5 =	sld [smem:$0x3F85]  }
0x2b: {  	s6 =	sld [smem:$0x3F86]  }
0x2c: {  	s7 =	sld [smem:$0x3F87]  }
0x2d: {  	s3 =	simm.s32 $0x108;
	s8 =	sld [smem:$0x3F88]  }
0x2e: {  	s3 =	simm.s32 @!p0 $0x1082;
	s9 =	sld [smem:$0x3F89]  }
0x2f: {  	lr =	sadd.s32 s0, s3;
	s0 =	sld [smem:$0x3F80]  }
0x30: {  	s3 =	sld [smem:$0x3F83]  }
0x31: {  	[smem:$0x3F8C] =	sst s10  }
0x32: {  	s10 =	sld [smem:$0x3F8A];
	_ =	sdelay $0x3  }
0x33: {  	p0 =	seq.s32 s10, $0x1;
	s10 =	sld [smem:$0x3F8C];
	_ =	sdelay $0x3  }
0x34: {  	[smem:$0x3F8C] =	sst s10  }
0x35: {  	s10 =	sld [smem:$0x3F8B];
	_ =	sdelay $0x3  }
0x36: {  	p1 =	seq.s32 s10, $0x1;
	s10 =	sld [smem:$0x3F8C];
	_ =	sdelay $0x3  }
0x37: {  	[smem:$0x3F8C] =	sst s10  }
0x38: {  	s10 =	sld [smem:$0x3F8D]  }
0x39: {  	_ = 	snop;
	(pc) =	sbr.ind lr, $3  }
0x3a: {  	_ = 	snop  }
0x3b: {  	_ = 	snop  }
0x3c: {  	p2 =	seq.s32 s10, $0x1;
	s10 =	sld [smem:$0x3F8C]  }
0x3d: {  	_ =	shalt  }
0x3e: {  	_ =	shalt  }
0x3f: {  	_ =	shalt  }
0x40: {  	_ =	shalt  }
0x41: {  	_ =	shalt  }
0x42: {  	_ =	shalt  }
0x43: {  	_ =	shalt  }
0x44: {  	_ =	shalt  }
0x45: {  	_ =	shalt  }
0x46: {  	_ =	shalt  }
0x47: {  	_ =	shalt  }
0x48: {  	_ =	shalt  }
0x49: {  	_ =	shalt  }
0x4a: {  	_ =	shalt  }
0x4b: {  	_ =	shalt  }
0x4c: {  	_ =	shalt  }
0x4d: {  	_ =	shalt  }
0x4e: {  	_ =	shalt  }
0x4f: {  	_ =	shalt  }
0x50: {  	_ =	shalt  }
0x51: {  	_ =	shalt  }
0x52: {  	_ =	shalt  }
0x53: {  	_ =	shalt  }
0x54: {  	_ =	shalt  }
0x55: {  	_ =	shalt  }
0x56: {  	_ =	shalt  }
0x57: {  	_ =	shalt  }
0x58: {  	_ =	shalt  }
0x59: {  	_ =	shalt  }
0x5a: {  	_ =	shalt  }
0x5b: {  	_ =	shalt  }
0x5c: {  	_ =	shalt  }
0x5d: {  	_ =	shalt  }
0x5e: {  	_ =	shalt  }
0x5f: {  	_ =	shalt  }
0x60: {  	_ =	shalt  }
0x61: {  	_ =	shalt  }
0x62: {  	_ =	shalt  }
0x63: {  	_ =	shalt  }
0x64: {  	_ =	shalt  }
0x65: {  	_ =	shalt  }
0x66: {  	_ =	shalt  }
0x67: {  	_ =	shalt  }
0x68: {  	_ =	shalt  }
0x69: {  	_ =	shalt  }
0x6a: {  	_ =	shalt  }
0x6b: {  	_ =	shalt  }
0x6c: {  	_ =	shalt  }
0x6d: {  	_ =	shalt  }
0x6e: {  	_ =	shalt  }
0x6f: {  	_ =	shalt  }
0x70: {  	_ =	shalt  }
0x71: {  	_ =	shalt  }
0x72: {  	_ =	shalt  }
0x73: {  	_ =	shalt  }
0x74: {  	_ =	shalt  }
0x75: {  	_ =	shalt  }
0x76: {  	_ =	shalt  }
0x77: {  	_ =	shalt  }
0x78: {  	_ =	shalt  }
0x79: {  	_ =	shalt  }
0x7a: {  	_ =	shalt  }
0x7b: {  	_ =	shalt  }
0x7c: {  	_ =	shalt  }
0x7d: {  	_ =	shalt  }
0x7e: {  	_ =	shalt  }
0x7f: {  	_ =	shalt  }
0x80: {  	_ =	shalt  }
0x81: {  	_ =	shalt  }
0x82: {  	_ =	shalt  }
0x83: {  	_ =	shalt  }
0x84: {  	_ =	shalt  }
0x85: {  	_ =	shalt  }
0x86: {  	_ =	shalt  }
0x87: {  	_ =	shalt  }
.Lfunc_end0:
.L_simem_size_0:
called_computation_lowered:
.L_overlay_start_0:
0x88: {  	s2 =	sld [smem:$0x3FD9]  }
0x89: {  	s3 =	sld [smem:$0x3FFE];
	_ =	sdelay $0x1  }
0x8a: {  	s1 =	srdreg.scid  }
0x8b: {  	s0 =	sand.u32 $0x1, s1  }
0x8c: {  	s17 =	sshll.u32 s0, $0xA;
	s2 =	sadd.s32 s3, s2  }
0x8d: {  	s2 =	sadd.s32 s2, s17  }
0x8e: {  	[smem:$0x3F98] =	sst s2  }
0x8f: {  	_ = 	snop  }
0x90: {  	s2 =	sld [smem:$0x3FD0];
	(tm) =	ssettm $0x1  }
0x91: {  	s18 =	sld [smem:$0x3FFB];
	_ =	sdelay $0x3  }
0x92: {  	_ =	strace s18  }
0x93: {  	s3 =	sld [smem:$0x3FFC];
	_ =	sdelay $0x3  }
0x94: {  	_ =	strace s3  }
0x95: {  	s3 =	sld [smem:$0x3FFD];
	_ =	sdelay $0x3  }
0x96: {  	_ =	strace s3  }
0x97: {  	_ =	strace $0x8FFFFFFF  }
0x98: {  	s19 =	sld [smem:$0x3FDB];
	_ =	sdelay $0x1  }
0x99: {  	s4 =	simm.s32 $_scs_section_size  }
0x9a: {  	s5 =	simm.s32 $_size__tile_overlayer_lowered;
	s6 =	simm.s32 $_tile_overlayer_lowered  }
0x9b: {  	s22 =	simm.s32 $0x1BFF;
	s21 =	sshll.u32 s6, $0x1;
	s3 =	sadd.s32 s4, s19  }
0x9c: {  	s7 =	simm.s32 $0x0;
	s20 =	sshll.u32 s5, $0x1;
	s5 =	sadd.s32 s21, s3  }
0x9d: {  	[timem:s7], [sflag:s22] =	dma.local [hbm:s5], s20  }
0x9e: {  	_ =	swait.ge [sflag:s22], s20  }
0x9f: {  	s4 =	ssub.s32 $0x0, s20;
	[sflag:s22] =	ssyncset.done $0x0  }
0xa0: {  	[sflag:s22] =	ssyncadd.s32 s4;
	_ =	sdelay $0x1  }
0xa1: {  	s23 =	simm.s32 $0x1B8B  }
0xa2: {  	_ =	swait.ge [sflag:s23], $0x1  }
0xa3: {  	[sflag:s23] =	ssyncset.done $0x0  }
0xa4: {  	s25 =	simm.s32 $0x1B8E;
	s24 =	sld [smem:$0x3FFE];
	[sflag:s23] =	ssyncadd.s32 $0xFFFFFFFF  }
0xa5: {  	s26 =	simm.s32 $execute0_lowered;
	[smem:$0x3FD2] =	sst s25  }
0xa6: {  	s5 =	sshll.u32 s26, $0x1;
	_ =	strace $0x80000046;
	[dreg:$0x1] =	wrdreg $0xFFFFFFFF  }
0xa7: {  	s28 =	simm.s32 $_size_execute0_lowered;
	s3 =	sadd.s32 s3, s5;
	[dreg:$0x0] =	wrdreg $0x0  }
0xa8: {  	s5 =	sshll.u32 s28, $0x1;
	[dreg:$0x2] =	wrdreg s3  }
0xa9: {  	[dreg:$0x3] =	wrdreg s5  }
0xaa: {  	[dreg:$0x4] =	wrdreg $0xC0  }
0xab: {  	_ =	task [dreg:s7], $0x5FFFF  }
0xac: {  	[dreg:$0x1] =	wrdreg $0xFFFFFFFF  }
0xad: {  	[dreg:$0x0] =	wrdreg $0x60  }
0xae: {  	[dreg:$0x2] =	wrdreg s24  }
0xaf: {  	[dreg:$0x3] =	wrdreg s2  }
0xb0: {  	[dreg:$0x4] =	wrdreg $0x9  }
0xb1: {  	_ =	task.clear_ibuf [dreg:s7], $0x5FFFF;
	_ =	strace $0x90000046  }
0xb2: {  	s29 =	simm.s32 $0x9;
	_ =	strace $0x80000048  }
0xb3: {  	_ =	swait.ge [sflag:s29], $0x1  }
0xb4: {  	[sflag:s29] =	ssyncadd.s32 $0xFFFFFFFF  }
0xb5: {  	_ =	strace $0x90000048  }
0xb6: {  	_ =	sfence  }
0xb7: {  	s30 =	sld [smem:$0x0];
	_ =	sdelay $0x2  }
0xb8: {  	s31 =	sshll.u32 s1, $0xD;
	s1 =	sshrl.u32 s1, $0x2  }
0xb9: {  	s3 =	sand.u32 $0x4000, s31;
	s1 =	sadd.s32 s1, s30  }
0xba: {  	s0 =	sor.u32 s3, s0;
	s1 =	sshll.u32 s1, $0x11  }
0xbb: {  	s0 =	sor.u32 s1, s0  }
0xbc: {  	s0 =	sadd.s32 $0x8F2B, s0  }
0xbd: {  	[sflag:s0] =	ssyncadd.remote.s32 $0x1  }
0xbe: {  	_ =	sfence.sel $0xFFFF  }
0xbf: {  	[dreg:$0x0] =	wrdreg $0xFFFFFFFF;
	(pc) =	sbr.abs _section_cstart, $3  }
0xc0: {  	[dreg:$0x1] =	wrdreg $0xFFFFFFFF  }
0xc1: {  	_ =	task.clear_ibuf [dreg:s7], $0x2FFFF;
	_ =	strace $0x9FFFFFFF  }
0xc2: {  	(tm) =	ssettm $0x7FFFFFFF  }
0xc3: {  	_ =	shalt  }
tec
execute0_lowered:
.L_overlay_start_1:
0x0: {  	(tag) =	ssettag $0x1  }
0x1: {  	s10 =	rddreg [dreg:$0x0]  }
0x2: {  	s1 =	rddreg [dreg:$0x1]  }
0x3: {  	s0 =	rddreg [dreg:$0x2];
	s3 =	simm.s32 $0x0;
	s4 =	srdreg.scid  }
0x4: {  	s2 =	stileid.u32;
	s14 =	simm.s32 $0x4000;
	s15 =	simm.s32 $0x10000  }
0x5: {  	s16 =	simm.s32 $0x3;
	s17 =	simm.s32 $0x8000;
	s18 =	simm.s32 $0xC000  }
0x6: {  	s20 =	simm.s32 $0x2;
	s21 =	simm.s32 $0x0;
	[smem:$0x7FF] =	sst s3  }
0x7: {  	s5 =	sand.u32 $0x1, s4;
	s6 =	sshll.u32 s2, $0x7;
	s4 =	sadd.s32 $0x7A00, s10  }
0x8: {  	s9 =	sadd.s32 $0x1000, s1;
	s11 =	sadd.s32 $0x1800, s1;
	_ =	strace $0x80000047  }
0x9: {  	s7 =	sshll.u32 s5, $0x6;
	s31 =	ssub.s32 $0x2, s5;
	s5 =	sadd.s32 $0x9A00, s10  }
0xa: {  	s19 =	sor.u32 s7, s6;
	s8 =	sshrl.u32 s31, $0x1;
	s6 =	sadd.s32 $0x8200, s10  }
0xb: {  	s7 =	sshll.u32 s19, $0x6;
	s13 =	ssub.s32 s31, s8;
	s8 =	sadd.s32 $0x8A00, s10  }
0xc: {  	v0 =	vmov s19;
	s19 =	simm.s32 $0x1;
	s12 =	sadd.s32 s7, s10;
	s7 =	sadd.s32 $0x800, s1  }
0xd: {  	v1 =	vimm.s32 $0x1;
	s10 =	sadd.s32 $0x9200, s10;
	s13 =	smax.u32 s13, $0x1;
	s12 =	sadd.s32 $0xAA00, s12  }
.LBB2_1:
0xe: {  	[tilespmem:s3], [sflag:$0x1] =	stream.linear.gather [hbm4b:s4+s3], $0x4000, $0x38;
	[tilespmem:$0x18000] =	vst v63  }
0xf: {  	_ = 	snop  }
0x10: {  	[tilespmem:s14], [sflag:$0x1] =	stream.linear.gather [hbm4b:s1+s3], $0x4000, $0x38;
	[tilespmem:$0x18000] =	vst v63  }
0x11: {  	_ = 	snop  }
0x12: {  	[tilespmem:s15], [sflag:$0x3] =	stream.linear.gather [hbm4b:s5+s3], $0x8000, $0x38;
	[tilespmem:$0x18000] =	vst v63  }
0x13: {  	_ =	swait.ge [sflag:s16], $0x8000  }
0x14: {  	[sflag:s16] =	ssyncset.done $0x0  }
0x15: {  	[sflag:s16] =	ssyncadd.s32 $0xFFFF8000  }
0x16: {  	[tilespmem:s17], [sflag:$0x2] =	stream.linear.gather [hbm4b:s6+s3], $0x4000, $0x38;
	[tilespmem:$0x18000] =	vst v63  }
0x17: {  	_ = 	snop  }
0x18: {  	[tilespmem:s18], [sflag:$0x2] =	stream.linear.gather [hbm4b:s7+s3], $0x4000, $0x38;
	[tilespmem:$0x18000] =	vst v63  }
0x19: {  	_ =	swait.ge [sflag:s19], $0x4000  }
0x1a: {  	[sflag:s19] =	ssyncset.done $0x0  }
0x1b: {  	[sflag:s19] =	ssyncadd.s32 $0xFFFFC000  }
0x1c: {  	_ =	swait.ge [sflag:s19], $0x4000  }
0x1d: {  	[sflag:s19] =	ssyncset.done $0x0  }
0x1e: {  	s22 =	simm.s32 $0x0;
	[sflag:s19] =	ssyncadd.s32 $0xFFFFC000  }
0x1f: {  	v3 =	vld [tilespmem:s22+$0x0]  }
0x20: {  	v4 =	vld [tilespmem:s22+$0x4000]  }
0x21: {  	v5 =	vld [tilespmem:s22+$0x4030]  }
0x22: {  	v7 =	vld [tilespmem:s22+$0x20]  }
0x23: {  	v9 =	vld [tilespmem:s22+$0x10];
	_ =	sdelay $0x1  }
0x24: {  	v2 =	vshra.s32 v3, $0x6  }
0x25: {  	v10 =	vsub.s32 v4, v0;
	v8 =	vand.u32 $0x7F, v3;
	v4 =	vshll.u32 v4, $0x7  }
0x26: {  	v14 =	vld [tilespmem:s22+$0x30];
	v11 =	vshll.u32 v5, $0x7;
	v5 =	vsub.s32 v5, v0;
	v16 =	vshra.s32 v7, $0x6  }
0x27: {  	v18 =	vshll.u32 v3, $0x3;
	v3 =	vand.u32 $0x7F, v9;
	v6 =	vshll.u32 v10, $0x9  }
0x28: {  	v4 =	vand.u32 $0x380, v4;
	v11 =	vand.u32 $0x380, v11;
	v12 =	vand.u32 $0xFFFFF000, v6  }
0x29: {  	v6 =	vand.u32 $0x7F, v7;
	v4 =	vor.u32 v4, v12;
	v12 =	vshll.u32 v5, $0x9  }
0x2a: {  	v19 =	vor.u32 v8, v4;
	v4 =	vshll.u32 v7, $0x3;
	v7 =	vand.u32 $0xFFFFF000, v12;
	v8 =	vld [tilespmem:s22+$0x4040]  }
0x2b: {  	v15 =	vand.u32 $0x7F, v14;
	v17 =	vshll.u32 v14, $0x3;
	v13 =	vor.u32 v11, v7;
	v11 =	vld [tilespmem:s22+$0x4020]  }
0x2c: {  	vm0 =	vlt.u32 v5, $0x40;
	vm1 =	vlt.u32 v10, $0x40;
	v16 =	vand.u32 $0xFFFFFFF8, v16  }
0x2d: {  	v5 =	vshll.u32 v9, $0x3;
	v12 =	vshra.s32 v14, $0x6;
	v14 =	vand.u32 $0xC00, v18  }
0x2e: {  	v10 =	vld [tilespmem:s22+$0x4010];
	v7 =	vand.u32 $0xC00, v4;
	v4 =	vand.u32 $0xC00, v5;
	v5 =	vshra.s32 v9, $0x6  }
0x2f: {  	s23 =	simm.s32 $0x200;
	v9 =	vld [tilespmem:s22+$0x4050];
	v18 =	vand.u32 $0xFFFFFFF8, v5;
	v5 =	vor.u32 v14, v19;
	v14 =	vshll.u32 v8, $0x7  }
.LBB2_2:
0x30: {  	p0 =	sne.s32 s23, $0xFE00;
	v19 =	vsub.s32 v11, v0;
	v17 =	vand.u32 $0xC00, v17;
	v13 =	vor.u32 v15, v13;
	s24 =	smov.u32 s23;
	s23 =	sadd.s32 $0x200, s23  }
0x31: {  	v18 =	vshll.u32 v1, v18;
	v16 =	vshll.u32 v1, v16;
	v15 =	vld [tilespmem:s22+$0x40];
	vm2 =	vlt.u32 v19, $0x40  }
0x32: {  	v12 =	vand.u32 $0xFFFFFFF8, v12;
	v19 =	vshll.u32 v19, $0x9;
	v13 =	vor.u32 v17, v13;
	v20 =	vld [tilespmem:s22+$0x4060]  }
0x33: {  	v8 =	vsub.s32 v8, v0;
	v11 =	vshll.u32 v11, $0x7;
	v17 =	vand.u32 $0xFFFFF000, v19  }
0x34: {  	v14 =	vand.u32 $0x380, v14;
	v21 =	vshll.u32 v8, $0x9;
	v19 =	vshll.u32 v10, $0x7  }
0x35: {  	v12 =	vshll.u32 v1, v12;
	v21 =	vand.u32 $0xFFFFF000, v21;
	v19 =	vand.u32 $0x380, v19  }
0x36: {  	vm3 =	vlt.u32 v8, $0x40;
	v10 =	vsub.s32 v10, v0;
	v8 =	vor.u32 v14, v21  }
0x37: {  	v11 =	vand.u32 $0x380, v11;
	v21 =	vsub.s32 v9, v0;
	v9 =	vshll.u32 v9, $0x7;
	v14 =	vld [tilespmem:s22+$0x4070]  }
0x38: {  	v11 =	vor.u32 v11, v17;
	v23 =	vshll.u32 v21, $0x9;
	v17 =	vand.u32 $0x7F, v15;
	v22 =	vld [tilespmem:s22+$0x60]  }
0x39: {  	v25 =	vshll.u32 v10, $0x9;
	v9 =	vand.u32 $0x380, v9;
	v24 =	vsub.s32 v20, v0  }
0x3a: {  	v6 =	vor.u32 v6, v11;
	v27 =	vshra.s32 v15, $0x6;
	v11 =	vshll.u32 v24, $0x9;
	v26 =	vld [tilespmem:s22+$0x70]  }
0x3b: {  	v6 =	vor.u32 v7, v6;
	v7 =	vor.u32 v17, v8;
	v8 =	vand.u32 $0xFFFFF000, v11;
	v28 =	vld [tilespmem:s22+$0x50]  }
0x3c: {  	v2 =	vand.u32 $0xFFFFFFF8, v2;
	vm4 =	vlt.u32 v24, $0x40;
	v11 =	vshll.u32 v20, $0x7  }
0x3d: {  	vm7 =	vlt.u32 v10, $0x40;
	vm5 =	vlt.u32 v21, $0x40;
	v10 =	vshll.u32 v15, $0x3  }
0x3e: {  	v17 =	vand.u32 $0xFFFFF000, v25;
	v15 =	vsub.s32 v14, v0;
	v20 =	vand.u32 $0x7F, v22  }
0x3f: {  	v17 =	vor.u32 v19, v17;
	v19 =	vand.u32 $0xFFFFF000, v23;
	v21 =	vshll.u32 v15, $0x9  }
0x40: {  	v10 =	vand.u32 $0xC00, v10;
	v21 =	vand.u32 $0xFFFFF000, v21;
	v23 =	vand.u32 $0x7F, v26  }
0x41: {  	v2 =	vshll.u32 v1, v2;
	v14 =	vshll.u32 v14, $0x7;
	vm6 =	vlt.u32 v15, $0x40  }
0x42: {  	[tilespmem:v5+s15+$0x0] =	vst.idx.add.s32.msk vm1, v2;
	v2 =	vor.u32 v3, v17;
	v3 =	vand.u32 $0x380, v11;
	v5 =	vand.u32 $0x380, v14  }
0x43: {  	v11 =	vshra.s32 v22, $0x6;
	v2 =	vor.u32 v4, v2;
	v4 =	vor.u32 v5, v21  }
0x44: {  	v7 =	vor.u32 v10, v7;
	v5 =	vand.u32 $0xFFFFFFF8, v11;
	v4 =	vor.u32 v23, v4  }
0x45: {  	v9 =	vor.u32 v9, v19;
	v10 =	vshra.s32 v28, $0x6;
	v11 =	vshll.u32 v26, $0x3  }
0x46: {  	v10 =	vand.u32 $0xFFFFFFF8, v10;
	v14 =	vshll.u32 v28, $0x3;
	v3 =	vor.u32 v3, v8  }
0x47: {  	v15 =	vand.u32 $0x7F, v28;
	v8 =	vshra.s32 v26, $0x6;
	v5 =	vshll.u32 v1, v5  }
0x48: {  	v10 =	vshll.u32 v1, v10;
	v8 =	vand.u32 $0xFFFFFFF8, v8;
	[tilespmem:v2+s15+$0x0] =	vst.idx.add.s32.msk vm7, v18;
	v2 =	vor.u32 v15, v9  }
0x49: {  	v9 =	vand.u32 $0xFFFFFFF8, v27;
	[tilespmem:v6+s15+$0x0] =	vst.idx.add.s32.msk vm2, v16;
	v6 =	vand.u32 $0xC00, v14;
	v14 =	vshll.u32 v22, $0x3  }
0x4a: {  	v3 =	vor.u32 v20, v3;
	[tilespmem:v13+s15+$0x0] =	vst.idx.add.s32.msk vm0, v12;
	v2 =	vor.u32 v6, v2;
	v6 =	vand.u32 $0xC00, v14  }
0x4b: {  	v3 =	vor.u32 v6, v3;
	v6 =	vand.u32 $0xC00, v11  }
0x4c: {  	v4 =	vor.u32 v6, v4  }
0x4d: {  	s22 =	sshra.s32 s24, $0x2;
	v8 =	vshll.u32 v1, v8;
	v6 =	vshll.u32 v1, v9  }
0x4e: {  	[tilespmem:v7+s15+$0x0] =	vst.idx.add.s32.msk vm3, v6  }
0x4f: {  	[tilespmem:v2+s15+$0x0] =	vst.idx.add.s32.msk vm5, v10  }
0x50: {  	[tilespmem:v3+s15+$0x0] =	vst.idx.add.s32.msk vm4, v5  }
0x51: {  	[tilespmem:v4+s15+$0x0] =	vst.idx.add.s32.msk vm6, v8  }
0x52: {  	v3 =	vld [tilespmem:s22+$0x4030]  }
0x53: {  	v4 =	vld [tilespmem:s22+$0x0]  }
0x54: {  	v5 =	vld [tilespmem:s22+$0x4000]  }
0x55: {  	v7 =	vld [tilespmem:s22+$0x20];
	_ =	sdelay $0x2  }
0x56: {  	v14 =	vld [tilespmem:s22+$0x10];
	v2 =	vshra.s32 v4, $0x6  }
0x57: {  	v8 =	vand.u32 $0x7F, v4;
	v9 =	vsub.s32 v5, v0;
	v5 =	vshll.u32 v5, $0x7  }
0x58: {  	v10 =	vshll.u32 v3, $0x7;
	v16 =	vld [tilespmem:s22+$0x30];
	v6 =	vshll.u32 v9, $0x9;
	v5 =	vand.u32 $0x380, v5  }
0x59: {  	v12 =	vsub.s32 v3, v0;
	v3 =	vand.u32 $0xFFFFF000, v6;
	v6 =	vand.u32 $0x7F, v7  }
0x5a: {  	v18 =	vshra.s32 v7, $0x6;
	v3 =	vor.u32 v5, v3;
	v5 =	vshll.u32 v12, $0x9  }
0x5b: {  	v7 =	vshll.u32 v7, $0x3;
	v19 =	vor.u32 v8, v3;
	v5 =	vand.u32 $0xFFFFF000, v5  }
0x5c: {  	v20 =	vshll.u32 v4, $0x3;
	v4 =	vand.u32 $0x380, v10;
	v3 =	vand.u32 $0x7F, v14;
	v8 =	vld [tilespmem:s22+$0x4040]  }
.Ltmp0:
0x5d: {  	vm0 =	vlt.u32 v12, $0x40;
	v13 =	vor.u32 v4, v5;
	v11 =	vld [tilespmem:s22+$0x4020];
	v12 =	vshra.s32 v16, $0x6;
	(pc) =	sbr.rel @p0 .LBB2_2-.Ltmp0, $4  }
0x5e: {  	v7 =	vand.u32 $0xC00, v7;
	v4 =	vshll.u32 v14, $0x3;
	v15 =	vand.u32 $0x7F, v16  }
0x5f: {  	vm1 =	vlt.u32 v9, $0x40;
	v4 =	vand.u32 $0xC00, v4;
	v17 =	vshll.u32 v16, $0x3;
	v10 =	vld [tilespmem:s22+$0x4010]  }
0x60: {  	v5 =	vshra.s32 v14, $0x6;
	v14 =	vand.u32 $0xC00, v20;
	v16 =	vand.u32 $0xFFFFFFF8, v18;
	v9 =	vld [tilespmem:s22+$0x4050]  }
0x61: {  	v18 =	vand.u32 $0xFFFFFFF8, v5;
	v5 =	vor.u32 v14, v19;
	v14 =	vshll.u32 v8, $0x7  }
0x62: {  	v19 =	vsub.s32 v11, v0;
	v17 =	vand.u32 $0xC00, v17  }
0x63: {  	v13 =	vor.u32 v15, v13;
	v15 =	vshll.u32 v1, v18;
	v16 =	vshll.u32 v1, v16  }
0x64: {  	v12 =	vand.u32 $0xFFFFFFF8, v12;
	v8 =	vsub.s32 v8, v0;
	v11 =	vshll.u32 v11, $0x7  }
0x65: {  	v14 =	vand.u32 $0x380, v14;
	v2 =	vand.u32 $0xFFFFFFF8, v2;
	vm2 =	vlt.u32 v19, $0x40  }
0x66: {  	v18 =	vshll.u32 v19, $0x9;
	v13 =	vor.u32 v17, v13;
	v21 =	vshll.u32 v8, $0x9  }
0x67: {  	v12 =	vshll.u32 v1, v12;
	vm3 =	vlt.u32 v8, $0x40;
	v11 =	vand.u32 $0x380, v11  }
0x68: {  	v60 =	vld [tilespmem:s22+$0x4070];
	v2 =	vshll.u32 v1, v2;
	v17 =	vand.u32 $0xFFFFF000, v18;
	v20 =	vshll.u32 v10, $0x7  }
0x69: {  	v19 =	vld [tilespmem:s22+$0x40];
	v21 =	vand.u32 $0xFFFFF000, v21;
	v10 =	vsub.s32 v10, v0;
	v20 =	vand.u32 $0x380, v20  }
0x6a: {  	v25 =	vld [tilespmem:s22+$0x60];
	v8 =	vor.u32 v14, v21;
	v14 =	vsub.s32 v9, v0;
	v9 =	vshll.u32 v9, $0x7  }
0x6b: {  	v18 =	vld [tilespmem:s22+$0x4060];
	v11 =	vor.u32 v11, v17;
	v24 =	vshll.u32 v10, $0x9;
	vm7 =	vlt.u32 v10, $0x40  }
0x6c: {  	v22 =	vshll.u32 v14, $0x9;
	v9 =	vand.u32 $0x380, v9;
	v6 =	vor.u32 v6, v11  }
0x6d: {  	vm5 =	vlt.u32 v14, $0x40;
	v6 =	vor.u32 v7, v6;
	v14 =	vsub.s32 v60, v0  }
0x6e: {  	v17 =	vand.u32 $0x7F, v19;
	v26 =	vshra.s32 v19, $0x6;
	v10 =	vshll.u32 v19, $0x3  }
0x6f: {  	v19 =	vand.u32 $0x7F, v25;
	v62 =	vshll.u32 v14, $0x9;
	vm6 =	vlt.u32 v14, $0x40  }
0x70: {  	v11 =	vld [tilespmem:s22+$0x70];
	v14 =	vshll.u32 v60, $0x7;
	v23 =	vsub.s32 v18, v0;
	v7 =	vor.u32 v17, v8  }
0x71: {  	v17 =	vshll.u32 v18, $0x7;
	v18 =	vand.u32 $0xFFFFF000, v24;
	v10 =	vand.u32 $0xC00, v10  }
0x72: {  	v61 =	vld [tilespmem:s22+$0x50];
	v14 =	vand.u32 $0x380, v14;
	v27 =	vshll.u32 v23, $0x9;
	vm4 =	vlt.u32 v23, $0x40  }
0x73: {  	v18 =	vor.u32 v20, v18;
	v20 =	vand.u32 $0xFFFFF000, v22;
	v23 =	vand.u32 $0xFFFFF000, v62  }
0x74: {  	v17 =	vand.u32 $0x380, v17;
	v7 =	vor.u32 v10, v7;
	v3 =	vor.u32 v3, v18  }
0x75: {  	v8 =	vand.u32 $0xFFFFF000, v27;
	v63 =	vand.u32 $0x7F, v11;
	v3 =	vor.u32 v4, v3  }
0x76: {  	v9 =	vor.u32 v9, v20;
	v10 =	vshll.u32 v11, $0x3;
	v4 =	vor.u32 v14, v23  }
0x77: {  	v14 =	vshll.u32 v61, $0x3;
	v8 =	vor.u32 v17, v8;
	v17 =	vand.u32 $0x7F, v61  }
0x78: {  	v9 =	vor.u32 v17, v9;
	v14 =	vand.u32 $0xC00, v14;
	v17 =	vshll.u32 v25, $0x3  }
0x79: {  	[tilespmem:v5+s15+$0x0] =	vst.idx.add.s32.msk vm1, v2;
	v8 =	vor.u32 v19, v8;
	v2 =	vor.u32 v14, v9;
	v5 =	vand.u32 $0xC00, v17  }
0x7a: {  	v4 =	vor.u32 v63, v4;
	[tilespmem:v3+s15+$0x0] =	vst.idx.add.s32.msk vm7, v15;
	v3 =	vor.u32 v5, v8;
	v5 =	vand.u32 $0xC00, v10  }
0x7b: {  	v9 =	vand.u32 $0xFFFFFFF8, v26;
	v8 =	vshra.s32 v61, $0x6;
	[tilespmem:v6+s15+$0x0] =	vst.idx.add.s32.msk vm2, v16;
	v4 =	vor.u32 v5, v4  }
0x7c: {  	v5 =	vshra.s32 v25, $0x6;
	v6 =	vand.u32 $0xFFFFFFF8, v8;
	v8 =	vshll.u32 v1, v9;
	[tilespmem:v13+s15+$0x0] =	vst.idx.add.s32.msk vm0, v12  }
0x7d: {  	v9 =	vshra.s32 v11, $0x6;
	v5 =	vand.u32 $0xFFFFFFF8, v5;
	v6 =	vshll.u32 v1, v6;
	[tilespmem:v7+s15+$0x0] =	vst.idx.add.s32.msk vm3, v8  }
0x7e: {  	v5 =	vshll.u32 v1, v5;
	v7 =	vand.u32 $0xFFFFFFF8, v9;
	[tilespmem:v2+s15+$0x0] =	vst.idx.add.s32.msk vm5, v6  }
0x7f: {  	v2 =	vshll.u32 v1, v7;
	[tilespmem:v3+s15+$0x0] =	vst.idx.add.s32.msk vm4, v5  }
0x80: {  	s31 =	simm.s32 $0x0;
	[tilespmem:v4+s15+$0x0] =	vst.idx.add.s32.msk vm6, v2  }
0x81: {  	[tilespmem:s31], [sflag:$0x1] =	stream.linear.gather [hbm4b:s8+s31], $0x4000, $0x38;
	[tilespmem:$0x18000] =	vst v63  }
0x82: {  	_ = 	snop  }
0x83: {  	[tilespmem:s14], [sflag:$0x1] =	stream.linear.gather [hbm4b:s9+s31], $0x4000, $0x38;
	[tilespmem:$0x18000] =	vst v63  }
0x84: {  	_ =	swait.ge [sflag:s20], $0x4000  }
0x85: {  	[sflag:s20] =	ssyncset.done $0x0  }
0x86: {  	[sflag:s20] =	ssyncadd.s32 $0xFFFFC000  }
0x87: {  	_ =	swait.ge [sflag:s20], $0x4000  }
0x88: {  	[sflag:s20] =	ssyncset.done $0x0  }
0x89: {  	s22 =	simm.s32 $0x0;
	[sflag:s20] =	ssyncadd.s32 $0xFFFFC000  }
0x8a: {  	v3 =	vld [tilespmem:s22+$0x8000]  }
0x8b: {  	v4 =	vld [tilespmem:s22+$0xC000]  }
0x8c: {  	v5 =	vld [tilespmem:s22+$0xC030]  }
0x8d: {  	v7 =	vld [tilespmem:s22+$0x8020]  }
0x8e: {  	v9 =	vld [tilespmem:s22+$0x8010];
	_ =	sdelay $0x1  }
0x8f: {  	v2 =	vshra.s32 v3, $0x6  }
0x90: {  	v10 =	vsub.s32 v4, v0;
	v8 =	vand.u32 $0x7F, v3;
	v4 =	vshll.u32 v4, $0x7  }
0x91: {  	v14 =	vld [tilespmem:s22+$0x8030];
	v11 =	vshll.u32 v5, $0x7;
	v5 =	vsub.s32 v5, v0;
	v16 =	vshra.s32 v7, $0x6  }
0x92: {  	v18 =	vshll.u32 v3, $0x3;
	v3 =	vand.u32 $0x7F, v9;
	v6 =	vshll.u32 v10, $0x9  }
0x93: {  	v4 =	vand.u32 $0x380, v4;
	v11 =	vand.u32 $0x380, v11;
	v12 =	vand.u32 $0xFFFFF000, v6  }
0x94: {  	v6 =	vand.u32 $0x7F, v7;
	v4 =	vor.u32 v4, v12;
	v12 =	vshll.u32 v5, $0x9  }
0x95: {  	v19 =	vor.u32 v8, v4;
	v4 =	vshll.u32 v7, $0x3;
	v7 =	vand.u32 $0xFFFFF000, v12;
	v8 =	vld [tilespmem:s22+$0xC040]  }
0x96: {  	v15 =	vand.u32 $0x7F, v14;
	v17 =	vshll.u32 v14, $0x3;
	v13 =	vor.u32 v11, v7;
	v11 =	vld [tilespmem:s22+$0xC020]  }
0x97: {  	vm0 =	vlt.u32 v5, $0x40;
	vm1 =	vlt.u32 v10, $0x40;
	v16 =	vand.u32 $0xFFFFFFF8, v16  }
0x98: {  	v5 =	vshll.u32 v9, $0x3;
	v12 =	vshra.s32 v14, $0x6;
	v14 =	vand.u32 $0xC00, v18  }
0x99: {  	v10 =	vld [tilespmem:s22+$0xC010];
	v7 =	vand.u32 $0xC00, v4;
	v4 =	vand.u32 $0xC00, v5;
	v5 =	vshra.s32 v9, $0x6  }
0x9a: {  	s23 =	simm.s32 $0x200;
	v9 =	vld [tilespmem:s22+$0xC050];
	v18 =	vand.u32 $0xFFFFFFF8, v5;
	v5 =	vor.u32 v14, v19;
	v14 =	vshll.u32 v8, $0x7  }
.LBB2_4:
0x9b: {  	p0 =	sne.s32 s23, $0xFE00;
	v19 =	vsub.s32 v11, v0;
	v17 =	vand.u32 $0xC00, v17;
	v13 =	vor.u32 v15, v13;
	s24 =	smov.u32 s23;
	s23 =	sadd.s32 $0x200, s23  }
0x9c: {  	v18 =	vshll.u32 v1, v18;
	v16 =	vshll.u32 v1, v16;
	v15 =	vld [tilespmem:s22+$0x8040];
	vm2 =	vlt.u32 v19, $0x40  }
0x9d: {  	v12 =	vand.u32 $0xFFFFFFF8, v12;
	v19 =	vshll.u32 v19, $0x9;
	v13 =	vor.u32 v17, v13;
	v20 =	vld [tilespmem:s22+$0xC060]  }
0x9e: {  	v8 =	vsub.s32 v8, v0;
	v11 =	vshll.u32 v11, $0x7;
	v17 =	vand.u32 $0xFFFFF000, v19  }
0x9f: {  	v14 =	vand.u32 $0x380, v14;
	v21 =	vshll.u32 v8, $0x9;
	v19 =	vshll.u32 v10, $0x7  }
0xa0: {  	v12 =	vshll.u32 v1, v12;
	v21 =	vand.u32 $0xFFFFF000, v21;
	v19 =	vand.u32 $0x380, v19  }
0xa1: {  	vm3 =	vlt.u32 v8, $0x40;
	v10 =	vsub.s32 v10, v0;
	v8 =	vor.u32 v14, v21  }
0xa2: {  	v11 =	vand.u32 $0x380, v11;
	v21 =	vsub.s32 v9, v0;
	v9 =	vshll.u32 v9, $0x7;
	v14 =	vld [tilespmem:s22+$0xC070]  }
0xa3: {  	v11 =	vor.u32 v11, v17;
	v23 =	vshll.u32 v21, $0x9;
	v17 =	vand.u32 $0x7F, v15;
	v22 =	vld [tilespmem:s22+$0x8060]  }
0xa4: {  	v25 =	vshll.u32 v10, $0x9;
	v9 =	vand.u32 $0x380, v9;
	v24 =	vsub.s32 v20, v0  }
0xa5: {  	v6 =	vor.u32 v6, v11;
	v27 =	vshra.s32 v15, $0x6;
	v11 =	vshll.u32 v24, $0x9;
	v26 =	vld [tilespmem:s22+$0x8070]  }
0xa6: {  	v6 =	vor.u32 v7, v6;
	v7 =	vor.u32 v17, v8;
	v8 =	vand.u32 $0xFFFFF000, v11;
	v28 =	vld [tilespmem:s22+$0x8050]  }
0xa7: {  	v2 =	vand.u32 $0xFFFFFFF8, v2;
	vm4 =	vlt.u32 v24, $0x40;
	v11 =	vshll.u32 v20, $0x7  }
0xa8: {  	vm7 =	vlt.u32 v10, $0x40;
	vm5 =	vlt.u32 v21, $0x40;
	v10 =	vshll.u32 v15, $0x3  }
0xa9: {  	v17 =	vand.u32 $0xFFFFF000, v25;
	v15 =	vsub.s32 v14, v0;
	v20 =	vand.u32 $0x7F, v22  }
0xaa: {  	v17 =	vor.u32 v19, v17;
	v19 =	vand.u32 $0xFFFFF000, v23;
	v21 =	vshll.u32 v15, $0x9  }
0xab: {  	v10 =	vand.u32 $0xC00, v10;
	v21 =	vand.u32 $0xFFFFF000, v21;
	v23 =	vand.u32 $0x7F, v26  }
0xac: {  	v2 =	vshll.u32 v1, v2;
	v14 =	vshll.u32 v14, $0x7;
	vm6 =	vlt.u32 v15, $0x40  }
0xad: {  	[tilespmem:v5+s15+$0x0] =	vst.idx.add.s32.msk vm1, v2;
	v2 =	vor.u32 v3, v17;
	v3 =	vand.u32 $0x380, v11;
	v5 =	vand.u32 $0x380, v14  }
0xae: {  	v11 =	vshra.s32 v22, $0x6;
	v2 =	vor.u32 v4, v2;
	v4 =	vor.u32 v5, v21  }
0xaf: {  	v7 =	vor.u32 v10, v7;
	v5 =	vand.u32 $0xFFFFFFF8, v11;
	v4 =	vor.u32 v23, v4  }
0xb0: {  	v9 =	vor.u32 v9, v19;
	v10 =	vshra.s32 v28, $0x6;
	v11 =	vshll.u32 v26, $0x3  }
0xb1: {  	v10 =	vand.u32 $0xFFFFFFF8, v10;
	v14 =	vshll.u32 v28, $0x3;
	v3 =	vor.u32 v3, v8  }
0xb2: {  	v15 =	vand.u32 $0x7F, v28;
	v8 =	vshra.s32 v26, $0x6;
	v5 =	vshll.u32 v1, v5  }
0xb3: {  	v10 =	vshll.u32 v1, v10;
	v8 =	vand.u32 $0xFFFFFFF8, v8;
	[tilespmem:v2+s15+$0x0] =	vst.idx.add.s32.msk vm7, v18;
	v2 =	vor.u32 v15, v9  }
0xb4: {  	v9 =	vand.u32 $0xFFFFFFF8, v27;
	[tilespmem:v6+s15+$0x0] =	vst.idx.add.s32.msk vm2, v16;
	v6 =	vand.u32 $0xC00, v14;
	v14 =	vshll.u32 v22, $0x3  }
0xb5: {  	v3 =	vor.u32 v20, v3;
	[tilespmem:v13+s15+$0x0] =	vst.idx.add.s32.msk vm0, v12;
	v2 =	vor.u32 v6, v2;
	v6 =	vand.u32 $0xC00, v14  }
0xb6: {  	v3 =	vor.u32 v6, v3;
	v6 =	vand.u32 $0xC00, v11  }
0xb7: {  	v4 =	vor.u32 v6, v4  }
0xb8: {  	s22 =	sshra.s32 s24, $0x2;
	v8 =	vshll.u32 v1, v8;
	v6 =	vshll.u32 v1, v9  }
0xb9: {  	[tilespmem:v7+s15+$0x0] =	vst.idx.add.s32.msk vm3, v6  }
0xba: {  	[tilespmem:v2+s15+$0x0] =	vst.idx.add.s32.msk vm5, v10  }
0xbb: {  	[tilespmem:v3+s15+$0x0] =	vst.idx.add.s32.msk vm4, v5  }
0xbc: {  	[tilespmem:v4+s15+$0x0] =	vst.idx.add.s32.msk vm6, v8  }
0xbd: {  	v3 =	vld [tilespmem:s22+$0xC030]  }
0xbe: {  	v4 =	vld [tilespmem:s22+$0x8000]  }
0xbf: {  	v5 =	vld [tilespmem:s22+$0xC000]  }
0xc0: {  	v7 =	vld [tilespmem:s22+$0x8020];
	_ =	sdelay $0x2  }
0xc1: {  	v14 =	vld [tilespmem:s22+$0x8010];
	v2 =	vshra.s32 v4, $0x6  }
0xc2: {  	v8 =	vand.u32 $0x7F, v4;
	v9 =	vsub.s32 v5, v0;
	v5 =	vshll.u32 v5, $0x7  }
0xc3: {  	v10 =	vshll.u32 v3, $0x7;
	v16 =	vld [tilespmem:s22+$0x8030];
	v6 =	vshll.u32 v9, $0x9;
	v5 =	vand.u32 $0x380, v5  }
0xc4: {  	v12 =	vsub.s32 v3, v0;
	v3 =	vand.u32 $0xFFFFF000, v6;
	v6 =	vand.u32 $0x7F, v7  }
0xc5: {  	v18 =	vshra.s32 v7, $0x6;
	v3 =	vor.u32 v5, v3;
	v5 =	vshll.u32 v12, $0x9  }
0xc6: {  	v7 =	vshll.u32 v7, $0x3;
	v19 =	vor.u32 v8, v3;
	v5 =	vand.u32 $0xFFFFF000, v5  }
0xc7: {  	v20 =	vshll.u32 v4, $0x3;
	v4 =	vand.u32 $0x380, v10;
	v3 =	vand.u32 $0x7F, v14;
	v8 =	vld [tilespmem:s22+$0xC040]  }
.Ltmp1:
0xc8: {  	vm0 =	vlt.u32 v12, $0x40;
	v13 =	vor.u32 v4, v5;
	v11 =	vld [tilespmem:s22+$0xC020];
	v12 =	vshra.s32 v16, $0x6;
	(pc) =	sbr.rel @p0 .LBB2_4-.Ltmp1, $4  }
0xc9: {  	v7 =	vand.u32 $0xC00, v7;
	v4 =	vshll.u32 v14, $0x3;
	v15 =	vand.u32 $0x7F, v16  }
0xca: {  	vm1 =	vlt.u32 v9, $0x40;
	v4 =	vand.u32 $0xC00, v4;
	v17 =	vshll.u32 v16, $0x3;
	v10 =	vld [tilespmem:s22+$0xC010]  }
0xcb: {  	v5 =	vshra.s32 v14, $0x6;
	v14 =	vand.u32 $0xC00, v20;
	v16 =	vand.u32 $0xFFFFFFF8, v18;
	v9 =	vld [tilespmem:s22+$0xC050]  }
0xcc: {  	v18 =	vand.u32 $0xFFFFFFF8, v5;
	v5 =	vor.u32 v14, v19;
	v14 =	vshll.u32 v8, $0x7  }
0xcd: {  	v19 =	vsub.s32 v11, v0;
	v17 =	vand.u32 $0xC00, v17  }
0xce: {  	v13 =	vor.u32 v15, v13;
	v15 =	vshll.u32 v1, v18;
	v16 =	vshll.u32 v1, v16  }
0xcf: {  	v12 =	vand.u32 $0xFFFFFFF8, v12;
	v8 =	vsub.s32 v8, v0;
	v11 =	vshll.u32 v11, $0x7  }
0xd0: {  	v14 =	vand.u32 $0x380, v14;
	v2 =	vand.u32 $0xFFFFFFF8, v2;
	vm2 =	vlt.u32 v19, $0x40  }
0xd1: {  	v18 =	vshll.u32 v19, $0x9;
	v13 =	vor.u32 v17, v13;
	v21 =	vshll.u32 v8, $0x9  }
0xd2: {  	v12 =	vshll.u32 v1, v12;
	vm3 =	vlt.u32 v8, $0x40;
	v11 =	vand.u32 $0x380, v11  }
0xd3: {  	v60 =	vld [tilespmem:s22+$0xC070];
	v2 =	vshll.u32 v1, v2;
	v17 =	vand.u32 $0xFFFFF000, v18;
	v20 =	vshll.u32 v10, $0x7  }
0xd4: {  	v19 =	vld [tilespmem:s22+$0x8040];
	v21 =	vand.u32 $0xFFFFF000, v21;
	v10 =	vsub.s32 v10, v0;
	v20 =	vand.u32 $0x380, v20  }
0xd5: {  	v25 =	vld [tilespmem:s22+$0x8060];
	v8 =	vor.u32 v14, v21;
	v14 =	vsub.s32 v9, v0;
	v9 =	vshll.u32 v9, $0x7  }
0xd6: {  	v18 =	vld [tilespmem:s22+$0xC060];
	v11 =	vor.u32 v11, v17;
	v24 =	vshll.u32 v10, $0x9;
	vm7 =	vlt.u32 v10, $0x40  }
0xd7: {  	v22 =	vshll.u32 v14, $0x9;
	v9 =	vand.u32 $0x380, v9;
	v6 =	vor.u32 v6, v11  }
0xd8: {  	vm5 =	vlt.u32 v14, $0x40;
	v6 =	vor.u32 v7, v6;
	v14 =	vsub.s32 v60, v0  }
0xd9: {  	v17 =	vand.u32 $0x7F, v19;
	v26 =	vshra.s32 v19, $0x6;
	v10 =	vshll.u32 v19, $0x3  }
0xda: {  	v19 =	vand.u32 $0x7F, v25;
	v62 =	vshll.u32 v14, $0x9;
	vm6 =	vlt.u32 v14, $0x40  }
0xdb: {  	v11 =	vld [tilespmem:s22+$0x8070];
	v14 =	vshll.u32 v60, $0x7;
	v23 =	vsub.s32 v18, v0;
	v7 =	vor.u32 v17, v8  }
0xdc: {  	v17 =	vshll.u32 v18, $0x7;
	v18 =	vand.u32 $0xFFFFF000, v24;
	v10 =	vand.u32 $0xC00, v10  }
0xdd: {  	v61 =	vld [tilespmem:s22+$0x8050];
	v14 =	vand.u32 $0x380, v14;
	v27 =	vshll.u32 v23, $0x9;
	vm4 =	vlt.u32 v23, $0x40  }
0xde: {  	v18 =	vor.u32 v20, v18;
	v20 =	vand.u32 $0xFFFFF000, v22;
	v23 =	vand.u32 $0xFFFFF000, v62  }
0xdf: {  	v17 =	vand.u32 $0x380, v17;
	v7 =	vor.u32 v10, v7;
	v3 =	vor.u32 v3, v18  }
0xe0: {  	v8 =	vand.u32 $0xFFFFF000, v27;
	v63 =	vand.u32 $0x7F, v11;
	v3 =	vor.u32 v4, v3  }
0xe1: {  	v9 =	vor.u32 v9, v20;
	v10 =	vshll.u32 v11, $0x3;
	v4 =	vor.u32 v14, v23  }
0xe2: {  	v14 =	vshll.u32 v61, $0x3;
	v8 =	vor.u32 v17, v8;
	v17 =	vand.u32 $0x7F, v61  }
0xe3: {  	v9 =	vor.u32 v17, v9;
	v14 =	vand.u32 $0xC00, v14;
	v17 =	vshll.u32 v25, $0x3  }
0xe4: {  	[tilespmem:v5+s15+$0x0] =	vst.idx.add.s32.msk vm1, v2;
	v8 =	vor.u32 v19, v8;
	v2 =	vor.u32 v14, v9;
	v5 =	vand.u32 $0xC00, v17  }
0xe5: {  	v4 =	vor.u32 v63, v4;
	[tilespmem:v3+s15+$0x0] =	vst.idx.add.s32.msk vm7, v15;
	v3 =	vor.u32 v5, v8;
	v5 =	vand.u32 $0xC00, v10  }
0xe6: {  	v9 =	vand.u32 $0xFFFFFFF8, v26;
	v8 =	vshra.s32 v61, $0x6;
	[tilespmem:v6+s15+$0x0] =	vst.idx.add.s32.msk vm2, v16;
	v4 =	vor.u32 v5, v4  }
0xe7: {  	v5 =	vshra.s32 v25, $0x6;
	v6 =	vand.u32 $0xFFFFFFF8, v8;
	v8 =	vshll.u32 v1, v9;
	[tilespmem:v13+s15+$0x0] =	vst.idx.add.s32.msk vm0, v12  }
0xe8: {  	v9 =	vshra.s32 v11, $0x6;
	v5 =	vand.u32 $0xFFFFFFF8, v5;
	v6 =	vshll.u32 v1, v6;
	[tilespmem:v7+s15+$0x0] =	vst.idx.add.s32.msk vm3, v8  }
0xe9: {  	v5 =	vshll.u32 v1, v5;
	v7 =	vand.u32 $0xFFFFFFF8, v9;
	[tilespmem:v2+s15+$0x0] =	vst.idx.add.s32.msk vm5, v6  }
0xea: {  	v2 =	vshll.u32 v1, v7;
	[tilespmem:v3+s15+$0x0] =	vst.idx.add.s32.msk vm4, v5  }
0xeb: {  	s31 =	simm.s32 $0x0;
	[tilespmem:v4+s15+$0x0] =	vst.idx.add.s32.msk vm6, v2  }
0xec: {  	[tilespmem:s17], [sflag:$0x2] =	stream.linear.gather [hbm4b:s10+s31], $0x4000, $0x38;
	[tilespmem:$0x18000] =	vst v63  }
0xed: {  	_ = 	snop  }
0xee: {  	[tilespmem:s18], [sflag:$0x2] =	stream.linear.gather [hbm4b:s11+s31], $0x4000, $0x38;
	[tilespmem:$0x18000] =	vst v63  }
0xef: {  	_ =	swait.ge [sflag:s19], $0x4000  }
0xf0: {  	[sflag:s19] =	ssyncset.done $0x0  }
0xf1: {  	[sflag:s19] =	ssyncadd.s32 $0xFFFFC000  }
0xf2: {  	_ =	swait.ge [sflag:s19], $0x4000  }
0xf3: {  	[sflag:s19] =	ssyncset.done $0x0  }
0xf4: {  	s22 =	simm.s32 $0x0;
	[sflag:s19] =	ssyncadd.s32 $0xFFFFC000  }
0xf5: {  	v3 =	vld [tilespmem:s22+$0x0]  }
0xf6: {  	v4 =	vld [tilespmem:s22+$0x4000]  }
0xf7: {  	v5 =	vld [tilespmem:s22+$0x4030]  }
0xf8: {  	v7 =	vld [tilespmem:s22+$0x20]  }
0xf9: {  	v9 =	vld [tilespmem:s22+$0x10];
	_ =	sdelay $0x1  }
0xfa: {  	v2 =	vshra.s32 v3, $0x6  }
0xfb: {  	v10 =	vsub.s32 v4, v0;
	v8 =	vand.u32 $0x7F, v3;
	v4 =	vshll.u32 v4, $0x7  }
0xfc: {  	v14 =	vld [tilespmem:s22+$0x30];
	v11 =	vshll.u32 v5, $0x7;
	v5 =	vsub.s32 v5, v0;
	v16 =	vshra.s32 v7, $0x6  }
0xfd: {  	v18 =	vshll.u32 v3, $0x3;
	v3 =	vand.u32 $0x7F, v9;
	v6 =	vshll.u32 v10, $0x9  }
0xfe: {  	v4 =	vand.u32 $0x380, v4;
	v11 =	vand.u32 $0x380, v11;
	v12 =	vand.u32 $0xFFFFF000, v6  }
0xff: {  	v6 =	vand.u32 $0x7F, v7;
	v4 =	vor.u32 v4, v12;
	v12 =	vshll.u32 v5, $0x9  }
0x100: {  	v19 =	vor.u32 v8, v4;
	v4 =	vshll.u32 v7, $0x3;
	v7 =	vand.u32 $0xFFFFF000, v12;
	v8 =	vld [tilespmem:s22+$0x4040]  }
0x101: {  	v15 =	vand.u32 $0x7F, v14;
	v17 =	vshll.u32 v14, $0x3;
	v13 =	vor.u32 v11, v7;
	v11 =	vld [tilespmem:s22+$0x4020]  }
0x102: {  	vm0 =	vlt.u32 v5, $0x40;
	vm1 =	vlt.u32 v10, $0x40;
	v16 =	vand.u32 $0xFFFFFFF8, v16  }
0x103: {  	v5 =	vshll.u32 v9, $0x3;
	v12 =	vshra.s32 v14, $0x6;
	v14 =	vand.u32 $0xC00, v18  }
0x104: {  	v10 =	vld [tilespmem:s22+$0x4010];
	v7 =	vand.u32 $0xC00, v4;
	v4 =	vand.u32 $0xC00, v5;
	v5 =	vshra.s32 v9, $0x6  }
0x105: {  	s23 =	simm.s32 $0x200;
	v9 =	vld [tilespmem:s22+$0x4050];
	v18 =	vand.u32 $0xFFFFFFF8, v5;
	v5 =	vor.u32 v14, v19;
	v14 =	vshll.u32 v8, $0x7  }
.LBB2_6:
0x106: {  	p0 =	sne.s32 s23, $0xFE00;
	v19 =	vsub.s32 v11, v0;
	v17 =	vand.u32 $0xC00, v17;
	v13 =	vor.u32 v15, v13;
	s24 =	smov.u32 s23;
	s23 =	sadd.s32 $0x200, s23  }
0x107: {  	v18 =	vshll.u32 v1, v18;
	v16 =	vshll.u32 v1, v16;
	v15 =	vld [tilespmem:s22+$0x40];
	vm2 =	vlt.u32 v19, $0x40  }
0x108: {  	v12 =	vand.u32 $0xFFFFFFF8, v12;
	v19 =	vshll.u32 v19, $0x9;
	v13 =	vor.u32 v17, v13;
	v20 =	vld [tilespmem:s22+$0x4060]  }
0x109: {  	v8 =	vsub.s32 v8, v0;
	v11 =	vshll.u32 v11, $0x7;
	v17 =	vand.u32 $0xFFFFF000, v19  }
0x10a: {  	v14 =	vand.u32 $0x380, v14;
	v21 =	vshll.u32 v8, $0x9;
	v19 =	vshll.u32 v10, $0x7  }
0x10b: {  	v12 =	vshll.u32 v1, v12;
	v21 =	vand.u32 $0xFFFFF000, v21;
	v19 =	vand.u32 $0x380, v19  }
0x10c: {  	vm3 =	vlt.u32 v8, $0x40;
	v10 =	vsub.s32 v10, v0;
	v8 =	vor.u32 v14, v21  }
0x10d: {  	v11 =	vand.u32 $0x380, v11;
	v21 =	vsub.s32 v9, v0;
	v9 =	vshll.u32 v9, $0x7;
	v14 =	vld [tilespmem:s22+$0x4070]  }
0x10e: {  	v11 =	vor.u32 v11, v17;
	v23 =	vshll.u32 v21, $0x9;
	v17 =	vand.u32 $0x7F, v15;
	v22 =	vld [tilespmem:s22+$0x60]  }
0x10f: {  	v25 =	vshll.u32 v10, $0x9;
	v9 =	vand.u32 $0x380, v9;
	v24 =	vsub.s32 v20, v0  }
0x110: {  	v6 =	vor.u32 v6, v11;
	v27 =	vshra.s32 v15, $0x6;
	v11 =	vshll.u32 v24, $0x9;
	v26 =	vld [tilespmem:s22+$0x70]  }
0x111: {  	v6 =	vor.u32 v7, v6;
	v7 =	vor.u32 v17, v8;
	v8 =	vand.u32 $0xFFFFF000, v11;
	v28 =	vld [tilespmem:s22+$0x50]  }
0x112: {  	v2 =	vand.u32 $0xFFFFFFF8, v2;
	vm4 =	vlt.u32 v24, $0x40;
	v11 =	vshll.u32 v20, $0x7  }
0x113: {  	vm7 =	vlt.u32 v10, $0x40;
	vm5 =	vlt.u32 v21, $0x40;
	v10 =	vshll.u32 v15, $0x3  }
0x114: {  	v17 =	vand.u32 $0xFFFFF000, v25;
	v15 =	vsub.s32 v14, v0;
	v20 =	vand.u32 $0x7F, v22  }
0x115: {  	v17 =	vor.u32 v19, v17;
	v19 =	vand.u32 $0xFFFFF000, v23;
	v21 =	vshll.u32 v15, $0x9  }
0x116: {  	v10 =	vand.u32 $0xC00, v10;
	v21 =	vand.u32 $0xFFFFF000, v21;
	v23 =	vand.u32 $0x7F, v26  }
0x117: {  	v2 =	vshll.u32 v1, v2;
	v14 =	vshll.u32 v14, $0x7;
	vm6 =	vlt.u32 v15, $0x40  }
0x118: {  	[tilespmem:v5+s15+$0x0] =	vst.idx.add.s32.msk vm1, v2;
	v2 =	vor.u32 v3, v17;
	v3 =	vand.u32 $0x380, v11;
	v5 =	vand.u32 $0x380, v14  }
0x119: {  	v11 =	vshra.s32 v22, $0x6;
	v2 =	vor.u32 v4, v2;
	v4 =	vor.u32 v5, v21  }
0x11a: {  	v7 =	vor.u32 v10, v7;
	v5 =	vand.u32 $0xFFFFFFF8, v11;
	v4 =	vor.u32 v23, v4  }
0x11b: {  	v9 =	vor.u32 v9, v19;
	v10 =	vshra.s32 v28, $0x6;
	v11 =	vshll.u32 v26, $0x3  }
0x11c: {  	v10 =	vand.u32 $0xFFFFFFF8, v10;
	v14 =	vshll.u32 v28, $0x3;
	v3 =	vor.u32 v3, v8  }
0x11d: {  	v15 =	vand.u32 $0x7F, v28;
	v8 =	vshra.s32 v26, $0x6;
	v5 =	vshll.u32 v1, v5  }
0x11e: {  	v10 =	vshll.u32 v1, v10;
	v8 =	vand.u32 $0xFFFFFFF8, v8;
	[tilespmem:v2+s15+$0x0] =	vst.idx.add.s32.msk vm7, v18;
	v2 =	vor.u32 v15, v9  }
0x11f: {  	v9 =	vand.u32 $0xFFFFFFF8, v27;
	[tilespmem:v6+s15+$0x0] =	vst.idx.add.s32.msk vm2, v16;
	v6 =	vand.u32 $0xC00, v14;
	v14 =	vshll.u32 v22, $0x3  }
0x120: {  	v3 =	vor.u32 v20, v3;
	[tilespmem:v13+s15+$0x0] =	vst.idx.add.s32.msk vm0, v12;
	v2 =	vor.u32 v6, v2;
	v6 =	vand.u32 $0xC00, v14  }
0x121: {  	v3 =	vor.u32 v6, v3;
	v6 =	vand.u32 $0xC00, v11  }
0x122: {  	v4 =	vor.u32 v6, v4  }
0x123: {  	s22 =	sshra.s32 s24, $0x2;
	v8 =	vshll.u32 v1, v8;
	v6 =	vshll.u32 v1, v9  }
0x124: {  	[tilespmem:v7+s15+$0x0] =	vst.idx.add.s32.msk vm3, v6  }
0x125: {  	[tilespmem:v2+s15+$0x0] =	vst.idx.add.s32.msk vm5, v10  }
0x126: {  	[tilespmem:v3+s15+$0x0] =	vst.idx.add.s32.msk vm4, v5  }
0x127: {  	[tilespmem:v4+s15+$0x0] =	vst.idx.add.s32.msk vm6, v8  }
0x128: {  	v3 =	vld [tilespmem:s22+$0x4030]  }
0x129: {  	v4 =	vld [tilespmem:s22+$0x0]  }
0x12a: {  	v5 =	vld [tilespmem:s22+$0x4000]  }
0x12b: {  	v7 =	vld [tilespmem:s22+$0x20];
	_ =	sdelay $0x2  }
0x12c: {  	v14 =	vld [tilespmem:s22+$0x10];
	v2 =	vshra.s32 v4, $0x6  }
0x12d: {  	v8 =	vand.u32 $0x7F, v4;
	v9 =	vsub.s32 v5, v0;
	v5 =	vshll.u32 v5, $0x7  }
0x12e: {  	v10 =	vshll.u32 v3, $0x7;
	v16 =	vld [tilespmem:s22+$0x30];
	v6 =	vshll.u32 v9, $0x9;
	v5 =	vand.u32 $0x380, v5  }
0x12f: {  	v12 =	vsub.s32 v3, v0;
	v3 =	vand.u32 $0xFFFFF000, v6;
	v6 =	vand.u32 $0x7F, v7  }
0x130: {  	v18 =	vshra.s32 v7, $0x6;
	v3 =	vor.u32 v5, v3;
	v5 =	vshll.u32 v12, $0x9  }
0x131: {  	v7 =	vshll.u32 v7, $0x3;
	v19 =	vor.u32 v8, v3;
	v5 =	vand.u32 $0xFFFFF000, v5  }
0x132: {  	v20 =	vshll.u32 v4, $0x3;
	v4 =	vand.u32 $0x380, v10;
	v3 =	vand.u32 $0x7F, v14;
	v8 =	vld [tilespmem:s22+$0x4040]  }
.Ltmp2:
0x133: {  	vm0 =	vlt.u32 v12, $0x40;
	v13 =	vor.u32 v4, v5;
	v11 =	vld [tilespmem:s22+$0x4020];
	v12 =	vshra.s32 v16, $0x6;
	(pc) =	sbr.rel @p0 .LBB2_6-.Ltmp2, $4  }
0x134: {  	v7 =	vand.u32 $0xC00, v7;
	v4 =	vshll.u32 v14, $0x3;
	v15 =	vand.u32 $0x7F, v16  }
0x135: {  	vm1 =	vlt.u32 v9, $0x40;
	v4 =	vand.u32 $0xC00, v4;
	v17 =	vshll.u32 v16, $0x3;
	v10 =	vld [tilespmem:s22+$0x4010]  }
0x136: {  	v5 =	vshra.s32 v14, $0x6;
	v14 =	vand.u32 $0xC00, v20;
	v16 =	vand.u32 $0xFFFFFFF8, v18;
	v9 =	vld [tilespmem:s22+$0x4050]  }
0x137: {  	v18 =	vand.u32 $0xFFFFFFF8, v5;
	v5 =	vor.u32 v14, v19;
	v14 =	vshll.u32 v8, $0x7  }
0x138: {  	v19 =	vsub.s32 v11, v0;
	v17 =	vand.u32 $0xC00, v17  }
0x139: {  	v13 =	vor.u32 v15, v13;
	v15 =	vshll.u32 v1, v18;
	v16 =	vshll.u32 v1, v16  }
0x13a: {  	v12 =	vand.u32 $0xFFFFFFF8, v12;
	v8 =	vsub.s32 v8, v0;
	v11 =	vshll.u32 v11, $0x7  }
0x13b: {  	v14 =	vand.u32 $0x380, v14;
	v2 =	vand.u32 $0xFFFFFFF8, v2;
	vm2 =	vlt.u32 v19, $0x40  }
0x13c: {  	v18 =	vshll.u32 v19, $0x9;
	v13 =	vor.u32 v17, v13;
	v21 =	vshll.u32 v8, $0x9  }
0x13d: {  	v12 =	vshll.u32 v1, v12;
	vm3 =	vlt.u32 v8, $0x40;
	v11 =	vand.u32 $0x380, v11  }
0x13e: {  	v60 =	vld [tilespmem:s22+$0x4070];
	v2 =	vshll.u32 v1, v2;
	v17 =	vand.u32 $0xFFFFF000, v18;
	v20 =	vshll.u32 v10, $0x7  }
0x13f: {  	v19 =	vld [tilespmem:s22+$0x40];
	v21 =	vand.u32 $0xFFFFF000, v21;
	v10 =	vsub.s32 v10, v0;
	v20 =	vand.u32 $0x380, v20  }
0x140: {  	v25 =	vld [tilespmem:s22+$0x60];
	v8 =	vor.u32 v14, v21;
	v14 =	vsub.s32 v9, v0;
	v9 =	vshll.u32 v9, $0x7  }
0x141: {  	v18 =	vld [tilespmem:s22+$0x4060];
	v11 =	vor.u32 v11, v17;
	v24 =	vshll.u32 v10, $0x9;
	vm7 =	vlt.u32 v10, $0x40  }
0x142: {  	v22 =	vshll.u32 v14, $0x9;
	v9 =	vand.u32 $0x380, v9;
	v6 =	vor.u32 v6, v11  }
0x143: {  	vm5 =	vlt.u32 v14, $0x40;
	v6 =	vor.u32 v7, v6;
	v14 =	vsub.s32 v60, v0  }
0x144: {  	v17 =	vand.u32 $0x7F, v19;
	v26 =	vshra.s32 v19, $0x6;
	v10 =	vshll.u32 v19, $0x3  }
0x145: {  	v19 =	vand.u32 $0x7F, v25;
	v62 =	vshll.u32 v14, $0x9;
	vm6 =	vlt.u32 v14, $0x40  }
0x146: {  	v11 =	vld [tilespmem:s22+$0x70];
	v14 =	vshll.u32 v60, $0x7;
	v23 =	vsub.s32 v18, v0;
	v7 =	vor.u32 v17, v8  }
0x147: {  	v17 =	vshll.u32 v18, $0x7;
	v18 =	vand.u32 $0xFFFFF000, v24;
	v10 =	vand.u32 $0xC00, v10  }
0x148: {  	v61 =	vld [tilespmem:s22+$0x50];
	v14 =	vand.u32 $0x380, v14;
	v27 =	vshll.u32 v23, $0x9;
	vm4 =	vlt.u32 v23, $0x40  }
0x149: {  	v18 =	vor.u32 v20, v18;
	v20 =	vand.u32 $0xFFFFF000, v22;
	v23 =	vand.u32 $0xFFFFF000, v62  }
0x14a: {  	v17 =	vand.u32 $0x380, v17;
	v7 =	vor.u32 v10, v7;
	v3 =	vor.u32 v3, v18  }
0x14b: {  	v8 =	vand.u32 $0xFFFFF000, v27;
	v63 =	vand.u32 $0x7F, v11;
	v3 =	vor.u32 v4, v3  }
0x14c: {  	v9 =	vor.u32 v9, v20;
	v10 =	vshll.u32 v11, $0x3;
	v4 =	vor.u32 v14, v23  }
0x14d: {  	v14 =	vshll.u32 v61, $0x3;
	v8 =	vor.u32 v17, v8;
	v17 =	vand.u32 $0x7F, v61  }
0x14e: {  	v9 =	vor.u32 v17, v9;
	v14 =	vand.u32 $0xC00, v14;
	v17 =	vshll.u32 v25, $0x3  }
0x14f: {  	[tilespmem:v5+s15+$0x0] =	vst.idx.add.s32.msk vm1, v2;
	v8 =	vor.u32 v19, v8;
	v2 =	vor.u32 v14, v9;
	v5 =	vand.u32 $0xC00, v17  }
0x150: {  	v4 =	vor.u32 v63, v4;
	[tilespmem:v3+s15+$0x0] =	vst.idx.add.s32.msk vm7, v15;
	v3 =	vor.u32 v5, v8;
	v5 =	vand.u32 $0xC00, v10  }
0x151: {  	v9 =	vand.u32 $0xFFFFFFF8, v26;
	v8 =	vshra.s32 v61, $0x6;
	[tilespmem:v6+s15+$0x0] =	vst.idx.add.s32.msk vm2, v16;
	v4 =	vor.u32 v5, v4  }
0x152: {  	v5 =	vshra.s32 v25, $0x6;
	v6 =	vand.u32 $0xFFFFFFF8, v8;
	v8 =	vshll.u32 v1, v9;
	[tilespmem:v13+s15+$0x0] =	vst.idx.add.s32.msk vm0, v12  }
0x153: {  	v9 =	vshra.s32 v11, $0x6;
	v5 =	vand.u32 $0xFFFFFFF8, v5;
	v6 =	vshll.u32 v1, v6;
	[tilespmem:v7+s15+$0x0] =	vst.idx.add.s32.msk vm3, v8  }
0x154: {  	v5 =	vshll.u32 v1, v5;
	v7 =	vand.u32 $0xFFFFFFF8, v9;
	[tilespmem:v2+s15+$0x0] =	vst.idx.add.s32.msk vm5, v6  }
0x155: {  	v2 =	vshll.u32 v1, v7;
	[tilespmem:v3+s15+$0x0] =	vst.idx.add.s32.msk vm4, v5  }
0x156: {  	[tilespmem:v4+s15+$0x0] =	vst.idx.add.s32.msk vm6, v2  }
0x157: {  	_ =	swait.ge [sflag:s20], $0x4000  }
0x158: {  	[sflag:s20] =	ssyncset.done $0x0  }
0x159: {  	[sflag:s20] =	ssyncadd.s32 $0xFFFFC000  }
0x15a: {  	_ =	swait.ge [sflag:s20], $0x4000  }
0x15b: {  	[sflag:s20] =	ssyncset.done $0x0  }
0x15c: {  	s22 =	simm.s32 $0x0;
	[sflag:s20] =	ssyncadd.s32 $0xFFFFC000  }
0x15d: {  	v3 =	vld [tilespmem:s22+$0x8000]  }
0x15e: {  	v4 =	vld [tilespmem:s22+$0xC000]  }
0x15f: {  	v5 =	vld [tilespmem:s22+$0xC030]  }
0x160: {  	v7 =	vld [tilespmem:s22+$0x8020]  }
0x161: {  	v9 =	vld [tilespmem:s22+$0x8010];
	_ =	sdelay $0x1  }
0x162: {  	v2 =	vshra.s32 v3, $0x6  }
0x163: {  	v10 =	vsub.s32 v4, v0;
	v8 =	vand.u32 $0x7F, v3;
	v4 =	vshll.u32 v4, $0x7  }
0x164: {  	v14 =	vld [tilespmem:s22+$0x8030];
	v11 =	vshll.u32 v5, $0x7;
	v5 =	vsub.s32 v5, v0;
	v16 =	vshra.s32 v7, $0x6  }
0x165: {  	v18 =	vshll.u32 v3, $0x3;
	v3 =	vand.u32 $0x7F, v9;
	v6 =	vshll.u32 v10, $0x9  }
0x166: {  	v4 =	vand.u32 $0x380, v4;
	v11 =	vand.u32 $0x380, v11;
	v12 =	vand.u32 $0xFFFFF000, v6  }
0x167: {  	v6 =	vand.u32 $0x7F, v7;
	v4 =	vor.u32 v4, v12;
	v12 =	vshll.u32 v5, $0x9  }
0x168: {  	v19 =	vor.u32 v8, v4;
	v4 =	vshll.u32 v7, $0x3;
	v7 =	vand.u32 $0xFFFFF000, v12;
	v8 =	vld [tilespmem:s22+$0xC040]  }
0x169: {  	v15 =	vand.u32 $0x7F, v14;
	v17 =	vshll.u32 v14, $0x3;
	v13 =	vor.u32 v11, v7;
	v11 =	vld [tilespmem:s22+$0xC020]  }
0x16a: {  	vm0 =	vlt.u32 v5, $0x40;
	vm1 =	vlt.u32 v10, $0x40;
	v16 =	vand.u32 $0xFFFFFFF8, v16  }
0x16b: {  	v5 =	vshll.u32 v9, $0x3;
	v12 =	vshra.s32 v14, $0x6;
	v14 =	vand.u32 $0xC00, v18  }
0x16c: {  	v10 =	vld [tilespmem:s22+$0xC010];
	v7 =	vand.u32 $0xC00, v4;
	v4 =	vand.u32 $0xC00, v5;
	v5 =	vshra.s32 v9, $0x6  }
0x16d: {  	s23 =	simm.s32 $0x200;
	v9 =	vld [tilespmem:s22+$0xC050];
	v18 =	vand.u32 $0xFFFFFFF8, v5;
	v5 =	vor.u32 v14, v19;
	v14 =	vshll.u32 v8, $0x7  }
.LBB2_8:
0x16e: {  	p0 =	sne.s32 s23, $0xFE00;
	v19 =	vsub.s32 v11, v0;
	v17 =	vand.u32 $0xC00, v17;
	v13 =	vor.u32 v15, v13;
	s24 =	smov.u32 s23;
	s23 =	sadd.s32 $0x200, s23  }
0x16f: {  	v18 =	vshll.u32 v1, v18;
	v16 =	vshll.u32 v1, v16;
	v15 =	vld [tilespmem:s22+$0x8040];
	vm2 =	vlt.u32 v19, $0x40  }
0x170: {  	v12 =	vand.u32 $0xFFFFFFF8, v12;
	v19 =	vshll.u32 v19, $0x9;
	v13 =	vor.u32 v17, v13;
	v20 =	vld [tilespmem:s22+$0xC060]  }
0x171: {  	v8 =	vsub.s32 v8, v0;
	v11 =	vshll.u32 v11, $0x7;
	v17 =	vand.u32 $0xFFFFF000, v19  }
0x172: {  	v14 =	vand.u32 $0x380, v14;
	v21 =	vshll.u32 v8, $0x9;
	v19 =	vshll.u32 v10, $0x7  }
0x173: {  	v12 =	vshll.u32 v1, v12;
	v21 =	vand.u32 $0xFFFFF000, v21;
	v19 =	vand.u32 $0x380, v19  }
0x174: {  	vm3 =	vlt.u32 v8, $0x40;
	v10 =	vsub.s32 v10, v0;
	v8 =	vor.u32 v14, v21  }
0x175: {  	v11 =	vand.u32 $0x380, v11;
	v21 =	vsub.s32 v9, v0;
	v9 =	vshll.u32 v9, $0x7;
	v14 =	vld [tilespmem:s22+$0xC070]  }
0x176: {  	v11 =	vor.u32 v11, v17;
	v23 =	vshll.u32 v21, $0x9;
	v17 =	vand.u32 $0x7F, v15;
	v22 =	vld [tilespmem:s22+$0x8060]  }
0x177: {  	v25 =	vshll.u32 v10, $0x9;
	v9 =	vand.u32 $0x380, v9;
	v24 =	vsub.s32 v20, v0  }
0x178: {  	v6 =	vor.u32 v6, v11;
	v27 =	vshra.s32 v15, $0x6;
	v11 =	vshll.u32 v24, $0x9;
	v26 =	vld [tilespmem:s22+$0x8070]  }
0x179: {  	v6 =	vor.u32 v7, v6;
	v7 =	vor.u32 v17, v8;
	v8 =	vand.u32 $0xFFFFF000, v11;
	v28 =	vld [tilespmem:s22+$0x8050]  }
0x17a: {  	v2 =	vand.u32 $0xFFFFFFF8, v2;
	vm4 =	vlt.u32 v24, $0x40;
	v11 =	vshll.u32 v20, $0x7  }
0x17b: {  	vm7 =	vlt.u32 v10, $0x40;
	vm5 =	vlt.u32 v21, $0x40;
	v10 =	vshll.u32 v15, $0x3  }
0x17c: {  	v17 =	vand.u32 $0xFFFFF000, v25;
	v15 =	vsub.s32 v14, v0;
	v20 =	vand.u32 $0x7F, v22  }
0x17d: {  	v17 =	vor.u32 v19, v17;
	v19 =	vand.u32 $0xFFFFF000, v23;
	v21 =	vshll.u32 v15, $0x9  }
0x17e: {  	v10 =	vand.u32 $0xC00, v10;
	v21 =	vand.u32 $0xFFFFF000, v21;
	v23 =	vand.u32 $0x7F, v26  }
0x17f: {  	v2 =	vshll.u32 v1, v2;
	v14 =	vshll.u32 v14, $0x7;
	vm6 =	vlt.u32 v15, $0x40  }
0x180: {  	[tilespmem:v5+s15+$0x0] =	vst.idx.add.s32.msk vm1, v2;
	v2 =	vor.u32 v3, v17;
	v3 =	vand.u32 $0x380, v11;
	v5 =	vand.u32 $0x380, v14  }
0x181: {  	v11 =	vshra.s32 v22, $0x6;
	v2 =	vor.u32 v4, v2;
	v4 =	vor.u32 v5, v21  }
0x182: {  	v7 =	vor.u32 v10, v7;
	v5 =	vand.u32 $0xFFFFFFF8, v11;
	v4 =	vor.u32 v23, v4  }
0x183: {  	v9 =	vor.u32 v9, v19;
	v10 =	vshra.s32 v28, $0x6;
	v11 =	vshll.u32 v26, $0x3  }
0x184: {  	v10 =	vand.u32 $0xFFFFFFF8, v10;
	v14 =	vshll.u32 v28, $0x3;
	v3 =	vor.u32 v3, v8  }
0x185: {  	v15 =	vand.u32 $0x7F, v28;
	v8 =	vshra.s32 v26, $0x6;
	v5 =	vshll.u32 v1, v5  }
0x186: {  	v10 =	vshll.u32 v1, v10;
	v8 =	vand.u32 $0xFFFFFFF8, v8;
	[tilespmem:v2+s15+$0x0] =	vst.idx.add.s32.msk vm7, v18;
	v2 =	vor.u32 v15, v9  }
0x187: {  	v9 =	vand.u32 $0xFFFFFFF8, v27;
	[tilespmem:v6+s15+$0x0] =	vst.idx.add.s32.msk vm2, v16;
	v6 =	vand.u32 $0xC00, v14;
	v14 =	vshll.u32 v22, $0x3  }
0x188: {  	v3 =	vor.u32 v20, v3;
	[tilespmem:v13+s15+$0x0] =	vst.idx.add.s32.msk vm0, v12;
	v2 =	vor.u32 v6, v2;
	v6 =	vand.u32 $0xC00, v14  }
0x189: {  	v3 =	vor.u32 v6, v3;
	v6 =	vand.u32 $0xC00, v11  }
0x18a: {  	v4 =	vor.u32 v6, v4  }
0x18b: {  	s22 =	sshra.s32 s24, $0x2;
	v8 =	vshll.u32 v1, v8;
	v6 =	vshll.u32 v1, v9  }
0x18c: {  	[tilespmem:v7+s15+$0x0] =	vst.idx.add.s32.msk vm3, v6  }
0x18d: {  	[tilespmem:v2+s15+$0x0] =	vst.idx.add.s32.msk vm5, v10  }
0x18e: {  	[tilespmem:v3+s15+$0x0] =	vst.idx.add.s32.msk vm4, v5  }
0x18f: {  	[tilespmem:v4+s15+$0x0] =	vst.idx.add.s32.msk vm6, v8  }
0x190: {  	v3 =	vld [tilespmem:s22+$0xC030]  }
0x191: {  	v4 =	vld [tilespmem:s22+$0x8000]  }
0x192: {  	v5 =	vld [tilespmem:s22+$0xC000]  }
0x193: {  	v7 =	vld [tilespmem:s22+$0x8020];
	_ =	sdelay $0x2  }
0x194: {  	v14 =	vld [tilespmem:s22+$0x8010];
	v2 =	vshra.s32 v4, $0x6  }
0x195: {  	v8 =	vand.u32 $0x7F, v4;
	v9 =	vsub.s32 v5, v0;
	v5 =	vshll.u32 v5, $0x7  }
0x196: {  	v10 =	vshll.u32 v3, $0x7;
	v16 =	vld [tilespmem:s22+$0x8030];
	v6 =	vshll.u32 v9, $0x9;
	v5 =	vand.u32 $0x380, v5  }
0x197: {  	v12 =	vsub.s32 v3, v0;
	v3 =	vand.u32 $0xFFFFF000, v6;
	v6 =	vand.u32 $0x7F, v7  }
0x198: {  	v18 =	vshra.s32 v7, $0x6;
	v3 =	vor.u32 v5, v3;
	v5 =	vshll.u32 v12, $0x9  }
0x199: {  	v7 =	vshll.u32 v7, $0x3;
	v19 =	vor.u32 v8, v3;
	v5 =	vand.u32 $0xFFFFF000, v5  }
0x19a: {  	v20 =	vshll.u32 v4, $0x3;
	v4 =	vand.u32 $0x380, v10;
	v3 =	vand.u32 $0x7F, v14;
	v8 =	vld [tilespmem:s22+$0xC040]  }
.Ltmp3:
0x19b: {  	vm0 =	vlt.u32 v12, $0x40;
	v13 =	vor.u32 v4, v5;
	v11 =	vld [tilespmem:s22+$0xC020];
	v12 =	vshra.s32 v16, $0x6;
	(pc) =	sbr.rel @p0 .LBB2_8-.Ltmp3, $4  }
0x19c: {  	v7 =	vand.u32 $0xC00, v7;
	v4 =	vshll.u32 v14, $0x3;
	v15 =	vand.u32 $0x7F, v16  }
0x19d: {  	vm1 =	vlt.u32 v9, $0x40;
	v4 =	vand.u32 $0xC00, v4;
	v17 =	vshll.u32 v16, $0x3;
	v10 =	vld [tilespmem:s22+$0xC010]  }
0x19e: {  	v5 =	vshra.s32 v14, $0x6;
	v14 =	vand.u32 $0xC00, v20;
	v16 =	vand.u32 $0xFFFFFFF8, v18;
	v9 =	vld [tilespmem:s22+$0xC050]  }
0x19f: {  	v18 =	vand.u32 $0xFFFFFFF8, v5;
	v5 =	vor.u32 v14, v19;
	v14 =	vshll.u32 v8, $0x7  }
0x1a0: {  	v19 =	vsub.s32 v11, v0;
	v17 =	vand.u32 $0xC00, v17  }
0x1a1: {  	v13 =	vor.u32 v15, v13;
	v59 =	vshll.u32 v1, v18;
	v16 =	vshll.u32 v1, v16  }
0x1a2: {  	v12 =	vand.u32 $0xFFFFFFF8, v12;
	v8 =	vsub.s32 v8, v0;
	v30 =	vshll.u32 v11, $0x7  }
0x1a3: {  	v14 =	vand.u32 $0x380, v14;
	v2 =	vand.u32 $0xFFFFFFF8, v2;
	vm2 =	vlt.u32 v19, $0x40  }
0x1a4: {  	v60 =	vshll.u32 v19, $0x9;
	v13 =	vor.u32 v17, v13;
	v21 =	vshll.u32 v8, $0x9  }
0x1a5: {  	v12 =	vshll.u32 v1, v12;
	vm3 =	vlt.u32 v8, $0x40;
	v11 =	vand.u32 $0x380, v30  }
0x1a6: {  	v61 =	vld [tilespmem:s22+$0x8040];
	v2 =	vshll.u32 v1, v2;
	v62 =	vand.u32 $0xFFFFF000, v60;
	v20 =	vshll.u32 v10, $0x7  }
0x1a7: {  	v63 =	vld [tilespmem:s22+$0xC060];
	v21 =	vand.u32 $0xFFFFF000, v21;
	v31 =	vsub.s32 v10, v0;
	v20 =	vand.u32 $0x380, v20  }
0x1a8: {  	v36 =	vld [tilespmem:s22+$0xC070];
	v32 =	vor.u32 v14, v21;
	v33 =	vsub.s32 v9, v0;
	v34 =	vshll.u32 v9, $0x7  }
0x1a9: {  	v25 =	vld [tilespmem:s22+$0x8060];
	v11 =	vor.u32 v11, v62;
	v24 =	vshll.u32 v31, $0x9;
	vm7 =	vlt.u32 v31, $0x40  }
0x1aa: {  	v37 =	vld [tilespmem:s22+$0x8070];
	v22 =	vshll.u32 v33, $0x9;
	v9 =	vand.u32 $0x380, v34;
	v6 =	vor.u32 v6, v11  }
0x1ab: {  	v46 =	vld [tilespmem:s22+$0x8050];
	vm5 =	vlt.u32 v33, $0x40;
	v43 =	vand.u32 $0xFFFFF000, v24;
	v35 =	vand.u32 $0x7F, v61  }
0x1ac: {  	v23 =	vsub.s32 v63, v0;
	v26 =	vshra.s32 v61, $0x6;
	v6 =	vor.u32 v7, v6  }
0x1ad: {  	v40 =	vshll.u32 v63, $0x7;
	v41 =	vshll.u32 v61, $0x3;
	v42 =	vsub.s32 v36, v0  }
0x1ae: {  	v44 =	vand.u32 $0x7F, v25;
	v18 =	vor.u32 v20, v43;
	v45 =	vand.u32 $0xFFFFF000, v22  }
0x1af: {  	v48 =	vand.u32 $0x7F, v37;
	v49 =	vshll.u32 v36, $0x7;
	v51 =	vshll.u32 v37, $0x3  }
0x1b0: {  	v52 =	vshll.u32 v46, $0x3;
	v53 =	vand.u32 $0x7F, v46;
	v54 =	vshll.u32 v25, $0x3  }
0x1b1: {  	v27 =	vshll.u32 v23, $0x9;
	v38 =	vor.u32 v35, v32;
	vm4 =	vlt.u32 v23, $0x40  }
0x1b2: {  	v47 =	vshll.u32 v42, $0x9;
	v10 =	vand.u32 $0xC00, v41;
	v3 =	vor.u32 v3, v18  }
0x1b3: {  	vm6 =	vlt.u32 v42, $0x40;
	v14 =	vand.u32 $0x380, v49;
	v3 =	vor.u32 v4, v3  }
0x1b4: {  	v17 =	vand.u32 $0x380, v40;
	v9 =	vor.u32 v9, v45;
	v39 =	vand.u32 $0xFFFFF000, v27  }
0x1b5: {  	v23 =	vand.u32 $0xFFFFF000, v47;
	v7 =	vor.u32 v10, v38;
	v9 =	vor.u32 v53, v9  }
0x1b6: {  	v50 =	vor.u32 v14, v23;
	v8 =	vor.u32 v17, v39;
	v14 =	vand.u32 $0xC00, v52  }
0x1b7: {  	[tilespmem:v5+s15+$0x0] =	vst.idx.add.s32.msk vm1, v2;
	v55 =	vand.u32 $0xC00, v54;
	v2 =	vor.u32 v14, v9;
	v8 =	vor.u32 v44, v8  }
0x1b8: {  	v56 =	vand.u32 $0xC00, v51;
	v4 =	vor.u32 v48, v50;
	[tilespmem:v3+s15+$0x0] =	vst.idx.add.s32.msk vm7, v59;
	v3 =	vor.u32 v55, v8  }
0x1b9: {  	v57 =	vshra.s32 v46, $0x6;
	v58 =	vand.u32 $0xFFFFFFF8, v26;
	v4 =	vor.u32 v56, v4;
	[tilespmem:v6+s15+$0x0] =	vst.idx.add.s32.msk vm2, v16  }
0x1ba: {  	v60 =	vand.u32 $0xFFFFFFF8, v57;
	v61 =	vshll.u32 v1, v58;
	v59 =	vshra.s32 v25, $0x6;
	[tilespmem:v13+s15+$0x0] =	vst.idx.add.s32.msk vm0, v12  }
0x1bb: {  	v62 =	vshra.s32 v37, $0x6;
	v5 =	vand.u32 $0xFFFFFFF8, v59;
	v6 =	vshll.u32 v1, v60;
	[tilespmem:v7+s15+$0x0] =	vst.idx.add.s32.msk vm3, v61  }
0x1bc: {  	s21 =	sadd.s32 $0x1, s21;
	v63 =	vand.u32 $0xFFFFFFF8, v62;
	v5 =	vshll.u32 v1, v5;
	[tilespmem:v2+s15+$0x0] =	vst.idx.add.s32.msk vm5, v6  }
0x1bd: {  	p0 =	sne.s32 s21, s13;
	v2 =	vshll.u32 v1, v63;
	[tilespmem:v3+s15+$0x0] =	vst.idx.add.s32.msk vm4, v5  }
.Ltmp4:
0x1be: {  	[tilespmem:v4+s15+$0x0] =	vst.idx.add.s32.msk vm6, v2;
	(pc) =	sbr.rel @p0 .LBB2_1-.Ltmp4, $4  }
0x1bf: {  	[hbm4b:s12+s3] =	stream.linear.scatter [tilespmem:s15], [sflag:$0x3], $0x8000, $0x38;
	[tilespmem:$0x18000] =	vst v63  }
0x1c0: {  	_ =	swait.ge [sflag:s16], $0x8000  }
0x1c1: {  	[sflag:s16] =	ssyncset.done $0x0  }
0x1c2: {  	[sflag:s16] =	ssyncadd.s32 $0xFFFF8000  }
0x1c3: {  	_ =	sfence.sel $0x180000  }
0x1c4: {  	[bflag:$0x0] =	sbarrier.arrive $0xFFFF  }
0x1c5: {  	p0 =	sne.s32 s2, $0x0;
	_ =	strace $0x90000047  }
0x1c6: {  	s0 =	sadd.s32 @!p0 $0x100000, s0;
	[bflag:$0x2] =	sbarrier.arrive $0xFFFF  }
0x1c7: {  	[sflag:s0] =	ssyncadd.tile.s32 @!p0 $0x1;
	_ =	shalt  }
.Lfunc_end2:
_tile_overlayer_lowered:
.L_overlay_start_2:
0x1c8: {  	(tag) =	ssettag $0x2  }
0x1c9: {  	s0 =	rddreg [dreg:$0x0];
	s2 =	stileid.u32  }
0x1ca: {  	s1 =	rddreg [dreg:$0x1];
	p0 =	sne.s32 s2, $0x0  }
0x1cb: {  	s3 =	rddreg [dreg:$0x2];
	[bflag:$0x3] =	sbarrier.arrive $0xFFFF;
	s2 =	simm.s32 @!p0 $0x1C03  }
0x1cc: {  	[timem:s3], [sflag:s2] =	dma.local @!p0 [hbm:s0], s1  }
0x1cd: {  	s0 =	simm.s32 @!p0 $0x3  }
0x1ce: {  	_ =	swait.ge @!p0 [sflag:s0], s1  }
0x1cf: {  	s1 =	ssub.s32 @!p0 $0x0, s1;
	[sflag:s0] =	ssyncset.done @!p0 $0x0  }
0x1d0: {  	[sflag:s0] =	ssyncadd.s32 @!p0 s1  }
0x1d1: {  	[bflag:$0x3] =	sbarrier.arrive $0xFFFF  }
0x1d2: {  	_ =	shalt  }

</sc_bundles>
